<compile_context>
chip_gen: v7x
topology: tpu7x:2x2x1
jax: 0.10.2.dev20260603
libtpu: 0.0.44.dev20260713+nightly
codegen_flags: <defaults>
</compile_context>

<pallas_src>
import jax
import jax.numpy as jnp
from jax import lax
from jax.experimental import pallas as pl
from jax.experimental.pallas import tpu as pltpu
from jax.experimental.pallas import tpu_sc as plsc

DIM = 32
FIELDS = 26
NCAT = 1000000
NTILE_FULL = 7812
NPAIRS1 = 122
NF = 13
BBLK = 128
NBLK = 8
NPAIR2 = 6


def _transpose_kernel(tt_hbm, tail_hbm, t4_hbm,
                      in0, in1, out0, out1, isem0, isem1, osem0, osem1):
    w = lax.axis_index("s") * 2 + lax.axis_index("c")
    iota = lax.iota(jnp.int32, 16)
    jt16 = (iota, iota + 16)
    ins = (in0, in1)
    outs = (out0, out1)
    isem = (isem0, isem1)
    osem = (osem0, osem1)

    def fire_in(n, pb):
        it = w + 32 * n
        i0 = pl.multiple_of(it * 128, 128)
        pltpu.async_copy(tt_hbm.at[:, pl.ds(i0, 128)], ins[pb], isem[pb])

    def drain_in(n, pb):
        it = w + 32 * n
        i0 = pl.multiple_of(it * 128, 128)
        pltpu.make_async_copy(tt_hbm.at[:, pl.ds(i0, 128)], ins[pb],
                              isem[pb]).wait()

    def extract(pb):
        in_f = ins[pb]
        out_f = outs[pb]

        @plsc.parallel_loop(0, 128, unroll=8)
        def _(c):
            c16 = jnp.full((16,), 0, jnp.int32) + c
            for half in range(2):
                vals = plsc.load_gather(in_f, [jt16[half], c16])
                pos = c * 32 + half * 16
                r = lax.shift_right_logical(pos, 7)
                col = pl.multiple_of(jnp.bitwise_and(pos, 127), 16)
                out_f[r, pl.ds(col, 16)] = vals

    def fire_out(n, pb):
        it = w + 32 * n
        pltpu.async_copy(outs[pb], t4_hbm.at[pl.ds(it * 32, 32), :], osem[pb])

    def wait_out(n, pb):
        it = w + 32 * n
        pltpu.make_async_copy(outs[pb], t4_hbm.at[pl.ds(it * 32, 32), :],
                              osem[pb]).wait()

    fire_in(0, 0)

    def pair_body(i, carry):
        n0 = 2 * i
        fire_in(n0 + 1, 1)
        drain_in(n0, 0)

        @pl.when(i > 0)
        def _():
            wait_out(n0 - 2, 0)
        extract(0)
        fire_out(n0, 0)

        @pl.when(i < NPAIRS1 - 1)
        def _():
            fire_in(n0 + 2, 0)
        drain_in(n0 + 1, 1)

        @pl.when(i > 0)
        def _():
            wait_out(n0 - 1, 1)
        extract(1)
        fire_out(n0 + 1, 1)
        return carry

    lax.fori_loop(0, NPAIRS1, pair_body, 0)
    wait_out(2 * NPAIRS1 - 2, 0)
    wait_out(2 * NPAIRS1 - 1, 1)

    @pl.when(w < 4)
    def _():
        fire_in(244, 0)
        drain_in(244, 0)
        extract(0)
        fire_out(244, 0)
        wait_out(244, 0)

    @pl.when(w == 4)
    def _():
        pltpu.sync_copy(tail_hbm, out0.at[pl.ds(0, 16), :])
        pltpu.sync_copy(out0.at[pl.ds(0, 16), :],
                        t4_hbm.at[pl.ds(NTILE_FULL * 32, 16), :])


def _gather_kernel(tl_hbm, idx_hbm, out_hbm,
                   xi_v, r0, r1, rows0, rows1, stage0, stage1,
                   gsem0, gsem1, ssem0, ssem1):
    w = lax.axis_index("s") * 2 + lax.axis_index("c")
    h = w // 16
    bg = w % 16
    f0 = h * NF
    rbuf = (r0, r1)
    rows = (rows0, rows1)
    gsem = (gsem0, gsem1)
    stage = (stage0, stage1)
    ssem = (ssem0, ssem1)
    iota = lax.iota(jnp.int32, 16)

    def build_r(f, pb):
        r_v = rbuf[pb]

        @plsc.parallel_loop(0, BBLK // 16, unroll=4)
        def _(g):
            g16 = pl.multiple_of(g * 16, 16)
            p16 = (iota + g16) * FIELDS + (f0 + f)
            r_v[pl.ds(g16, 16)] = plsc.load_gather(xi_v, [p16])

    def issue(pb):
        pltpu.async_copy(tl_hbm.at[rbuf[pb]], rows[pb], gsem[pb])

    def wait(pb):
        pltpu.make_async_copy(tl_hbm.at[rbuf[pb]], rows[pb], gsem[pb]).wait()

    def wait_stage(bt, pb):
        pltpu.make_async_copy(stage[pb], out_hbm.at[f0, :, bt, :, :],
                              ssem[pb]).wait()

    def extract(f, bt, pb):
        rows_b = rows[pb]
        stage_v = stage[pb]

        @plsc.parallel_loop(0, DIM, unroll=4)
        def _(d):
            d16 = jnp.full((16,), 0, jnp.int32) + d
            dr = lax.shift_right_logical(d, 3)
            dj = jnp.bitwise_and(d, 7)
            for g in range(BBLK // 16):
                stage_v[dr, dj, pl.ds(g * 16, 16)] = plsc.load_gather(
                    rows_b, [iota + g * 16, d16])
        pltpu.async_copy(stage_v, out_hbm.at[f0 + f, :, bt, :, :], ssem[pb])

    def block_body(blk, carry):
        bb0 = bg * (NBLK * BBLK) + blk * BBLK
        bt = bg * NBLK + blk
        pltpu.sync_copy(idx_hbm.at[pl.ds(bb0 * FIELDS, BBLK * FIELDS)], xi_v)

        build_r(0, 0)
        issue(0)

        def pair_body(i, carry2):
            c = 2 * i
            build_r(c + 1, 1)
            issue(1)
            wait(0)

            @pl.when(i > 0)
            def _():
                wait_stage(bt, 0)
            extract(c, bt, 0)
            build_r(c + 2, 0)
            issue(0)
            wait(1)

            @pl.when(i > 0)
            def _():
                wait_stage(bt, 1)
            extract(c + 1, bt, 1)
            return carry2
        lax.fori_loop(0, NPAIR2, pair_body, 0)

        wait(0)
        wait_stage(bt, 0)
        extract(NF - 1, bt, 0)
        wait_stage(bt, 0)
        wait_stage(bt, 1)
        return carry

    lax.fori_loop(0, NBLK, block_body, 0)


def kernel(x, embedding):
    batch, fields = x.shape
    b = batch * fields
    tt = jnp.transpose(embedding)
    mesh = plsc.VectorSubcoreMesh(core_axis_name="c", subcore_axis_name="s")

    k1 = pl.kernel(
        _transpose_kernel,
        out_type=jax.ShapeDtypeStruct((250000, 128), jnp.float32),
        mesh=mesh,
        scratch_types=[
            pltpu.VMEM((32, 128), jnp.float32),
            pltpu.VMEM((32, 128), jnp.float32),
            pltpu.VMEM((32, 128), jnp.float32),
            pltpu.VMEM((32, 128), jnp.float32),
            pltpu.SemaphoreType.DMA,
            pltpu.SemaphoreType.DMA,
            pltpu.SemaphoreType.DMA,
            pltpu.SemaphoreType.DMA,
        ],
        compiler_params=pltpu.CompilerParams(
            use_tc_tiling_on_sc=True, needs_layout_passes=False),
    )
    tail16 = embedding[NTILE_FULL * 128:, :].reshape(16, 128)
    t4 = k1(tt, tail16)
    tl = t4.reshape(NCAT, DIM)

    k2 = pl.kernel(
        _gather_kernel,
        out_type=jax.ShapeDtypeStruct((FIELDS, 4, 128, 8, 128), jnp.float32),
        mesh=mesh,
        scratch_types=[
            pltpu.VMEM((BBLK * FIELDS,), jnp.int32),
            pltpu.VMEM((BBLK,), jnp.int32),
            pltpu.VMEM((BBLK,), jnp.int32),
            pltpu.VMEM((BBLK, DIM), jnp.float32),
            pltpu.VMEM((BBLK, DIM), jnp.float32),
            pltpu.VMEM((4, 8, BBLK), jnp.float32),
            pltpu.VMEM((4, 8, BBLK), jnp.float32),
            pltpu.SemaphoreType.DMA,
            pltpu.SemaphoreType.DMA,
            pltpu.SemaphoreType.DMA,
            pltpu.SemaphoreType.DMA,
        ],
        compiler_params=pltpu.CompilerParams(
            use_tc_tiling_on_sc=False, needs_layout_passes=False),
    )
    out5 = k2(tl, x.reshape(b))
    return jnp.transpose(out5, (2, 4, 0, 1, 3)).reshape(batch, fields, DIM)

# --- scband reference (transcript-rebuilt; emitter-appended) ---
"""Pipeline reference for scband-embedding-18519898980586 (READ-ONLY COPY).

The authoritative reference and input builder live on the scoring server;
editing this copy changes nothing except your own understanding.
"""

import jax, jax.numpy as jnp
import numpy as np

DIM = 32
NUM_CATEGORIES = 1000000
BATCH = 16384
FIELDS = 26


def setup_inputs(seed: int = 0) -> dict:
    key = jax.random.key(seed)
    k_idx, k_emb = jax.random.split(key)
    x = jax.random.randint(k_idx, (BATCH, FIELDS), 0, NUM_CATEGORIES, dtype=jnp.int64 if jax.config.jax_enable_x64 else jnp.int32).astype(jnp.int32)
    # kaiming_uniform_ with a=sqrt(5): bound = sqrt(6/((1+a^2)*fan_in)) = 1/sqrt(fan_in), fan_in=dim
    bound = 1.0 / np.sqrt(DIM)
    embedding = jax.random.uniform(k_emb, (NUM_CATEGORIES, DIM), dtype=jnp.float32, minval=-bound, maxval=bound)
    return {"x": x, "embedding": embedding}


def reference(x, embedding):
    # Faithful to torch: self.embedding[x] -> gather rows
    return jnp.take(embedding, x, axis=0)

if __name__ == "__main__":
    import jax
    _d = setup_inputs()
    print(jax.jit(kernel)(*tuple(_d.values())))

</pallas_src>

<mosaic_0001>
#map = affine_map<(d0, d1) -> (0, 0)>
module attributes {stable_mosaic.version = 14 : i64} {
  func.func @_transpose_kernel(%arg0: i32, %arg1: i32, %arg2: memref<32x1000000xf32, #tpu.memory_space<hbm>>, %arg3: memref<16x128xf32, #tpu.memory_space<hbm>>, %arg4: memref<250000x128xf32, #tpu.memory_space<hbm>>, %arg5: memref<32x128xf32, #tpu.memory_space<vmem>>, %arg6: memref<32x128xf32, #tpu.memory_space<vmem>>, %arg7: memref<32x128xf32, #tpu.memory_space<vmem>>, %arg8: memref<32x128xf32, #tpu.memory_space<vmem>>, %arg9: memref<!tpu.dma_semaphore, #tpu.memory_space<semaphore_mem>>, %arg10: memref<!tpu.dma_semaphore, #tpu.memory_space<semaphore_mem>>, %arg11: memref<!tpu.dma_semaphore, #tpu.memory_space<semaphore_mem>>, %arg12: memref<!tpu.dma_semaphore, #tpu.memory_space<semaphore_mem>>) attributes {dimension_semantics = [#tpu.dimension_semantics<core_parallel>, #tpu.dimension_semantics<subcore_parallel>], iteration_bounds = array<i64: 2, 16>, scalar_prefetch = 0 : i64, scratch_operands = 8 : i64, tpu.core_type = #tpu.core_type<sc_vector_subcore>, window_params = [{transform_indices = #map}, {transform_indices = #map}, {transform_indices = #map}]} {
    %mul3A = arith.constant 2 : i32
    %mul3A_0 = arith.muli %arg1, %mul3A : i32
    %add3A = arith.addi %mul3A_0, %arg0 : i32
    %iota3A = tpu.iota {dimensions = array<i32: 0>} : vector<16xi32>
    %add3A_1 = arith.constant 16 : i32
    %add3A_2 = vector.broadcast %add3A_1 : i32 to vector<16xi32>
    %add3A_3 = arith.addi %iota3A, %add3A_2 : vector<16xi32>
    %add3A_4 = arith.constant 0 : i32
    %add3A_5 = arith.addi %add3A, %add3A_4 : i32
    %mul3A_6 = arith.constant 128 : i32
    %mul3A_7 = arith.muli %add3A_5, %mul3A_6 : i32
    %multiple_of3A = tpu.assume_multiple %mul3A_7, 128 : i32
    %dma_start3A = arith.constant 0 : i32
    %dma_start3A_8 = tpu.memref_slice %arg2[%dma_start3A, %multiple_of3A] : memref<32x1000000xf32, #tpu.memory_space<hbm>> -> memref<32x128xf32, #tpu.memory_space<hbm>>
    %dma_start3A_9 = arith.constant 0 : i32
    %dma_start3A_10 = tpu.memref_slice %arg2[%dma_start3A_9, %multiple_of3A] : memref<32x1000000xf32, #tpu.memory_space<hbm>> -> memref<32x128xf32, #tpu.memory_space<hbm>>
    tpu.enqueue_dma source(%dma_start3A_10 : memref<32x128xf32, #tpu.memory_space<hbm>>) target(%arg5 : memref<32x128xf32, #tpu.memory_space<vmem>>) target_semaphore(%arg9 : memref<!tpu.dma_semaphore, #tpu.memory_space<semaphore_mem>>)
    %scan3A = arith.constant 0 : i32
    %scan3A_11 = arith.constant 0 : i32
    %scan3A_12 = arith.constant 122 : i32
    %scan3A_13 = arith.addi %scan3A_11, %scan3A_12 : i32
    %scan3A_14 = arith.constant 1 : i32
    scf.for %scan3A_37 = %scan3A_11 to %scan3A_13 step %scan3A_14  : i32 {
      %mul3A_38 = arith.constant 2 : i32
      %mul3A_39 = arith.muli %mul3A_38, %scan3A_37 : i32
      %add3A_40 = arith.constant 1 : i32
      %add3A_41 = arith.addi %mul3A_39, %add3A_40 : i32
      %mul3A_42 = arith.constant 32 : i32
      %mul3A_43 = arith.muli %mul3A_42, %add3A_41 : i32
      %add3A_44 = arith.addi %add3A, %mul3A_43 : i32
      %mul3A_45 = arith.constant 128 : i32
      %mul3A_46 = arith.muli %add3A_44, %mul3A_45 : i32
      %multiple_of3A_47 = tpu.assume_multiple %mul3A_46, 128 : i32
      %dma_start3A_48 = arith.constant 0 : i32
      %dma_start3A_49 = tpu.memref_slice %arg2[%dma_start3A_48, %multiple_of3A_47] : memref<32x1000000xf32, #tpu.memory_space<hbm>> -> memref<32x128xf32, #tpu.memory_space<hbm>>
      %dma_start3A_50 = arith.constant 0 : i32
      %dma_start3A_51 = tpu.memref_slice %arg2[%dma_start3A_50, %multiple_of3A_47] : memref<32x1000000xf32, #tpu.memory_space<hbm>> -> memref<32x128xf32, #tpu.memory_space<hbm>>
      tpu.enqueue_dma source(%dma_start3A_51 : memref<32x128xf32, #tpu.memory_space<hbm>>) target(%arg6 : memref<32x128xf32, #tpu.memory_space<vmem>>) target_semaphore(%arg10 : memref<!tpu.dma_semaphore, #tpu.memory_space<semaphore_mem>>)
      %mul3A_52 = arith.constant 32 : i32
      %mul3A_53 = arith.muli %mul3A_52, %mul3A_39 : i32
      %add3A_54 = arith.addi %add3A, %mul3A_53 : i32
      %mul3A_55 = arith.constant 128 : i32
      %mul3A_56 = arith.muli %add3A_54, %mul3A_55 : i32
      %multiple_of3A_57 = tpu.assume_multiple %mul3A_56, 128 : i32
      %dma_wait3A_58 = arith.constant 0 : i32
      %dma_wait3A_59 = tpu.memref_slice %arg2[%dma_wait3A_58, %multiple_of3A_57] : memref<32x1000000xf32, #tpu.memory_space<hbm>> -> memref<32x128xf32, #tpu.memory_space<hbm>>
      %dma_wait3A_60 = arith.constant 0 : i32
      %dma_wait3A_61 = tpu.memref_slice %arg2[%dma_wait3A_60, %multiple_of3A_57] : memref<32x1000000xf32, #tpu.memory_space<hbm>> -> memref<32x128xf32, #tpu.memory_space<hbm>>
      tpu.wait_dma2 semaphore(%arg9 : memref<!tpu.dma_semaphore, #tpu.memory_space<semaphore_mem>>) src(%dma_wait3A_61 : memref<32x128xf32, #tpu.memory_space<hbm>>) dst(%arg5 : memref<32x128xf32, #tpu.memory_space<vmem>>)
      %gt3A = arith.constant 0 : i32
      %gt3A_62 = arith.cmpi sgt, %scan3A_37, %gt3A : i32
      %convert_element_type3A_63 = arith.extui %gt3A_62 : i1 to i32
      %cond3A_64 = arith.constant 0 : i32
      %cond3A_65 = arith.cmpi ne, %convert_element_type3A_63, %cond3A_64 : i32
      scf.if %cond3A_65 {
        %sub3A = arith.constant 2 : i32
        %sub3A_113 = arith.subi %mul3A_39, %sub3A : i32
        %mul3A_114 = arith.constant 32 : i32
        %mul3A_115 = arith.muli %mul3A_114, %sub3A_113 : i32
        %add3A_116 = arith.addi %add3A, %mul3A_115 : i32
        %mul3A_117 = arith.constant 32 : i32
        %mul3A_118 = arith.muli %add3A_116, %mul3A_117 : i32
        %dma_wait3A_119 = arith.constant 0 : i32
        %dma_wait3A_120 = tpu.memref_slice %arg4[%mul3A_118, %dma_wait3A_119] : memref<250000x128xf32, #tpu.memory_space<hbm>> -> memref<32x128xf32, #tpu.memory_space<hbm>>
        %dma_wait3A_121 = arith.constant 0 : i32
        %dma_wait3A_122 = tpu.memref_slice %arg4[%mul3A_118, %dma_wait3A_121] : memref<250000x128xf32, #tpu.memory_space<hbm>> -> memref<32x128xf32, #tpu.memory_space<hbm>>
        tpu.wait_dma2 semaphore(%arg11 : memref<!tpu.dma_semaphore, #tpu.memory_space<semaphore_mem>>) src(%arg7 : memref<32x128xf32, #tpu.memory_space<vmem>>) dst(%dma_wait3A_122 : memref<32x128xf32, #tpu.memory_space<hbm>>)
      } else {
      }
      %parallel_loop3A = arith.constant 0 : i32
      %parallel_loop3A_66 = arith.constant 128 : i32
      %parallel_loop3A_67 = arith.constant 1 : i32
      scf.for %parallel_loop3A_113 = %parallel_loop3A to %parallel_loop3A_66 step %parallel_loop3A_67  : i32 {
        %parallel_loop3A_114 = arith.constant 0 : i32
        %parallel_loop3A_115 = vector.broadcast %parallel_loop3A_114 : i32 to vector<16xi32>
        %parallel_loop3A_116 = vector.broadcast %parallel_loop3A_113 : i32 to vector<16xi32>
        %parallel_loop3A_117 = arith.addi %parallel_loop3A_115, %parallel_loop3A_116 : vector<16xi32>
        %parallel_loop3A_118 = tpu.vector_load_idx %arg5[%iota3A, %parallel_loop3A_117] : memref<32x128xf32, #tpu.memory_space<vmem>>[vector<16xi32>, vector<16xi32>], vector<16xf32>,
        %parallel_loop3A_119 = arith.constant 32 : i32
        %parallel_loop3A_120 = arith.muli %parallel_loop3A_113, %parallel_loop3A_119 : i32
        %parallel_loop3A_121 = arith.constant 0 : i32
        %parallel_loop3A_122 = arith.addi %parallel_loop3A_120, %parallel_loop3A_121 : i32
        %parallel_loop3A_123 = arith.constant 7 : i32
        %parallel_loop3A_124 = arith.shrui %parallel_loop3A_122, %parallel_loop3A_123 : i32
        %parallel_loop3A_125 = arith.constant 127 : i32
        %parallel_loop3A_126 = arith.andi %parallel_loop3A_122, %parallel_loop3A_125 : i32
        %parallel_loop3A_127 = tpu.assume_multiple %parallel_loop3A_126, 16 : i32
        %parallel_loop3A_128 = arith.index_cast %parallel_loop3A_124 : i32 to index
        %parallel_loop3A_129 = arith.index_cast %parallel_loop3A_127 : i32 to index
        %parallel_loop3A_130 = tpu.vector_load %arg7[%parallel_loop3A_128, %parallel_loop3A_129] {strides = array<i32>} : memref<32x128xf32, #tpu.memory_space<vmem>>, vector<16xf32>,
        tpu.vector_store %arg7[%parallel_loop3A_128, %parallel_loop3A_129], %parallel_loop3A_118 {strides = array<i32>} : memref<32x128xf32, #tpu.memory_space<vmem>>, vector<16xf32>,
        %parallel_loop3A_131 = tpu.vector_load_idx %arg5[%add3A_3, %parallel_loop3A_117] : memref<32x128xf32, #tpu.memory_space<vmem>>[vector<16xi32>, vector<16xi32>], vector<16xf32>,
        %parallel_loop3A_132 = arith.constant 32 : i32
        %parallel_loop3A_133 = arith.muli %parallel_loop3A_113, %parallel_loop3A_132 : i32
        %parallel_loop3A_134 = arith.constant 16 : i32
        %parallel_loop3A_135 = arith.addi %parallel_loop3A_133, %parallel_loop3A_134 : i32
        %parallel_loop3A_136 = arith.constant 7 : i32
        %parallel_loop3A_137 = arith.shrui %parallel_loop3A_135, %parallel_loop3A_136 : i32
        %parallel_loop3A_138 = arith.constant 127 : i32
        %parallel_loop3A_139 = arith.andi %parallel_loop3A_135, %parallel_loop3A_138 : i32
        %parallel_loop3A_140 = tpu.assume_multiple %parallel_loop3A_139, 16 : i32
        %parallel_loop3A_141 = arith.index_cast %parallel_loop3A_137 : i32 to index
        %parallel_loop3A_142 = arith.index_cast %parallel_loop3A_140 : i32 to index
        %parallel_loop3A_143 = tpu.vector_load %arg7[%parallel_loop3A_141, %parallel_loop3A_142] {strides = array<i32>} : memref<32x128xf32, #tpu.memory_space<vmem>>, vector<16xf32>,
        tpu.vector_store %arg7[%parallel_loop3A_141, %parallel_loop3A_142], %parallel_loop3A_131 {strides = array<i32>} : memref<32x128xf32, #tpu.memory_space<vmem>>, vector<16xf32>,
      } {sc.loop_unroll_factor = 8 : i64, sc.parallel_access}
      %mul3A_68 = arith.constant 32 : i32
      %mul3A_69 = arith.muli %mul3A_68, %mul3A_39 : i32
      %add3A_70 = arith.addi %add3A, %mul3A_69 : i32
      %mul3A_71 = arith.constant 32 : i32
      %mul3A_72 = arith.muli %add3A_70, %mul3A_71 : i32
      %dma_start3A_73 = arith.constant 0 : i32
      %dma_start3A_74 = tpu.memref_slice %arg4[%mul3A_72, %dma_start3A_73] : memref<250000x128xf32, #tpu.memory_space<hbm>> -> memref<32x128xf32, #tpu.memory_space<hbm>>
      %dma_start3A_75 = arith.constant 0 : i32
      %dma_start3A_76 = tpu.memref_slice %arg4[%mul3A_72, %dma_start3A_75] : memref<250000x128xf32, #tpu.memory_space<hbm>> -> memref<32x128xf32, #tpu.memory_space<hbm>>
      tpu.enqueue_dma source(%arg7 : memref<32x128xf32, #tpu.memory_space<vmem>>) target(%dma_start3A_76 : memref<32x128xf32, #tpu.memory_space<hbm>>) target_semaphore(%arg11 : memref<!tpu.dma_semaphore, #tpu.memory_space<semaphore_mem>>)
      %lt3A_77 = arith.constant 121 : i32
      %lt3A_78 = arith.cmpi slt, %scan3A_37, %lt3A_77 : i32
      %convert_element_type3A_79 = arith.extui %lt3A_78 : i1 to i32
      %cond3A_80 = arith.constant 0 : i32
      %cond3A_81 = arith.cmpi ne, %convert_element_type3A_79, %cond3A_80 : i32
      scf.if %cond3A_81 {
        %add3A_113 = arith.constant 2 : i32
        %add3A_114 = arith.addi %mul3A_39, %add3A_113 : i32
        %mul3A_115 = arith.constant 32 : i32
        %mul3A_116 = arith.muli %mul3A_115, %add3A_114 : i32
        %add3A_117 = arith.addi %add3A, %mul3A_116 : i32
        %mul3A_118 = arith.constant 128 : i32
        %mul3A_119 = arith.muli %add3A_117, %mul3A_118 : i32
        %multiple_of3A_120 = tpu.assume_multiple %mul3A_119, 128 : i32
        %dma_start3A_121 = arith.constant 0 : i32
        %dma_start3A_122 = tpu.memref_slice %arg2[%dma_start3A_121, %multiple_of3A_120] : memref<32x1000000xf32, #tpu.memory_space<hbm>> -> memref<32x128xf32, #tpu.memory_space<hbm>>
        %dma_start3A_123 = arith.constant 0 : i32
        %dma_start3A_124 = tpu.memref_slice %arg2[%dma_start3A_123, %multiple_of3A_120] : memref<32x1000000xf32, #tpu.memory_space<hbm>> -> memref<32x128xf32, #tpu.memory_space<hbm>>
        tpu.enqueue_dma source(%dma_start3A_124 : memref<32x128xf32, #tpu.memory_space<hbm>>) target(%arg5 : memref<32x128xf32, #tpu.memory_space<vmem>>) target_semaphore(%arg9 : memref<!tpu.dma_semaphore, #tpu.memory_space<semaphore_mem>>)
      } else {
      }
      %add3A_82 = arith.constant 1 : i32
      %add3A_83 = arith.addi %mul3A_39, %add3A_82 : i32
      %mul3A_84 = arith.constant 32 : i32
      %mul3A_85 = arith.muli %mul3A_84, %add3A_83 : i32
      %add3A_86 = arith.addi %add3A, %mul3A_85 : i32
      %mul3A_87 = arith.constant 128 : i32
      %mul3A_88 = arith.muli %add3A_86, %mul3A_87 : i32
      %multiple_of3A_89 = tpu.assume_multiple %mul3A_88, 128 : i32
      %dma_wait3A_90 = arith.constant 0 : i32
      %dma_wait3A_91 = tpu.memref_slice %arg2[%dma_wait3A_90, %multiple_of3A_89] : memref<32x1000000xf32, #tpu.memory_space<hbm>> -> memref<32x128xf32, #tpu.memory_space<hbm>>
      %dma_wait3A_92 = arith.constant 0 : i32
      %dma_wait3A_93 = tpu.memref_slice %arg2[%dma_wait3A_92, %multiple_of3A_89] : memref<32x1000000xf32, #tpu.memory_space<hbm>> -> memref<32x128xf32, #tpu.memory_space<hbm>>
      tpu.wait_dma2 semaphore(%arg10 : memref<!tpu.dma_semaphore, #tpu.memory_space<semaphore_mem>>) src(%dma_wait3A_93 : memref<32x128xf32, #tpu.memory_space<hbm>>) dst(%arg6 : memref<32x128xf32, #tpu.memory_space<vmem>>)
      %gt3A_94 = arith.constant 0 : i32
      %gt3A_95 = arith.cmpi sgt, %scan3A_37, %gt3A_94 : i32
      %convert_element_type3A_96 = arith.extui %gt3A_95 : i1 to i32
      %cond3A_97 = arith.constant 0 : i32
      %cond3A_98 = arith.cmpi ne, %convert_element_type3A_96, %cond3A_97 : i32
      scf.if %cond3A_98 {
        %sub3A = arith.constant 1 : i32
        %sub3A_113 = arith.subi %mul3A_39, %sub3A : i32
        %mul3A_114 = arith.constant 32 : i32
        %mul3A_115 = arith.muli %mul3A_114, %sub3A_113 : i32
        %add3A_116 = arith.addi %add3A, %mul3A_115 : i32
        %mul3A_117 = arith.constant 32 : i32
        %mul3A_118 = arith.muli %add3A_116, %mul3A_117 : i32
        %dma_wait3A_119 = arith.constant 0 : i32
        %dma_wait3A_120 = tpu.memref_slice %arg4[%mul3A_118, %dma_wait3A_119] : memref<250000x128xf32, #tpu.memory_space<hbm>> -> memref<32x128xf32, #tpu.memory_space<hbm>>
        %dma_wait3A_121 = arith.constant 0 : i32
        %dma_wait3A_122 = tpu.memref_slice %arg4[%mul3A_118, %dma_wait3A_121] : memref<250000x128xf32, #tpu.memory_space<hbm>> -> memref<32x128xf32, #tpu.memory_space<hbm>>
        tpu.wait_dma2 semaphore(%arg12 : memref<!tpu.dma_semaphore, #tpu.memory_space<semaphore_mem>>) src(%arg8 : memref<32x128xf32, #tpu.memory_space<vmem>>) dst(%dma_wait3A_122 : memref<32x128xf32, #tpu.memory_space<hbm>>)
      } else {
      }
      %parallel_loop3A_99 = arith.constant 0 : i32
      %parallel_loop3A_100 = arith.constant 128 : i32
      %parallel_loop3A_101 = arith.constant 1 : i32
      scf.for %parallel_loop3A_113 = %parallel_loop3A_99 to %parallel_loop3A_100 step %parallel_loop3A_101  : i32 {
        %parallel_loop3A_114 = arith.constant 0 : i32
        %parallel_loop3A_115 = vector.broadcast %parallel_loop3A_114 : i32 to vector<16xi32>
        %parallel_loop3A_116 = vector.broadcast %parallel_loop3A_113 : i32 to vector<16xi32>
        %parallel_loop3A_117 = arith.addi %parallel_loop3A_115, %parallel_loop3A_116 : vector<16xi32>
        %parallel_loop3A_118 = tpu.vector_load_idx %arg6[%iota3A, %parallel_loop3A_117] : memref<32x128xf32, #tpu.memory_space<vmem>>[vector<16xi32>, vector<16xi32>], vector<16xf32>,
        %parallel_loop3A_119 = arith.constant 32 : i32
        %parallel_loop3A_120 = arith.muli %parallel_loop3A_113, %parallel_loop3A_119 : i32
        %parallel_loop3A_121 = arith.constant 0 : i32
        %parallel_loop3A_122 = arith.addi %parallel_loop3A_120, %parallel_loop3A_121 : i32
        %parallel_loop3A_123 = arith.constant 7 : i32
        %parallel_loop3A_124 = arith.shrui %parallel_loop3A_122, %parallel_loop3A_123 : i32
        %parallel_loop3A_125 = arith.constant 127 : i32
        %parallel_loop3A_126 = arith.andi %parallel_loop3A_122, %parallel_loop3A_125 : i32
        %parallel_loop3A_127 = tpu.assume_multiple %parallel_loop3A_126, 16 : i32
        %parallel_loop3A_128 = arith.index_cast %parallel_loop3A_124 : i32 to index
        %parallel_loop3A_129 = arith.index_cast %parallel_loop3A_127 : i32 to index
        %parallel_loop3A_130 = tpu.vector_load %arg8[%parallel_loop3A_128, %parallel_loop3A_129] {strides = array<i32>} : memref<32x128xf32, #tpu.memory_space<vmem>>, vector<16xf32>,
        tpu.vector_store %arg8[%parallel_loop3A_128, %parallel_loop3A_129], %parallel_loop3A_118 {strides = array<i32>} : memref<32x128xf32, #tpu.memory_space<vmem>>, vector<16xf32>,
        %parallel_loop3A_131 = tpu.vector_load_idx %arg6[%add3A_3, %parallel_loop3A_117] : memref<32x128xf32, #tpu.memory_space<vmem>>[vector<16xi32>, vector<16xi32>], vector<16xf32>,
        %parallel_loop3A_132 = arith.constant 32 : i32
        %parallel_loop3A_133 = arith.muli %parallel_loop3A_113, %parallel_loop3A_132 : i32
        %parallel_loop3A_134 = arith.constant 16 : i32
        %parallel_loop3A_135 = arith.addi %parallel_loop3A_133, %parallel_loop3A_134 : i32
        %parallel_loop3A_136 = arith.constant 7 : i32
        %parallel_loop3A_137 = arith.shrui %parallel_loop3A_135, %parallel_loop3A_136 : i32
        %parallel_loop3A_138 = arith.constant 127 : i32
        %parallel_loop3A_139 = arith.andi %parallel_loop3A_135, %parallel_loop3A_138 : i32
        %parallel_loop3A_140 = tpu.assume_multiple %parallel_loop3A_139, 16 : i32
        %parallel_loop3A_141 = arith.index_cast %parallel_loop3A_137 : i32 to index
        %parallel_loop3A_142 = arith.index_cast %parallel_loop3A_140 : i32 to index
        %parallel_loop3A_143 = tpu.vector_load %arg8[%parallel_loop3A_141, %parallel_loop3A_142] {strides = array<i32>} : memref<32x128xf32, #tpu.memory_space<vmem>>, vector<16xf32>,
        tpu.vector_store %arg8[%parallel_loop3A_141, %parallel_loop3A_142], %parallel_loop3A_131 {strides = array<i32>} : memref<32x128xf32, #tpu.memory_space<vmem>>, vector<16xf32>,
      } {sc.loop_unroll_factor = 8 : i64, sc.parallel_access}
      %add3A_102 = arith.constant 1 : i32
      %add3A_103 = arith.addi %mul3A_39, %add3A_102 : i32
      %mul3A_104 = arith.constant 32 : i32
      %mul3A_105 = arith.muli %mul3A_104, %add3A_103 : i32
      %add3A_106 = arith.addi %add3A, %mul3A_105 : i32
      %mul3A_107 = arith.constant 32 : i32
      %mul3A_108 = arith.muli %add3A_106, %mul3A_107 : i32
      %dma_start3A_109 = arith.constant 0 : i32
      %dma_start3A_110 = tpu.memref_slice %arg4[%mul3A_108, %dma_start3A_109] : memref<250000x128xf32, #tpu.memory_space<hbm>> -> memref<32x128xf32, #tpu.memory_space<hbm>>
      %dma_start3A_111 = arith.constant 0 : i32
      %dma_start3A_112 = tpu.memref_slice %arg4[%mul3A_108, %dma_start3A_111] : memref<250000x128xf32, #tpu.memory_space<hbm>> -> memref<32x128xf32, #tpu.memory_space<hbm>>
      tpu.enqueue_dma source(%arg8 : memref<32x128xf32, #tpu.memory_space<vmem>>) target(%dma_start3A_112 : memref<32x128xf32, #tpu.memory_space<hbm>>) target_semaphore(%arg12 : memref<!tpu.dma_semaphore, #tpu.memory_space<semaphore_mem>>)
    }
    %scan3A_15 = arith.constant 122 : i32
    %add3A_16 = arith.constant 7744 : i32
    %add3A_17 = arith.addi %add3A, %add3A_16 : i32
    %mul3A_18 = arith.constant 32 : i32
    %mul3A_19 = arith.muli %add3A_17, %mul3A_18 : i32
    %dma_wait3A = arith.constant 0 : i32
    %dma_wait3A_20 = tpu.memref_slice %arg4[%mul3A_19, %dma_wait3A] : memref<250000x128xf32, #tpu.memory_space<hbm>> -> memref<32x128xf32, #tpu.memory_space<hbm>>
    %dma_wait3A_21 = arith.constant 0 : i32
    %dma_wait3A_22 = tpu.memref_slice %arg4[%mul3A_19, %dma_wait3A_21] : memref<250000x128xf32, #tpu.memory_space<hbm>> -> memref<32x128xf32, #tpu.memory_space<hbm>>
    tpu.wait_dma2 semaphore(%arg11 : memref<!tpu.dma_semaphore, #tpu.memory_space<semaphore_mem>>) src(%arg7 : memref<32x128xf32, #tpu.memory_space<vmem>>) dst(%dma_wait3A_22 : memref<32x128xf32, #tpu.memory_space<hbm>>)
    %add3A_23 = arith.constant 7776 : i32
    %add3A_24 = arith.addi %add3A, %add3A_23 : i32
    %mul3A_25 = arith.constant 32 : i32
    %mul3A_26 = arith.muli %add3A_24, %mul3A_25 : i32
    %dma_wait3A_27 = arith.constant 0 : i32
    %dma_wait3A_28 = tpu.memref_slice %arg4[%mul3A_26, %dma_wait3A_27] : memref<250000x128xf32, #tpu.memory_space<hbm>> -> memref<32x128xf32, #tpu.memory_space<hbm>>
    %dma_wait3A_29 = arith.constant 0 : i32
    %dma_wait3A_30 = tpu.memref_slice %arg4[%mul3A_26, %dma_wait3A_29] : memref<250000x128xf32, #tpu.memory_space<hbm>> -> memref<32x128xf32, #tpu.memory_space<hbm>>
    tpu.wait_dma2 semaphore(%arg12 : memref<!tpu.dma_semaphore, #tpu.memory_space<semaphore_mem>>) src(%arg8 : memref<32x128xf32, #tpu.memory_space<vmem>>) dst(%dma_wait3A_30 : memref<32x128xf32, #tpu.memory_space<hbm>>)
    %lt3A = arith.constant 4 : i32
    %lt3A_31 = arith.cmpi slt, %add3A, %lt3A : i32
    %convert_element_type3A = arith.extui %lt3A_31 : i1 to i32
    %cond3A = arith.constant 0 : i32
    %cond3A_32 = arith.cmpi ne, %convert_element_type3A, %cond3A : i32
    scf.if %cond3A_32 {
      %add3A_37 = arith.constant 7808 : i32
      %add3A_38 = arith.addi %add3A, %add3A_37 : i32
      %mul3A_39 = arith.constant 128 : i32
      %mul3A_40 = arith.muli %add3A_38, %mul3A_39 : i32
      %multiple_of3A_41 = tpu.assume_multiple %mul3A_40, 128 : i32
      %dma_start3A_42 = arith.constant 0 : i32
      %dma_start3A_43 = tpu.memref_slice %arg2[%dma_start3A_42, %multiple_of3A_41] : memref<32x1000000xf32, #tpu.memory_space<hbm>> -> memref<32x128xf32, #tpu.memory_space<hbm>>
      %dma_start3A_44 = arith.constant 0 : i32
      %dma_start3A_45 = tpu.memref_slice %arg2[%dma_start3A_44, %multiple_of3A_41] : memref<32x1000000xf32, #tpu.memory_space<hbm>> -> memref<32x128xf32, #tpu.memory_space<hbm>>
      tpu.enqueue_dma source(%dma_start3A_45 : memref<32x128xf32, #tpu.memory_space<hbm>>) target(%arg5 : memref<32x128xf32, #tpu.memory_space<vmem>>) target_semaphore(%arg9 : memref<!tpu.dma_semaphore, #tpu.memory_space<semaphore_mem>>)
      %add3A_46 = arith.constant 7808 : i32
      %add3A_47 = arith.addi %add3A, %add3A_46 : i32
      %mul3A_48 = arith.constant 128 : i32
      %mul3A_49 = arith.muli %add3A_47, %mul3A_48 : i32
      %multiple_of3A_50 = tpu.assume_multiple %mul3A_49, 128 : i32
      %dma_wait3A_51 = arith.constant 0 : i32
      %dma_wait3A_52 = tpu.memref_slice %arg2[%dma_wait3A_51, %multiple_of3A_50] : memref<32x1000000xf32, #tpu.memory_space<hbm>> -> memref<32x128xf32, #tpu.memory_space<hbm>>
      %dma_wait3A_53 = arith.constant 0 : i32
      %dma_wait3A_54 = tpu.memref_slice %arg2[%dma_wait3A_53, %multiple_of3A_50] : memref<32x1000000xf32, #tpu.memory_space<hbm>> -> memref<32x128xf32, #tpu.memory_space<hbm>>
      tpu.wait_dma2 semaphore(%arg9 : memref<!tpu.dma_semaphore, #tpu.memory_space<semaphore_mem>>) src(%dma_wait3A_54 : memref<32x128xf32, #tpu.memory_space<hbm>>) dst(%arg5 : memref<32x128xf32, #tpu.memory_space<vmem>>)
      %parallel_loop3A = arith.constant 0 : i32
      %parallel_loop3A_55 = arith.constant 128 : i32
      %parallel_loop3A_56 = arith.constant 1 : i32
      scf.for %parallel_loop3A_73 = %parallel_loop3A to %parallel_loop3A_55 step %parallel_loop3A_56  : i32 {
        %parallel_loop3A_74 = arith.constant 0 : i32
        %parallel_loop3A_75 = vector.broadcast %parallel_loop3A_74 : i32 to vector<16xi32>
        %parallel_loop3A_76 = vector.broadcast %parallel_loop3A_73 : i32 to vector<16xi32>
        %parallel_loop3A_77 = arith.addi %parallel_loop3A_75, %parallel_loop3A_76 : vector<16xi32>
        %parallel_loop3A_78 = tpu.vector_load_idx %arg5[%iota3A, %parallel_loop3A_77] : memref<32x128xf32, #tpu.memory_space<vmem>>[vector<16xi32>, vector<16xi32>], vector<16xf32>,
        %parallel_loop3A_79 = arith.constant 32 : i32
        %parallel_loop3A_80 = arith.muli %parallel_loop3A_73, %parallel_loop3A_79 : i32
        %parallel_loop3A_81 = arith.constant 0 : i32
        %parallel_loop3A_82 = arith.addi %parallel_loop3A_80, %parallel_loop3A_81 : i32
        %parallel_loop3A_83 = arith.constant 7 : i32
        %parallel_loop3A_84 = arith.shrui %parallel_loop3A_82, %parallel_loop3A_83 : i32
        %parallel_loop3A_85 = arith.constant 127 : i32
        %parallel_loop3A_86 = arith.andi %parallel_loop3A_82, %parallel_loop3A_85 : i32
        %parallel_loop3A_87 = tpu.assume_multiple %parallel_loop3A_86, 16 : i32
        %parallel_loop3A_88 = arith.index_cast %parallel_loop3A_84 : i32 to index
        %parallel_loop3A_89 = arith.index_cast %parallel_loop3A_87 : i32 to index
        %parallel_loop3A_90 = tpu.vector_load %arg7[%parallel_loop3A_88, %parallel_loop3A_89] {strides = array<i32>} : memref<32x128xf32, #tpu.memory_space<vmem>>, vector<16xf32>,
        tpu.vector_store %arg7[%parallel_loop3A_88, %parallel_loop3A_89], %parallel_loop3A_78 {strides = array<i32>} : memref<32x128xf32, #tpu.memory_space<vmem>>, vector<16xf32>,
        %parallel_loop3A_91 = tpu.vector_load_idx %arg5[%add3A_3, %parallel_loop3A_77] : memref<32x128xf32, #tpu.memory_space<vmem>>[vector<16xi32>, vector<16xi32>], vector<16xf32>,
        %parallel_loop3A_92 = arith.constant 32 : i32
        %parallel_loop3A_93 = arith.muli %parallel_loop3A_73, %parallel_loop3A_92 : i32
        %parallel_loop3A_94 = arith.constant 16 : i32
        %parallel_loop3A_95 = arith.addi %parallel_loop3A_93, %parallel_loop3A_94 : i32
        %parallel_loop3A_96 = arith.constant 7 : i32
        %parallel_loop3A_97 = arith.shrui %parallel_loop3A_95, %parallel_loop3A_96 : i32
        %parallel_loop3A_98 = arith.constant 127 : i32
        %parallel_loop3A_99 = arith.andi %parallel_loop3A_95, %parallel_loop3A_98 : i32
        %parallel_loop3A_100 = tpu.assume_multiple %parallel_loop3A_99, 16 : i32
        %parallel_loop3A_101 = arith.index_cast %parallel_loop3A_97 : i32 to index
        %parallel_loop3A_102 = arith.index_cast %parallel_loop3A_100 : i32 to index
        %parallel_loop3A_103 = tpu.vector_load %arg7[%parallel_loop3A_101, %parallel_loop3A_102] {strides = array<i32>} : memref<32x128xf32, #tpu.memory_space<vmem>>, vector<16xf32>,
        tpu.vector_store %arg7[%parallel_loop3A_101, %parallel_loop3A_102], %parallel_loop3A_91 {strides = array<i32>} : memref<32x128xf32, #tpu.memory_space<vmem>>, vector<16xf32>,
      } {sc.loop_unroll_factor = 8 : i64, sc.parallel_access}
      %add3A_57 = arith.constant 7808 : i32
      %add3A_58 = arith.addi %add3A, %add3A_57 : i32
      %mul3A_59 = arith.constant 32 : i32
      %mul3A_60 = arith.muli %add3A_58, %mul3A_59 : i32
      %dma_start3A_61 = arith.constant 0 : i32
      %dma_start3A_62 = tpu.memref_slice %arg4[%mul3A_60, %dma_start3A_61] : memref<250000x128xf32, #tpu.memory_space<hbm>> -> memref<32x128xf32, #tpu.memory_space<hbm>>
      %dma_start3A_63 = arith.constant 0 : i32
      %dma_start3A_64 = tpu.memref_slice %arg4[%mul3A_60, %dma_start3A_63] : memref<250000x128xf32, #tpu.memory_space<hbm>> -> memref<32x128xf32, #tpu.memory_space<hbm>>
      tpu.enqueue_dma source(%arg7 : memref<32x128xf32, #tpu.memory_space<vmem>>) target(%dma_start3A_64 : memref<32x128xf32, #tpu.memory_space<hbm>>) target_semaphore(%arg11 : memref<!tpu.dma_semaphore, #tpu.memory_space<semaphore_mem>>)
      %add3A_65 = arith.constant 7808 : i32
      %add3A_66 = arith.addi %add3A, %add3A_65 : i32
      %mul3A_67 = arith.constant 32 : i32
      %mul3A_68 = arith.muli %add3A_66, %mul3A_67 : i32
      %dma_wait3A_69 = arith.constant 0 : i32
      %dma_wait3A_70 = tpu.memref_slice %arg4[%mul3A_68, %dma_wait3A_69] : memref<250000x128xf32, #tpu.memory_space<hbm>> -> memref<32x128xf32, #tpu.memory_space<hbm>>
      %dma_wait3A_71 = arith.constant 0 : i32
      %dma_wait3A_72 = tpu.memref_slice %arg4[%mul3A_68, %dma_wait3A_71] : memref<250000x128xf32, #tpu.memory_space<hbm>> -> memref<32x128xf32, #tpu.memory_space<hbm>>
      tpu.wait_dma2 semaphore(%arg11 : memref<!tpu.dma_semaphore, #tpu.memory_space<semaphore_mem>>) src(%arg7 : memref<32x128xf32, #tpu.memory_space<vmem>>) dst(%dma_wait3A_72 : memref<32x128xf32, #tpu.memory_space<hbm>>)
    } else {
    }
    %eq3A = arith.constant 4 : i32
    %eq3A_33 = arith.cmpi eq, %add3A, %eq3A : i32
    %convert_element_type3A_34 = arith.extui %eq3A_33 : i1 to i32
    %cond3A_35 = arith.constant 0 : i32
    %cond3A_36 = arith.cmpi ne, %convert_element_type3A_34, %cond3A_35 : i32
    scf.if %cond3A_36 {
      "tpu.region"() ({
        %run_scoped3A = tpu.sem_alloc : memref<!tpu.dma_semaphore, #tpu.memory_space<semaphore_mem>>
        %dma_start3A_37 = arith.constant 0 : i32
        %dma_start3A_38 = arith.constant 0 : i32
        %dma_start3A_39 = tpu.memref_slice %arg7[%dma_start3A_37, %dma_start3A_38] : memref<32x128xf32, #tpu.memory_space<vmem>> -> memref<16x128xf32, #tpu.memory_space<vmem>>
        %dma_start3A_40 = arith.constant 0 : i32
        %dma_start3A_41 = arith.constant 0 : i32
        %dma_start3A_42 = tpu.memref_slice %arg7[%dma_start3A_40, %dma_start3A_41] : memref<32x128xf32, #tpu.memory_space<vmem>> -> memref<16x128xf32, #tpu.memory_space<vmem>>
        tpu.enqueue_dma source(%arg3 : memref<16x128xf32, #tpu.memory_space<hbm>>) target(%dma_start3A_42 : memref<16x128xf32, #tpu.memory_space<vmem>>) target_semaphore(%run_scoped3A : memref<!tpu.dma_semaphore, #tpu.memory_space<semaphore_mem>>)
        %dma_wait3A_43 = arith.constant 0 : i32
        %dma_wait3A_44 = arith.constant 0 : i32
        %dma_wait3A_45 = tpu.memref_slice %arg7[%dma_wait3A_43, %dma_wait3A_44] : memref<32x128xf32, #tpu.memory_space<vmem>> -> memref<16x128xf32, #tpu.memory_space<vmem>>
        %dma_wait3A_46 = arith.constant 0 : i32
        %dma_wait3A_47 = arith.constant 0 : i32
        %dma_wait3A_48 = tpu.memref_slice %arg7[%dma_wait3A_46, %dma_wait3A_47] : memref<32x128xf32, #tpu.memory_space<vmem>> -> memref<16x128xf32, #tpu.memory_space<vmem>>
        tpu.wait_dma2 semaphore(%run_scoped3A : memref<!tpu.dma_semaphore, #tpu.memory_space<semaphore_mem>>) src(%arg3 : memref<16x128xf32, #tpu.memory_space<hbm>>) dst(%dma_wait3A_48 : memref<16x128xf32, #tpu.memory_space<vmem>>)
        tpu.yield
      }) : () -> ()
      "tpu.region"() ({
        %run_scoped3A = tpu.sem_alloc : memref<!tpu.dma_semaphore, #tpu.memory_space<semaphore_mem>>
        %dma_start3A_37 = arith.constant 0 : i32
        %dma_start3A_38 = arith.constant 0 : i32
        %dma_start3A_39 = tpu.memref_slice %arg7[%dma_start3A_37, %dma_start3A_38] : memref<32x128xf32, #tpu.memory_space<vmem>> -> memref<16x128xf32, #tpu.memory_space<vmem>>
        %dma_start3A_40 = arith.constant 249984 : i32
        %dma_start3A_41 = arith.constant 0 : i32
        %dma_start3A_42 = tpu.memref_slice %arg4[%dma_start3A_40, %dma_start3A_41] : memref<250000x128xf32, #tpu.memory_space<hbm>> -> memref<16x128xf32, #tpu.memory_space<hbm>>
        %dma_start3A_43 = arith.constant 249984 : i32
        %dma_start3A_44 = arith.constant 0 : i32
        %dma_start3A_45 = tpu.memref_slice %arg4[%dma_start3A_43, %dma_start3A_44] : memref<250000x128xf32, #tpu.memory_space<hbm>> -> memref<16x128xf32, #tpu.memory_space<hbm>>
        %dma_start3A_46 = arith.constant 0 : i32
        %dma_start3A_47 = arith.constant 0 : i32
        %dma_start3A_48 = tpu.memref_slice %arg7[%dma_start3A_46, %dma_start3A_47] : memref<32x128xf32, #tpu.memory_space<vmem>> -> memref<16x128xf32, #tpu.memory_space<vmem>>
        tpu.enqueue_dma source(%dma_start3A_48 : memref<16x128xf32, #tpu.memory_space<vmem>>) target(%dma_start3A_45 : memref<16x128xf32, #tpu.memory_space<hbm>>) target_semaphore(%run_scoped3A : memref<!tpu.dma_semaphore, #tpu.memory_space<semaphore_mem>>)
        %dma_wait3A_49 = arith.constant 0 : i32
        %dma_wait3A_50 = arith.constant 0 : i32
        %dma_wait3A_51 = tpu.memref_slice %arg7[%dma_wait3A_49, %dma_wait3A_50] : memref<32x128xf32, #tpu.memory_space<vmem>> -> memref<16x128xf32, #tpu.memory_space<vmem>>
        %dma_wait3A_52 = arith.constant 249984 : i32
        %dma_wait3A_53 = arith.constant 0 : i32
        %dma_wait3A_54 = tpu.memref_slice %arg4[%dma_wait3A_52, %dma_wait3A_53] : memref<250000x128xf32, #tpu.memory_space<hbm>> -> memref<16x128xf32, #tpu.memory_space<hbm>>
        %dma_wait3A_55 = arith.constant 249984 : i32
        %dma_wait3A_56 = arith.constant 0 : i32
        %dma_wait3A_57 = tpu.memref_slice %arg4[%dma_wait3A_55, %dma_wait3A_56] : memref<250000x128xf32, #tpu.memory_space<hbm>> -> memref<16x128xf32, #tpu.memory_space<hbm>>
        %dma_wait3A_58 = arith.constant 0 : i32
        %dma_wait3A_59 = arith.constant 0 : i32
        %dma_wait3A_60 = tpu.memref_slice %arg7[%dma_wait3A_58, %dma_wait3A_59] : memref<32x128xf32, #tpu.memory_space<vmem>> -> memref<16x128xf32, #tpu.memory_space<vmem>>
        tpu.wait_dma2 semaphore(%run_scoped3A : memref<!tpu.dma_semaphore, #tpu.memory_space<semaphore_mem>>) src(%dma_wait3A_60 : memref<16x128xf32, #tpu.memory_space<vmem>>) dst(%dma_wait3A_57 : memref<16x128xf32, #tpu.memory_space<hbm>>)
        tpu.yield
      }) : () -> ()
    } else {
    }
    return
  }
}

#map = affine_map<(d0, d1) -> (0, 0)>
#map1 = affine_map<(d0, d1) -> (0)>
#map2 = affine_map<(d0, d1) -> (0, 0, 0, 0, 0)>
module attributes {stable_mosaic.version = 14 : i64} {
  func.func @_gather_kernel(%arg0: i32, %arg1: i32, %arg2: memref<1000000x32xf32, #tpu.memory_space<hbm>>, %arg3: memref<425984xi32, #tpu.memory_space<hbm>>, %arg4: memref<26x4x128x8x128xf32, #tpu.memory_space<hbm>>, %arg5: memref<3328xi32, #tpu.memory_space<vmem>>, %arg6: memref<128xi32, #tpu.memory_space<vmem>>, %arg7: memref<128xi32, #tpu.memory_space<vmem>>, %arg8: memref<128x32xf32, #tpu.memory_space<vmem>>, %arg9: memref<128x32xf32, #tpu.memory_space<vmem>>, %arg10: memref<4x8x128xf32, #tpu.memory_space<vmem>>, %arg11: memref<4x8x128xf32, #tpu.memory_space<vmem>>, %arg12: memref<!tpu.dma_semaphore, #tpu.memory_space<semaphore_mem>>, %arg13: memref<!tpu.dma_semaphore, #tpu.memory_space<semaphore_mem>>, %arg14: memref<!tpu.dma_semaphore, #tpu.memory_space<semaphore_mem>>, %arg15: memref<!tpu.dma_semaphore, #tpu.memory_space<semaphore_mem>>) attributes {dimension_semantics = [#tpu.dimension_semantics<core_parallel>, #tpu.dimension_semantics<subcore_parallel>], iteration_bounds = array<i64: 2, 16>, scalar_prefetch = 0 : i64, scratch_operands = 11 : i64, tpu.core_type = #tpu.core_type<sc_vector_subcore>, window_params = [{transform_indices = #map}, {transform_indices = #map1}, {transform_indices = #map2}]} {
    %mul3A = arith.constant 2 : i32
    %mul3A_0 = arith.muli %arg1, %mul3A : i32
    %add3A = arith.addi %mul3A_0, %arg0 : i32
    %jit3A = arith.constant 16 : i32
    %div3A = arith.divsi %add3A, %jit3A : i32
    %sign3A = arith.constant 0 : i32
    %sign3A_1 = arith.cmpi sgt, %add3A, %sign3A : i32
    %sign3A_2 = arith.extui %sign3A_1 : i1 to i32
    %sign3A_3 = arith.constant 0 : i32
    %sign3A_4 = arith.cmpi slt, %add3A, %sign3A_3 : i32
    %sign3A_5 = arith.extui %sign3A_4 : i1 to i32
    %sign3A_6 = arith.subi %sign3A_2, %sign3A_5 : i32
    %sign3A_7 = arith.constant 0 : i32
    %sign3A_8 = arith.cmpi sgt, %jit3A, %sign3A_7 : i32
    %sign3A_9 = arith.extui %sign3A_8 : i1 to i32
    %sign3A_10 = arith.constant 0 : i32
    %sign3A_11 = arith.cmpi slt, %jit3A, %sign3A_10 : i32
    %sign3A_12 = arith.extui %sign3A_11 : i1 to i32
    %sign3A_13 = arith.subi %sign3A_9, %sign3A_12 : i32
    %ne3A = arith.cmpi ne, %sign3A_6, %sign3A_13 : i32
    %rem3A = arith.remsi %add3A, %jit3A : i32
    %ne3A_14 = arith.constant 0 : i32
    %ne3A_15 = arith.cmpi ne, %rem3A, %ne3A_14 : i32
    %and3A = arith.andi %ne3A, %ne3A_15 : i1
    %sub3A = arith.constant 1 : i32
    %sub3A_16 = arith.subi %div3A, %sub3A : i32
    %select_n3A = arith.select %and3A, %sub3A_16, %div3A : i32
    %jit3A_17 = arith.constant 16 : i32
    %eq3A = arith.constant 0 : i32
    %eq3A_18 = arith.cmpi eq, %jit3A_17, %eq3A : i32
    %jit3A_19 = arith.constant 1 : i32
    %select_n3A_20 = arith.select %eq3A_18, %jit3A_19, %jit3A_17 : i32
    %rem3A_21 = arith.remsi %add3A, %select_n3A_20 : i32
    %ne3A_22 = arith.constant 0 : i32
    %ne3A_23 = arith.cmpi ne, %rem3A_21, %ne3A_22 : i32
    %lt3A = arith.constant 0 : i32
    %lt3A_24 = arith.cmpi slt, %rem3A_21, %lt3A : i32
    %lt3A_25 = arith.constant 0 : i32
    %lt3A_26 = arith.cmpi slt, %select_n3A_20, %lt3A_25 : i32
    %ne3A_27 = arith.xori %lt3A_24, %lt3A_26 : i1
    %and3A_28 = arith.andi %ne3A_27, %ne3A_23 : i1
    %add3A_29 = arith.addi %rem3A_21, %select_n3A_20 : i32
    %select_n3A_30 = arith.select %and3A_28, %add3A_29, %rem3A_21 : i32
    %mul3A_31 = arith.constant 13 : i32
    %mul3A_32 = arith.muli %select_n3A, %mul3A_31 : i32
    %iota3A = tpu.iota {dimensions = array<i32: 0>} : vector<16xi32>
    %scan3A = arith.constant 0 : i32
    %scan3A_33 = arith.constant 0 : i32
    %scan3A_34 = arith.constant 8 : i32
    %scan3A_35 = arith.addi %scan3A_33, %scan3A_34 : i32
    %scan3A_36 = arith.constant 1 : i32
    scf.for %scan3A_38 = %scan3A_33 to %scan3A_35 step %scan3A_36  : i32 {
      %mul3A_39 = arith.constant 1024 : i32
      %mul3A_40 = arith.muli %select_n3A_30, %mul3A_39 : i32
      %mul3A_41 = arith.constant 128 : i32
      %mul3A_42 = arith.muli %scan3A_38, %mul3A_41 : i32
      %add3A_43 = arith.addi %mul3A_40, %mul3A_42 : i32
      %mul3A_44 = arith.constant 8 : i32
      %mul3A_45 = arith.muli %select_n3A_30, %mul3A_44 : i32
      %add3A_46 = arith.addi %mul3A_45, %scan3A_38 : i32
      %mul3A_47 = arith.constant 26 : i32
      %mul3A_48 = arith.muli %add3A_43, %mul3A_47 : i32
      "tpu.region"() ({
        %run_scoped3A = tpu.sem_alloc : memref<!tpu.dma_semaphore, #tpu.memory_space<semaphore_mem>>
        %dma_start3A_106 = tpu.memref_slice %arg3[%mul3A_48] : memref<425984xi32, #tpu.memory_space<hbm>> -> memref<3328xi32, #tpu.memory_space<hbm>>
        %dma_start3A_107 = tpu.memref_slice %arg3[%mul3A_48] : memref<425984xi32, #tpu.memory_space<hbm>> -> memref<3328xi32, #tpu.memory_space<hbm>>
        tpu.enqueue_dma source(%dma_start3A_107 : memref<3328xi32, #tpu.memory_space<hbm>>) target(%arg5 : memref<3328xi32, #tpu.memory_space<vmem>>) target_semaphore(%run_scoped3A : memref<!tpu.dma_semaphore, #tpu.memory_space<semaphore_mem>>)
        %dma_wait3A_108 = tpu.memref_slice %arg3[%mul3A_48] : memref<425984xi32, #tpu.memory_space<hbm>> -> memref<3328xi32, #tpu.memory_space<hbm>>
        %dma_wait3A_109 = tpu.memref_slice %arg3[%mul3A_48] : memref<425984xi32, #tpu.memory_space<hbm>> -> memref<3328xi32, #tpu.memory_space<hbm>>
        tpu.wait_dma2 semaphore(%run_scoped3A : memref<!tpu.dma_semaphore, #tpu.memory_space<semaphore_mem>>) src(%dma_wait3A_109 : memref<3328xi32, #tpu.memory_space<hbm>>) dst(%arg5 : memref<3328xi32, #tpu.memory_space<vmem>>)
        tpu.yield
      }) : () -> ()
      %parallel_loop3A = arith.constant 0 : i32
      %parallel_loop3A_49 = arith.constant 8 : i32
      %parallel_loop3A_50 = arith.constant 1 : i32
      scf.for %parallel_loop3A_106 = %parallel_loop3A to %parallel_loop3A_49 step %parallel_loop3A_50  : i32 {
        %parallel_loop3A_107 = arith.constant 16 : i32
        %parallel_loop3A_108 = arith.muli %parallel_loop3A_106, %parallel_loop3A_107 : i32
        %parallel_loop3A_109 = tpu.assume_multiple %parallel_loop3A_108, 16 : i32
        %parallel_loop3A_110 = vector.broadcast %parallel_loop3A_109 : i32 to vector<16xi32>
        %parallel_loop3A_111 = arith.addi %iota3A, %parallel_loop3A_110 : vector<16xi32>
        %parallel_loop3A_112 = arith.constant 26 : i32
        %parallel_loop3A_113 = vector.broadcast %parallel_loop3A_112 : i32 to vector<16xi32>
        %parallel_loop3A_114 = arith.muli %parallel_loop3A_111, %parallel_loop3A_113 : vector<16xi32>
        %parallel_loop3A_115 = arith.constant 0 : i32
        %parallel_loop3A_116 = arith.addi %mul3A_32, %parallel_loop3A_115 : i32
        %parallel_loop3A_117 = vector.broadcast %parallel_loop3A_116 : i32 to vector<16xi32>
        %parallel_loop3A_118 = arith.addi %parallel_loop3A_114, %parallel_loop3A_117 : vector<16xi32>
        %parallel_loop3A_119 = tpu.vector_load_idx %arg5[%parallel_loop3A_118] : memref<3328xi32, #tpu.memory_space<vmem>>[vector<16xi32>], vector<16xi32>,
        %parallel_loop3A_120 = arith.index_cast %parallel_loop3A_109 : i32 to index
        %parallel_loop3A_121 = tpu.vector_load %arg6[%parallel_loop3A_120] {strides = array<i32>} : memref<128xi32, #tpu.memory_space<vmem>>, vector<16xi32>,
        tpu.vector_store %arg6[%parallel_loop3A_120], %parallel_loop3A_119 {strides = array<i32>} : memref<128xi32, #tpu.memory_space<vmem>>, vector<16xi32>,
      } {sc.loop_unroll_factor = 4 : i64, sc.parallel_access}
      %dma_start3A = arith.constant 0 : i32
      %dma_start3A_51 = arith.constant 0 : i32
      %dma_start3A_52 = tpu.memref_slice %arg2[%dma_start3A, %dma_start3A_51] : memref<1000000x32xf32, #tpu.memory_space<hbm>> -> memref<1000000x32xf32, #tpu.memory_space<hbm>>
      tpu.enqueue_indirect_dma source(%dma_start3A_52 : memref<1000000x32xf32, #tpu.memory_space<hbm>>) target(%arg8 : memref<128x32xf32, #tpu.memory_space<vmem>>) offsets(%arg6 : memref<128xi32, #tpu.memory_space<vmem>>) semaphore(%arg12 : memref<!tpu.dma_semaphore, #tpu.memory_space<semaphore_mem>>)
      %scan3A_53 = arith.constant 0 : i32
      %scan3A_54 = arith.constant 0 : i32
      %scan3A_55 = arith.constant 6 : i32
      %scan3A_56 = arith.addi %scan3A_54, %scan3A_55 : i32
      %scan3A_57 = arith.constant 1 : i32
      scf.for %scan3A_106 = %scan3A_54 to %scan3A_56 step %scan3A_57  : i32 {
        %mul3A_107 = arith.constant 2 : i32
        %mul3A_108 = arith.muli %mul3A_107, %scan3A_106 : i32
        %add3A_109 = arith.constant 1 : i32
        %add3A_110 = arith.addi %mul3A_108, %add3A_109 : i32
        %parallel_loop3A_111 = arith.constant 0 : i32
        %parallel_loop3A_112 = arith.constant 8 : i32
        %parallel_loop3A_113 = arith.constant 1 : i32
        scf.for %parallel_loop3A_168 = %parallel_loop3A_111 to %parallel_loop3A_112 step %parallel_loop3A_113  : i32 {
          %parallel_loop3A_169 = arith.constant 16 : i32
          %parallel_loop3A_170 = arith.muli %parallel_loop3A_168, %parallel_loop3A_169 : i32
          %parallel_loop3A_171 = tpu.assume_multiple %parallel_loop3A_170, 16 : i32
          %parallel_loop3A_172 = vector.broadcast %parallel_loop3A_171 : i32 to vector<16xi32>
          %parallel_loop3A_173 = arith.addi %iota3A, %parallel_loop3A_172 : vector<16xi32>
          %parallel_loop3A_174 = arith.constant 26 : i32
          %parallel_loop3A_175 = vector.broadcast %parallel_loop3A_174 : i32 to vector<16xi32>
          %parallel_loop3A_176 = arith.muli %parallel_loop3A_173, %parallel_loop3A_175 : vector<16xi32>
          %parallel_loop3A_177 = arith.addi %mul3A_32, %add3A_110 : i32
          %parallel_loop3A_178 = vector.broadcast %parallel_loop3A_177 : i32 to vector<16xi32>
          %parallel_loop3A_179 = arith.addi %parallel_loop3A_176, %parallel_loop3A_178 : vector<16xi32>
          %parallel_loop3A_180 = tpu.vector_load_idx %arg5[%parallel_loop3A_179] : memref<3328xi32, #tpu.memory_space<vmem>>[vector<16xi32>], vector<16xi32>,
          %parallel_loop3A_181 = arith.index_cast %parallel_loop3A_171 : i32 to index
          %parallel_loop3A_182 = tpu.vector_load %arg7[%parallel_loop3A_181] {strides = array<i32>} : memref<128xi32, #tpu.memory_space<vmem>>, vector<16xi32>,
          tpu.vector_store %arg7[%parallel_loop3A_181], %parallel_loop3A_180 {strides = array<i32>} : memref<128xi32, #tpu.memory_space<vmem>>, vector<16xi32>,
        } {sc.loop_unroll_factor = 4 : i64, sc.parallel_access}
        %dma_start3A_114 = arith.constant 0 : i32
        %dma_start3A_115 = arith.constant 0 : i32
        %dma_start3A_116 = tpu.memref_slice %arg2[%dma_start3A_114, %dma_start3A_115] : memref<1000000x32xf32, #tpu.memory_space<hbm>> -> memref<1000000x32xf32, #tpu.memory_space<hbm>>
        tpu.enqueue_indirect_dma source(%dma_start3A_116 : memref<1000000x32xf32, #tpu.memory_space<hbm>>) target(%arg9 : memref<128x32xf32, #tpu.memory_space<vmem>>) offsets(%arg7 : memref<128xi32, #tpu.memory_space<vmem>>) semaphore(%arg13 : memref<!tpu.dma_semaphore, #tpu.memory_space<semaphore_mem>>)
        %dma_wait3A_117 = arith.constant 0 : i32
        %dma_wait3A_118 = arith.constant 0 : i32
        %dma_wait3A_119 = tpu.memref_slice %arg2[%dma_wait3A_117, %dma_wait3A_118] : memref<1000000x32xf32, #tpu.memory_space<hbm>> -> memref<1000000x32xf32, #tpu.memory_space<hbm>>
        tpu.wait_indirect_dma semaphore(%arg12 : memref<!tpu.dma_semaphore, #tpu.memory_space<semaphore_mem>>) src(%dma_wait3A_119 : memref<1000000x32xf32, #tpu.memory_space<hbm>>) dst(%arg8 : memref<128x32xf32, #tpu.memory_space<vmem>>)
        %gt3A = arith.constant 0 : i32
        %gt3A_120 = arith.cmpi sgt, %scan3A_106, %gt3A : i32
        %convert_element_type3A = arith.extui %gt3A_120 : i1 to i32
        %cond3A = arith.constant 0 : i32
        %cond3A_121 = arith.cmpi ne, %convert_element_type3A, %cond3A : i32
        scf.if %cond3A_121 {
          %dma_wait3A_168 = arith.constant 0 : i32
          %dma_wait3A_169 = arith.constant 0 : i32
          %dma_wait3A_170 = arith.constant 0 : i32
          %dma_wait3A_171 = tpu.memref_slice %arg4[%mul3A_32, %dma_wait3A_168, %add3A_46, %dma_wait3A_169, %dma_wait3A_170] : memref<26x4x128x8x128xf32, #tpu.memory_space<hbm>> -> memref<1x4x1x8x128xf32, #tpu.memory_space<hbm>>
          %dma_wait3A_172 = tpu.memref_squeeze %dma_wait3A_171 : memref<1x4x1x8x128xf32, #tpu.memory_space<hbm>> -> memref<4x8x128xf32, #tpu.memory_space<hbm>>
          %dma_wait3A_173 = arith.constant 0 : i32
          %dma_wait3A_174 = arith.constant 0 : i32
          %dma_wait3A_175 = arith.constant 0 : i32
          %dma_wait3A_176 = tpu.memref_slice %arg4[%mul3A_32, %dma_wait3A_173, %add3A_46, %dma_wait3A_174, %dma_wait3A_175] : memref<26x4x128x8x128xf32, #tpu.memory_space<hbm>> -> memref<1x4x1x8x128xf32, #tpu.memory_space<hbm>>
          %dma_wait3A_177 = tpu.memref_squeeze %dma_wait3A_176 : memref<1x4x1x8x128xf32, #tpu.memory_space<hbm>> -> memref<4x8x128xf32, #tpu.memory_space<hbm>>
          tpu.wait_dma2 semaphore(%arg14 : memref<!tpu.dma_semaphore, #tpu.memory_space<semaphore_mem>>) src(%arg10 : memref<4x8x128xf32, #tpu.memory_space<vmem>>) dst(%dma_wait3A_177 : memref<4x8x128xf32, #tpu.memory_space<hbm>>)
        } else {
        }
        %parallel_loop3A_122 = arith.constant 0 : i32
        %parallel_loop3A_123 = arith.constant 32 : i32
        %parallel_loop3A_124 = arith.constant 1 : i32
        scf.for %parallel_loop3A_168 = %parallel_loop3A_122 to %parallel_loop3A_123 step %parallel_loop3A_124  : i32 {
          %parallel_loop3A_169 = arith.constant 0 : i32
          %parallel_loop3A_170 = vector.broadcast %parallel_loop3A_169 : i32 to vector<16xi32>
          %parallel_loop3A_171 = vector.broadcast %parallel_loop3A_168 : i32 to vector<16xi32>
          %parallel_loop3A_172 = arith.addi %parallel_loop3A_170, %parallel_loop3A_171 : vector<16xi32>
          %parallel_loop3A_173 = arith.constant 3 : i32
          %parallel_loop3A_174 = arith.shrui %parallel_loop3A_168, %parallel_loop3A_173 : i32
          %parallel_loop3A_175 = arith.constant 7 : i32
          %parallel_loop3A_176 = arith.andi %parallel_loop3A_168, %parallel_loop3A_175 : i32
          %parallel_loop3A_177 = arith.constant 0 : i32
          %parallel_loop3A_178 = vector.broadcast %parallel_loop3A_177 : i32 to vector<16xi32>
          %parallel_loop3A_179 = arith.addi %iota3A, %parallel_loop3A_178 : vector<16xi32>
          %parallel_loop3A_180 = tpu.vector_load_idx %arg8[%parallel_loop3A_179, %parallel_loop3A_172] : memref<128x32xf32, #tpu.memory_space<vmem>>[vector<16xi32>, vector<16xi32>], vector<16xf32>,
          %parallel_loop3A_181 = arith.index_cast %parallel_loop3A_174 : i32 to index
          %parallel_loop3A_182 = arith.index_cast %parallel_loop3A_176 : i32 to index
          %parallel_loop3A_183 = arith.constant 0 : index
          %parallel_loop3A_184 = tpu.vector_load %arg10[%parallel_loop3A_181, %parallel_loop3A_182, %parallel_loop3A_183] {strides = array<i32>} : memref<4x8x128xf32, #tpu.memory_space<vmem>>, vector<16xf32>,
          tpu.vector_store %arg10[%parallel_loop3A_181, %parallel_loop3A_182, %parallel_loop3A_183], %parallel_loop3A_180 {strides = array<i32>} : memref<4x8x128xf32, #tpu.memory_space<vmem>>, vector<16xf32>,
          %parallel_loop3A_185 = arith.constant 16 : i32
          %parallel_loop3A_186 = vector.broadcast %parallel_loop3A_185 : i32 to vector<16xi32>
          %parallel_loop3A_187 = arith.addi %iota3A, %parallel_loop3A_186 : vector<16xi32>
          %parallel_loop3A_188 = tpu.vector_load_idx %arg8[%parallel_loop3A_187, %parallel_loop3A_172] : memref<128x32xf32, #tpu.memory_space<vmem>>[vector<16xi32>, vector<16xi32>], vector<16xf32>,
          %parallel_loop3A_189 = arith.index_cast %parallel_loop3A_174 : i32 to index
          %parallel_loop3A_190 = arith.index_cast %parallel_loop3A_176 : i32 to index
          %parallel_loop3A_191 = arith.constant 16 : index
          %parallel_loop3A_192 = tpu.vector_load %arg10[%parallel_loop3A_189, %parallel_loop3A_190, %parallel_loop3A_191] {strides = array<i32>} : memref<4x8x128xf32, #tpu.memory_space<vmem>>, vector<16xf32>,
          tpu.vector_store %arg10[%parallel_loop3A_189, %parallel_loop3A_190, %parallel_loop3A_191], %parallel_loop3A_188 {strides = array<i32>} : memref<4x8x128xf32, #tpu.memory_space<vmem>>, vector<16xf32>,
          %parallel_loop3A_193 = arith.constant 32 : i32
          %parallel_loop3A_194 = vector.broadcast %parallel_loop3A_193 : i32 to vector<16xi32>
          %parallel_loop3A_195 = arith.addi %iota3A, %parallel_loop3A_194 : vector<16xi32>
          %parallel_loop3A_196 = tpu.vector_load_idx %arg8[%parallel_loop3A_195, %parallel_loop3A_172] : memref<128x32xf32, #tpu.memory_space<vmem>>[vector<16xi32>, vector<16xi32>], vector<16xf32>,
          %parallel_loop3A_197 = arith.index_cast %parallel_loop3A_174 : i32 to index
          %parallel_loop3A_198 = arith.index_cast %parallel_loop3A_176 : i32 to index
          %parallel_loop3A_199 = arith.constant 32 : index
          %parallel_loop3A_200 = tpu.vector_load %arg10[%parallel_loop3A_197, %parallel_loop3A_198, %parallel_loop3A_199] {strides = array<i32>} : memref<4x8x128xf32, #tpu.memory_space<vmem>>, vector<16xf32>,
          tpu.vector_store %arg10[%parallel_loop3A_197, %parallel_loop3A_198, %parallel_loop3A_199], %parallel_loop3A_196 {strides = array<i32>} : memref<4x8x128xf32, #tpu.memory_space<vmem>>, vector<16xf32>,
          %parallel_loop3A_201 = arith.constant 48 : i32
          %parallel_loop3A_202 = vector.broadcast %parallel_loop3A_201 : i32 to vector<16xi32>
          %parallel_loop3A_203 = arith.addi %iota3A, %parallel_loop3A_202 : vector<16xi32>
          %parallel_loop3A_204 = tpu.vector_load_idx %arg8[%parallel_loop3A_203, %parallel_loop3A_172] : memref<128x32xf32, #tpu.memory_space<vmem>>[vector<16xi32>, vector<16xi32>], vector<16xf32>,
          %parallel_loop3A_205 = arith.index_cast %parallel_loop3A_174 : i32 to index
          %parallel_loop3A_206 = arith.index_cast %parallel_loop3A_176 : i32 to index
          %parallel_loop3A_207 = arith.constant 48 : index
          %parallel_loop3A_208 = tpu.vector_load %arg10[%parallel_loop3A_205, %parallel_loop3A_206, %parallel_loop3A_207] {strides = array<i32>} : memref<4x8x128xf32, #tpu.memory_space<vmem>>, vector<16xf32>,
          tpu.vector_store %arg10[%parallel_loop3A_205, %parallel_loop3A_206, %parallel_loop3A_207], %parallel_loop3A_204 {strides = array<i32>} : memref<4x8x128xf32, #tpu.memory_space<vmem>>, vector<16xf32>,
          %parallel_loop3A_209 = arith.constant 64 : i32
          %parallel_loop3A_210 = vector.broadcast %parallel_loop3A_209 : i32 to vector<16xi32>
          %parallel_loop3A_211 = arith.addi %iota3A, %parallel_loop3A_210 : vector<16xi32>
          %parallel_loop3A_212 = tpu.vector_load_idx %arg8[%parallel_loop3A_211, %parallel_loop3A_172] : memref<128x32xf32, #tpu.memory_space<vmem>>[vector<16xi32>, vector<16xi32>], vector<16xf32>,
          %parallel_loop3A_213 = arith.index_cast %parallel_loop3A_174 : i32 to index
          %parallel_loop3A_214 = arith.index_cast %parallel_loop3A_176 : i32 to index
          %parallel_loop3A_215 = arith.constant 64 : index
          %parallel_loop3A_216 = tpu.vector_load %arg10[%parallel_loop3A_213, %parallel_loop3A_214, %parallel_loop3A_215] {strides = array<i32>} : memref<4x8x128xf32, #tpu.memory_space<vmem>>, vector<16xf32>,
          tpu.vector_store %arg10[%parallel_loop3A_213, %parallel_loop3A_214, %parallel_loop3A_215], %parallel_loop3A_212 {strides = array<i32>} : memref<4x8x128xf32, #tpu.memory_space<vmem>>, vector<16xf32>,
          %parallel_loop3A_217 = arith.constant 80 : i32
          %parallel_loop3A_218 = vector.broadcast %parallel_loop3A_217 : i32 to vector<16xi32>
          %parallel_loop3A_219 = arith.addi %iota3A, %parallel_loop3A_218 : vector<16xi32>
          %parallel_loop3A_220 = tpu.vector_load_idx %arg8[%parallel_loop3A_219, %parallel_loop3A_172] : memref<128x32xf32, #tpu.memory_space<vmem>>[vector<16xi32>, vector<16xi32>], vector<16xf32>,
          %parallel_loop3A_221 = arith.index_cast %parallel_loop3A_174 : i32 to index
          %parallel_loop3A_222 = arith.index_cast %parallel_loop3A_176 : i32 to index
          %parallel_loop3A_223 = arith.constant 80 : index
          %parallel_loop3A_224 = tpu.vector_load %arg10[%parallel_loop3A_221, %parallel_loop3A_222, %parallel_loop3A_223] {strides = array<i32>} : memref<4x8x128xf32, #tpu.memory_space<vmem>>, vector<16xf32>,
          tpu.vector_store %arg10[%parallel_loop3A_221, %parallel_loop3A_222, %parallel_loop3A_223], %parallel_loop3A_220 {strides = array<i32>} : memref<4x8x128xf32, #tpu.memory_space<vmem>>, vector<16xf32>,
          %parallel_loop3A_225 = arith.constant 96 : i32
          %parallel_loop3A_226 = vector.broadcast %parallel_loop3A_225 : i32 to vector<16xi32>
          %parallel_loop3A_227 = arith.addi %iota3A, %parallel_loop3A_226 : vector<16xi32>
          %parallel_loop3A_228 = tpu.vector_load_idx %arg8[%parallel_loop3A_227, %parallel_loop3A_172] : memref<128x32xf32, #tpu.memory_space<vmem>>[vector<16xi32>, vector<16xi32>], vector<16xf32>,
          %parallel_loop3A_229 = arith.index_cast %parallel_loop3A_174 : i32 to index
          %parallel_loop3A_230 = arith.index_cast %parallel_loop3A_176 : i32 to index
          %parallel_loop3A_231 = arith.constant 96 : index
          %parallel_loop3A_232 = tpu.vector_load %arg10[%parallel_loop3A_229, %parallel_loop3A_230, %parallel_loop3A_231] {strides = array<i32>} : memref<4x8x128xf32, #tpu.memory_space<vmem>>, vector<16xf32>,
          tpu.vector_store %arg10[%parallel_loop3A_229, %parallel_loop3A_230, %parallel_loop3A_231], %parallel_loop3A_228 {strides = array<i32>} : memref<4x8x128xf32, #tpu.memory_space<vmem>>, vector<16xf32>,
          %parallel_loop3A_233 = arith.constant 112 : i32
          %parallel_loop3A_234 = vector.broadcast %parallel_loop3A_233 : i32 to vector<16xi32>
          %parallel_loop3A_235 = arith.addi %iota3A, %parallel_loop3A_234 : vector<16xi32>
          %parallel_loop3A_236 = tpu.vector_load_idx %arg8[%parallel_loop3A_235, %parallel_loop3A_172] : memref<128x32xf32, #tpu.memory_space<vmem>>[vector<16xi32>, vector<16xi32>], vector<16xf32>,
          %parallel_loop3A_237 = arith.index_cast %parallel_loop3A_174 : i32 to index
          %parallel_loop3A_238 = arith.index_cast %parallel_loop3A_176 : i32 to index
          %parallel_loop3A_239 = arith.constant 112 : index
          %parallel_loop3A_240 = tpu.vector_load %arg10[%parallel_loop3A_237, %parallel_loop3A_238, %parallel_loop3A_239] {strides = array<i32>} : memref<4x8x128xf32, #tpu.memory_space<vmem>>, vector<16xf32>,
          tpu.vector_store %arg10[%parallel_loop3A_237, %parallel_loop3A_238, %parallel_loop3A_239], %parallel_loop3A_236 {strides = array<i32>} : memref<4x8x128xf32, #tpu.memory_space<vmem>>, vector<16xf32>,
        } {sc.loop_unroll_factor = 4 : i64, sc.parallel_access}
        %add3A_125 = arith.addi %mul3A_32, %mul3A_108 : i32
        %dma_start3A_126 = arith.constant 0 : i32
        %dma_start3A_127 = arith.constant 0 : i32
        %dma_start3A_128 = arith.constant 0 : i32
        %dma_start3A_129 = tpu.memref_slice %arg4[%add3A_125, %dma_start3A_126, %add3A_46, %dma_start3A_127, %dma_start3A_128] : memref<26x4x128x8x128xf32, #tpu.memory_space<hbm>> -> memref<1x4x1x8x128xf32, #tpu.memory_space<hbm>>
        %dma_start3A_130 = tpu.memref_squeeze %dma_start3A_129 : memref<1x4x1x8x128xf32, #tpu.memory_space<hbm>> -> memref<4x8x128xf32, #tpu.memory_space<hbm>>
        %dma_start3A_131 = arith.constant 0 : i32
        %dma_start3A_132 = arith.constant 0 : i32
        %dma_start3A_133 = arith.constant 0 : i32
        %dma_start3A_134 = tpu.memref_slice %arg4[%add3A_125, %dma_start3A_131, %add3A_46, %dma_start3A_132, %dma_start3A_133] : memref<26x4x128x8x128xf32, #tpu.memory_space<hbm>> -> memref<1x4x1x8x128xf32, #tpu.memory_space<hbm>>
        %dma_start3A_135 = tpu.memref_squeeze %dma_start3A_134 : memref<1x4x1x8x128xf32, #tpu.memory_space<hbm>> -> memref<4x8x128xf32, #tpu.memory_space<hbm>>
        tpu.enqueue_dma source(%arg10 : memref<4x8x128xf32, #tpu.memory_space<vmem>>) target(%dma_start3A_135 : memref<4x8x128xf32, #tpu.memory_space<hbm>>) target_semaphore(%arg14 : memref<!tpu.dma_semaphore, #tpu.memory_space<semaphore_mem>>)
        %add3A_136 = arith.constant 2 : i32
        %add3A_137 = arith.addi %mul3A_108, %add3A_136 : i32
        %parallel_loop3A_138 = arith.constant 0 : i32
        %parallel_loop3A_139 = arith.constant 8 : i32
        %parallel_loop3A_140 = arith.constant 1 : i32
        scf.for %parallel_loop3A_168 = %parallel_loop3A_138 to %parallel_loop3A_139 step %parallel_loop3A_140  : i32 {
          %parallel_loop3A_169 = arith.constant 16 : i32
          %parallel_loop3A_170 = arith.muli %parallel_loop3A_168, %parallel_loop3A_169 : i32
          %parallel_loop3A_171 = tpu.assume_multiple %parallel_loop3A_170, 16 : i32
          %parallel_loop3A_172 = vector.broadcast %parallel_loop3A_171 : i32 to vector<16xi32>
          %parallel_loop3A_173 = arith.addi %iota3A, %parallel_loop3A_172 : vector<16xi32>
          %parallel_loop3A_174 = arith.constant 26 : i32
          %parallel_loop3A_175 = vector.broadcast %parallel_loop3A_174 : i32 to vector<16xi32>
          %parallel_loop3A_176 = arith.muli %parallel_loop3A_173, %parallel_loop3A_175 : vector<16xi32>
          %parallel_loop3A_177 = arith.addi %mul3A_32, %add3A_137 : i32
          %parallel_loop3A_178 = vector.broadcast %parallel_loop3A_177 : i32 to vector<16xi32>
          %parallel_loop3A_179 = arith.addi %parallel_loop3A_176, %parallel_loop3A_178 : vector<16xi32>
          %parallel_loop3A_180 = tpu.vector_load_idx %arg5[%parallel_loop3A_179] : memref<3328xi32, #tpu.memory_space<vmem>>[vector<16xi32>], vector<16xi32>,
          %parallel_loop3A_181 = arith.index_cast %parallel_loop3A_171 : i32 to index
          %parallel_loop3A_182 = tpu.vector_load %arg6[%parallel_loop3A_181] {strides = array<i32>} : memref<128xi32, #tpu.memory_space<vmem>>, vector<16xi32>,
          tpu.vector_store %arg6[%parallel_loop3A_181], %parallel_loop3A_180 {strides = array<i32>} : memref<128xi32, #tpu.memory_space<vmem>>, vector<16xi32>,
        } {sc.loop_unroll_factor = 4 : i64, sc.parallel_access}
        %dma_start3A_141 = arith.constant 0 : i32
        %dma_start3A_142 = arith.constant 0 : i32
        %dma_start3A_143 = tpu.memref_slice %arg2[%dma_start3A_141, %dma_start3A_142] : memref<1000000x32xf32, #tpu.memory_space<hbm>> -> memref<1000000x32xf32, #tpu.memory_space<hbm>>
        tpu.enqueue_indirect_dma source(%dma_start3A_143 : memref<1000000x32xf32, #tpu.memory_space<hbm>>) target(%arg8 : memref<128x32xf32, #tpu.memory_space<vmem>>) offsets(%arg6 : memref<128xi32, #tpu.memory_space<vmem>>) semaphore(%arg12 : memref<!tpu.dma_semaphore, #tpu.memory_space<semaphore_mem>>)
        %dma_wait3A_144 = arith.constant 0 : i32
        %dma_wait3A_145 = arith.constant 0 : i32
        %dma_wait3A_146 = tpu.memref_slice %arg2[%dma_wait3A_144, %dma_wait3A_145] : memref<1000000x32xf32, #tpu.memory_space<hbm>> -> memref<1000000x32xf32, #tpu.memory_space<hbm>>
        tpu.wait_indirect_dma semaphore(%arg13 : memref<!tpu.dma_semaphore, #tpu.memory_space<semaphore_mem>>) src(%dma_wait3A_146 : memref<1000000x32xf32, #tpu.memory_space<hbm>>) dst(%arg9 : memref<128x32xf32, #tpu.memory_space<vmem>>)
        %gt3A_147 = arith.constant 0 : i32
        %gt3A_148 = arith.cmpi sgt, %scan3A_106, %gt3A_147 : i32
        %convert_element_type3A_149 = arith.extui %gt3A_148 : i1 to i32
        %cond3A_150 = arith.constant 0 : i32
        %cond3A_151 = arith.cmpi ne, %convert_element_type3A_149, %cond3A_150 : i32
        scf.if %cond3A_151 {
          %dma_wait3A_168 = arith.constant 0 : i32
          %dma_wait3A_169 = arith.constant 0 : i32
          %dma_wait3A_170 = arith.constant 0 : i32
          %dma_wait3A_171 = tpu.memref_slice %arg4[%mul3A_32, %dma_wait3A_168, %add3A_46, %dma_wait3A_169, %dma_wait3A_170] : memref<26x4x128x8x128xf32, #tpu.memory_space<hbm>> -> memref<1x4x1x8x128xf32, #tpu.memory_space<hbm>>
          %dma_wait3A_172 = tpu.memref_squeeze %dma_wait3A_171 : memref<1x4x1x8x128xf32, #tpu.memory_space<hbm>> -> memref<4x8x128xf32, #tpu.memory_space<hbm>>
          %dma_wait3A_173 = arith.constant 0 : i32
          %dma_wait3A_174 = arith.constant 0 : i32
          %dma_wait3A_175 = arith.constant 0 : i32
          %dma_wait3A_176 = tpu.memref_slice %arg4[%mul3A_32, %dma_wait3A_173, %add3A_46, %dma_wait3A_174, %dma_wait3A_175] : memref<26x4x128x8x128xf32, #tpu.memory_space<hbm>> -> memref<1x4x1x8x128xf32, #tpu.memory_space<hbm>>
          %dma_wait3A_177 = tpu.memref_squeeze %dma_wait3A_176 : memref<1x4x1x8x128xf32, #tpu.memory_space<hbm>> -> memref<4x8x128xf32, #tpu.memory_space<hbm>>
          tpu.wait_dma2 semaphore(%arg15 : memref<!tpu.dma_semaphore, #tpu.memory_space<semaphore_mem>>) src(%arg11 : memref<4x8x128xf32, #tpu.memory_space<vmem>>) dst(%dma_wait3A_177 : memref<4x8x128xf32, #tpu.memory_space<hbm>>)
        } else {
        }
        %add3A_152 = arith.constant 1 : i32
        %add3A_153 = arith.addi %mul3A_108, %add3A_152 : i32
        %parallel_loop3A_154 = arith.constant 0 : i32
        %parallel_loop3A_155 = arith.constant 32 : i32
        %parallel_loop3A_156 = arith.constant 1 : i32
        scf.for %parallel_loop3A_168 = %parallel_loop3A_154 to %parallel_loop3A_155 step %parallel_loop3A_156  : i32 {
          %parallel_loop3A_169 = arith.constant 0 : i32
          %parallel_loop3A_170 = vector.broadcast %parallel_loop3A_169 : i32 to vector<16xi32>
          %parallel_loop3A_171 = vector.broadcast %parallel_loop3A_168 : i32 to vector<16xi32>
          %parallel_loop3A_172 = arith.addi %parallel_loop3A_170, %parallel_loop3A_171 : vector<16xi32>
          %parallel_loop3A_173 = arith.constant 3 : i32
          %parallel_loop3A_174 = arith.shrui %parallel_loop3A_168, %parallel_loop3A_173 : i32
          %parallel_loop3A_175 = arith.constant 7 : i32
          %parallel_loop3A_176 = arith.andi %parallel_loop3A_168, %parallel_loop3A_175 : i32
          %parallel_loop3A_177 = arith.constant 0 : i32
          %parallel_loop3A_178 = vector.broadcast %parallel_loop3A_177 : i32 to vector<16xi32>
          %parallel_loop3A_179 = arith.addi %iota3A, %parallel_loop3A_178 : vector<16xi32>
          %parallel_loop3A_180 = tpu.vector_load_idx %arg9[%parallel_loop3A_179, %parallel_loop3A_172] : memref<128x32xf32, #tpu.memory_space<vmem>>[vector<16xi32>, vector<16xi32>], vector<16xf32>,
          %parallel_loop3A_181 = arith.index_cast %parallel_loop3A_174 : i32 to index
          %parallel_loop3A_182 = arith.index_cast %parallel_loop3A_176 : i32 to index
          %parallel_loop3A_183 = arith.constant 0 : index
          %parallel_loop3A_184 = tpu.vector_load %arg11[%parallel_loop3A_181, %parallel_loop3A_182, %parallel_loop3A_183] {strides = array<i32>} : memref<4x8x128xf32, #tpu.memory_space<vmem>>, vector<16xf32>,
          tpu.vector_store %arg11[%parallel_loop3A_181, %parallel_loop3A_182, %parallel_loop3A_183], %parallel_loop3A_180 {strides = array<i32>} : memref<4x8x128xf32, #tpu.memory_space<vmem>>, vector<16xf32>,
          %parallel_loop3A_185 = arith.constant 16 : i32
          %parallel_loop3A_186 = vector.broadcast %parallel_loop3A_185 : i32 to vector<16xi32>
          %parallel_loop3A_187 = arith.addi %iota3A, %parallel_loop3A_186 : vector<16xi32>
          %parallel_loop3A_188 = tpu.vector_load_idx %arg9[%parallel_loop3A_187, %parallel_loop3A_172] : memref<128x32xf32, #tpu.memory_space<vmem>>[vector<16xi32>, vector<16xi32>], vector<16xf32>,
          %parallel_loop3A_189 = arith.index_cast %parallel_loop3A_174 : i32 to index
          %parallel_loop3A_190 = arith.index_cast %parallel_loop3A_176 : i32 to index
          %parallel_loop3A_191 = arith.constant 16 : index
          %parallel_loop3A_192 = tpu.vector_load %arg11[%parallel_loop3A_189, %parallel_loop3A_190, %parallel_loop3A_191] {strides = array<i32>} : memref<4x8x128xf32, #tpu.memory_space<vmem>>, vector<16xf32>,
          tpu.vector_store %arg11[%parallel_loop3A_189, %parallel_loop3A_190, %parallel_loop3A_191], %parallel_loop3A_188 {strides = array<i32>} : memref<4x8x128xf32, #tpu.memory_space<vmem>>, vector<16xf32>,
          %parallel_loop3A_193 = arith.constant 32 : i32
          %parallel_loop3A_194 = vector.broadcast %parallel_loop3A_193 : i32 to vector<16xi32>
          %parallel_loop3A_195 = arith.addi %iota3A, %parallel_loop3A_194 : vector<16xi32>
          %parallel_loop3A_196 = tpu.vector_load_idx %arg9[%parallel_loop3A_195, %parallel_loop3A_172] : memref<128x32xf32, #tpu.memory_space<vmem>>[vector<16xi32>, vector<16xi32>], vector<16xf32>,
          %parallel_loop3A_197 = arith.index_cast %parallel_loop3A_174 : i32 to index
          %parallel_loop3A_198 = arith.index_cast %parallel_loop3A_176 : i32 to index
          %parallel_loop3A_199 = arith.constant 32 : index
          %parallel_loop3A_200 = tpu.vector_load %arg11[%parallel_loop3A_197, %parallel_loop3A_198, %parallel_loop3A_199] {strides = array<i32>} : memref<4x8x128xf32, #tpu.memory_space<vmem>>, vector<16xf32>,
          tpu.vector_store %arg11[%parallel_loop3A_197, %parallel_loop3A_198, %parallel_loop3A_199], %parallel_loop3A_196 {strides = array<i32>} : memref<4x8x128xf32, #tpu.memory_space<vmem>>, vector<16xf32>,
          %parallel_loop3A_201 = arith.constant 48 : i32
          %parallel_loop3A_202 = vector.broadcast %parallel_loop3A_201 : i32 to vector<16xi32>
          %parallel_loop3A_203 = arith.addi %iota3A, %parallel_loop3A_202 : vector<16xi32>
          %parallel_loop3A_204 = tpu.vector_load_idx %arg9[%parallel_loop3A_203, %parallel_loop3A_172] : memref<128x32xf32, #tpu.memory_space<vmem>>[vector<16xi32>, vector<16xi32>], vector<16xf32>,
          %parallel_loop3A_205 = arith.index_cast %parallel_loop3A_174 : i32 to index
          %parallel_loop3A_206 = arith.index_cast %parallel_loop3A_176 : i32 to index
          %parallel_loop3A_207 = arith.constant 48 : index
          %parallel_loop3A_208 = tpu.vector_load %arg11[%parallel_loop3A_205, %parallel_loop3A_206, %parallel_loop3A_207] {strides = array<i32>} : memref<4x8x128xf32, #tpu.memory_space<vmem>>, vector<16xf32>,
          tpu.vector_store %arg11[%parallel_loop3A_205, %parallel_loop3A_206, %parallel_loop3A_207], %parallel_loop3A_204 {strides = array<i32>} : memref<4x8x128xf32, #tpu.memory_space<vmem>>, vector<16xf32>,
          %parallel_loop3A_209 = arith.constant 64 : i32
          %parallel_loop3A_210 = vector.broadcast %parallel_loop3A_209 : i32 to vector<16xi32>
          %parallel_loop3A_211 = arith.addi %iota3A, %parallel_loop3A_210 : vector<16xi32>
          %parallel_loop3A_212 = tpu.vector_load_idx %arg9[%parallel_loop3A_211, %parallel_loop3A_172] : memref<128x32xf32, #tpu.memory_space<vmem>>[vector<16xi32>, vector<16xi32>], vector<16xf32>,
          %parallel_loop3A_213 = arith.index_cast %parallel_loop3A_174 : i32 to index
          %parallel_loop3A_214 = arith.index_cast %parallel_loop3A_176 : i32 to index
          %parallel_loop3A_215 = arith.constant 64 : index
          %parallel_loop3A_216 = tpu.vector_load %arg11[%parallel_loop3A_213, %parallel_loop3A_214, %parallel_loop3A_215] {strides = array<i32>} : memref<4x8x128xf32, #tpu.memory_space<vmem>>, vector<16xf32>,
          tpu.vector_store %arg11[%parallel_loop3A_213, %parallel_loop3A_214, %parallel_loop3A_215], %parallel_loop3A_212 {strides = array<i32>} : memref<4x8x128xf32, #tpu.memory_space<vmem>>, vector<16xf32>,
          %parallel_loop3A_217 = arith.constant 80 : i32
          %parallel_loop3A_218 = vector.broadcast %parallel_loop3A_217 : i32 to vector<16xi32>
          %parallel_loop3A_219 = arith.addi %iota3A, %parallel_loop3A_218 : vector<16xi32>
          %parallel_loop3A_220 = tpu.vector_load_idx %arg9[%parallel_loop3A_219, %parallel_loop3A_172] : memref<128x32xf32, #tpu.memory_space<vmem>>[vector<16xi32>, vector<16xi32>], vector<16xf32>,
          %parallel_loop3A_221 = arith.index_cast %parallel_loop3A_174 : i32 to index
          %parallel_loop3A_222 = arith.index_cast %parallel_loop3A_176 : i32 to index
          %parallel_loop3A_223 = arith.constant 80 : index
          %parallel_loop3A_224 = tpu.vector_load %arg11[%parallel_loop3A_221, %parallel_loop3A_222, %parallel_loop3A_223] {strides = array<i32>} : memref<4x8x128xf32, #tpu.memory_space<vmem>>, vector<16xf32>,
          tpu.vector_store %arg11[%parallel_loop3A_221, %parallel_loop3A_222, %parallel_loop3A_223], %parallel_loop3A_220 {strides = array<i32>} : memref<4x8x128xf32, #tpu.memory_space<vmem>>, vector<16xf32>,
          %parallel_loop3A_225 = arith.constant 96 : i32
          %parallel_loop3A_226 = vector.broadcast %parallel_loop3A_225 : i32 to vector<16xi32>
          %parallel_loop3A_227 = arith.addi %iota3A, %parallel_loop3A_226 : vector<16xi32>
          %parallel_loop3A_228 = tpu.vector_load_idx %arg9[%parallel_loop3A_227, %parallel_loop3A_172] : memref<128x32xf32, #tpu.memory_space<vmem>>[vector<16xi32>, vector<16xi32>], vector<16xf32>,
          %parallel_loop3A_229 = arith.index_cast %parallel_loop3A_174 : i32 to index
          %parallel_loop3A_230 = arith.index_cast %parallel_loop3A_176 : i32 to index
          %parallel_loop3A_231 = arith.constant 96 : index
          %parallel_loop3A_232 = tpu.vector_load %arg11[%parallel_loop3A_229, %parallel_loop3A_230, %parallel_loop3A_231] {strides = array<i32>} : memref<4x8x128xf32, #tpu.memory_space<vmem>>, vector<16xf32>,
          tpu.vector_store %arg11[%parallel_loop3A_229, %parallel_loop3A_230, %parallel_loop3A_231], %parallel_loop3A_228 {strides = array<i32>} : memref<4x8x128xf32, #tpu.memory_space<vmem>>, vector<16xf32>,
          %parallel_loop3A_233 = arith.constant 112 : i32
          %parallel_loop3A_234 = vector.broadcast %parallel_loop3A_233 : i32 to vector<16xi32>
          %parallel_loop3A_235 = arith.addi %iota3A, %parallel_loop3A_234 : vector<16xi32>
          %parallel_loop3A_236 = tpu.vector_load_idx %arg9[%parallel_loop3A_235, %parallel_loop3A_172] : memref<128x32xf32, #tpu.memory_space<vmem>>[vector<16xi32>, vector<16xi32>], vector<16xf32>,
          %parallel_loop3A_237 = arith.index_cast %parallel_loop3A_174 : i32 to index
          %parallel_loop3A_238 = arith.index_cast %parallel_loop3A_176 : i32 to index
          %parallel_loop3A_239 = arith.constant 112 : index
          %parallel_loop3A_240 = tpu.vector_load %arg11[%parallel_loop3A_237, %parallel_loop3A_238, %parallel_loop3A_239] {strides = array<i32>} : memref<4x8x128xf32, #tpu.memory_space<vmem>>, vector<16xf32>,
          tpu.vector_store %arg11[%parallel_loop3A_237, %parallel_loop3A_238, %parallel_loop3A_239], %parallel_loop3A_236 {strides = array<i32>} : memref<4x8x128xf32, #tpu.memory_space<vmem>>, vector<16xf32>,
        } {sc.loop_unroll_factor = 4 : i64, sc.parallel_access}
        %add3A_157 = arith.addi %mul3A_32, %add3A_153 : i32
        %dma_start3A_158 = arith.constant 0 : i32
        %dma_start3A_159 = arith.constant 0 : i32
        %dma_start3A_160 = arith.constant 0 : i32
        %dma_start3A_161 = tpu.memref_slice %arg4[%add3A_157, %dma_start3A_158, %add3A_46, %dma_start3A_159, %dma_start3A_160] : memref<26x4x128x8x128xf32, #tpu.memory_space<hbm>> -> memref<1x4x1x8x128xf32, #tpu.memory_space<hbm>>
        %dma_start3A_162 = tpu.memref_squeeze %dma_start3A_161 : memref<1x4x1x8x128xf32, #tpu.memory_space<hbm>> -> memref<4x8x128xf32, #tpu.memory_space<hbm>>
        %dma_start3A_163 = arith.constant 0 : i32
        %dma_start3A_164 = arith.constant 0 : i32
        %dma_start3A_165 = arith.constant 0 : i32
        %dma_start3A_166 = tpu.memref_slice %arg4[%add3A_157, %dma_start3A_163, %add3A_46, %dma_start3A_164, %dma_start3A_165] : memref<26x4x128x8x128xf32, #tpu.memory_space<hbm>> -> memref<1x4x1x8x128xf32, #tpu.memory_space<hbm>>
        %dma_start3A_167 = tpu.memref_squeeze %dma_start3A_166 : memref<1x4x1x8x128xf32, #tpu.memory_space<hbm>> -> memref<4x8x128xf32, #tpu.memory_space<hbm>>
        tpu.enqueue_dma source(%arg11 : memref<4x8x128xf32, #tpu.memory_space<vmem>>) target(%dma_start3A_167 : memref<4x8x128xf32, #tpu.memory_space<hbm>>) target_semaphore(%arg15 : memref<!tpu.dma_semaphore, #tpu.memory_space<semaphore_mem>>)
      }
      %scan3A_58 = arith.constant 6 : i32
      %dma_wait3A = arith.constant 0 : i32
      %dma_wait3A_59 = arith.constant 0 : i32
      %dma_wait3A_60 = tpu.memref_slice %arg2[%dma_wait3A, %dma_wait3A_59] : memref<1000000x32xf32, #tpu.memory_space<hbm>> -> memref<1000000x32xf32, #tpu.memory_space<hbm>>
      tpu.wait_indirect_dma semaphore(%arg12 : memref<!tpu.dma_semaphore, #tpu.memory_space<semaphore_mem>>) src(%dma_wait3A_60 : memref<1000000x32xf32, #tpu.memory_space<hbm>>) dst(%arg8 : memref<128x32xf32, #tpu.memory_space<vmem>>)
      %dma_wait3A_61 = arith.constant 0 : i32
      %dma_wait3A_62 = arith.constant 0 : i32
      %dma_wait3A_63 = arith.constant 0 : i32
      %dma_wait3A_64 = tpu.memref_slice %arg4[%mul3A_32, %dma_wait3A_61, %add3A_46, %dma_wait3A_62, %dma_wait3A_63] : memref<26x4x128x8x128xf32, #tpu.memory_space<hbm>> -> memref<1x4x1x8x128xf32, #tpu.memory_space<hbm>>
      %dma_wait3A_65 = tpu.memref_squeeze %dma_wait3A_64 : memref<1x4x1x8x128xf32, #tpu.memory_space<hbm>> -> memref<4x8x128xf32, #tpu.memory_space<hbm>>
      %dma_wait3A_66 = arith.constant 0 : i32
      %dma_wait3A_67 = arith.constant 0 : i32
      %dma_wait3A_68 = arith.constant 0 : i32
      %dma_wait3A_69 = tpu.memref_slice %arg4[%mul3A_32, %dma_wait3A_66, %add3A_46, %dma_wait3A_67, %dma_wait3A_68] : memref<26x4x128x8x128xf32, #tpu.memory_space<hbm>> -> memref<1x4x1x8x128xf32, #tpu.memory_space<hbm>>
      %dma_wait3A_70 = tpu.memref_squeeze %dma_wait3A_69 : memref<1x4x1x8x128xf32, #tpu.memory_space<hbm>> -> memref<4x8x128xf32, #tpu.memory_space<hbm>>
      tpu.wait_dma2 semaphore(%arg14 : memref<!tpu.dma_semaphore, #tpu.memory_space<semaphore_mem>>) src(%arg10 : memref<4x8x128xf32, #tpu.memory_space<vmem>>) dst(%dma_wait3A_70 : memref<4x8x128xf32, #tpu.memory_space<hbm>>)
      %parallel_loop3A_71 = arith.constant 0 : i32
      %parallel_loop3A_72 = arith.constant 32 : i32
      %parallel_loop3A_73 = arith.constant 1 : i32
      scf.for %parallel_loop3A_106 = %parallel_loop3A_71 to %parallel_loop3A_72 step %parallel_loop3A_73  : i32 {
        %parallel_loop3A_107 = arith.constant 0 : i32
        %parallel_loop3A_108 = vector.broadcast %parallel_loop3A_107 : i32 to vector<16xi32>
        %parallel_loop3A_109 = vector.broadcast %parallel_loop3A_106 : i32 to vector<16xi32>
        %parallel_loop3A_110 = arith.addi %parallel_loop3A_108, %parallel_loop3A_109 : vector<16xi32>
        %parallel_loop3A_111 = arith.constant 3 : i32
        %parallel_loop3A_112 = arith.shrui %parallel_loop3A_106, %parallel_loop3A_111 : i32
        %parallel_loop3A_113 = arith.constant 7 : i32
        %parallel_loop3A_114 = arith.andi %parallel_loop3A_106, %parallel_loop3A_113 : i32
        %parallel_loop3A_115 = arith.constant 0 : i32
        %parallel_loop3A_116 = vector.broadcast %parallel_loop3A_115 : i32 to vector<16xi32>
        %parallel_loop3A_117 = arith.addi %iota3A, %parallel_loop3A_116 : vector<16xi32>
        %parallel_loop3A_118 = tpu.vector_load_idx %arg8[%parallel_loop3A_117, %parallel_loop3A_110] : memref<128x32xf32, #tpu.memory_space<vmem>>[vector<16xi32>, vector<16xi32>], vector<16xf32>,
        %parallel_loop3A_119 = arith.index_cast %parallel_loop3A_112 : i32 to index
        %parallel_loop3A_120 = arith.index_cast %parallel_loop3A_114 : i32 to index
        %parallel_loop3A_121 = arith.constant 0 : index
        %parallel_loop3A_122 = tpu.vector_load %arg10[%parallel_loop3A_119, %parallel_loop3A_120, %parallel_loop3A_121] {strides = array<i32>} : memref<4x8x128xf32, #tpu.memory_space<vmem>>, vector<16xf32>,
        tpu.vector_store %arg10[%parallel_loop3A_119, %parallel_loop3A_120, %parallel_loop3A_121], %parallel_loop3A_118 {strides = array<i32>} : memref<4x8x128xf32, #tpu.memory_space<vmem>>, vector<16xf32>,
        %parallel_loop3A_123 = arith.constant 16 : i32
        %parallel_loop3A_124 = vector.broadcast %parallel_loop3A_123 : i32 to vector<16xi32>
        %parallel_loop3A_125 = arith.addi %iota3A, %parallel_loop3A_124 : vector<16xi32>
        %parallel_loop3A_126 = tpu.vector_load_idx %arg8[%parallel_loop3A_125, %parallel_loop3A_110] : memref<128x32xf32, #tpu.memory_space<vmem>>[vector<16xi32>, vector<16xi32>], vector<16xf32>,
        %parallel_loop3A_127 = arith.index_cast %parallel_loop3A_112 : i32 to index
        %parallel_loop3A_128 = arith.index_cast %parallel_loop3A_114 : i32 to index
        %parallel_loop3A_129 = arith.constant 16 : index
        %parallel_loop3A_130 = tpu.vector_load %arg10[%parallel_loop3A_127, %parallel_loop3A_128, %parallel_loop3A_129] {strides = array<i32>} : memref<4x8x128xf32, #tpu.memory_space<vmem>>, vector<16xf32>,
        tpu.vector_store %arg10[%parallel_loop3A_127, %parallel_loop3A_128, %parallel_loop3A_129], %parallel_loop3A_126 {strides = array<i32>} : memref<4x8x128xf32, #tpu.memory_space<vmem>>, vector<16xf32>,
        %parallel_loop3A_131 = arith.constant 32 : i32
        %parallel_loop3A_132 = vector.broadcast %parallel_loop3A_131 : i32 to vector<16xi32>
        %parallel_loop3A_133 = arith.addi %iota3A, %parallel_loop3A_132 : vector<16xi32>
        %parallel_loop3A_134 = tpu.vector_load_idx %arg8[%parallel_loop3A_133, %parallel_loop3A_110] : memref<128x32xf32, #tpu.memory_space<vmem>>[vector<16xi32>, vector<16xi32>], vector<16xf32>,
        %parallel_loop3A_135 = arith.index_cast %parallel_loop3A_112 : i32 to index
        %parallel_loop3A_136 = arith.index_cast %parallel_loop3A_114 : i32 to index
        %parallel_loop3A_137 = arith.constant 32 : index
        %parallel_loop3A_138 = tpu.vector_load %arg10[%parallel_loop3A_135, %parallel_loop3A_136, %parallel_loop3A_137] {strides = array<i32>} : memref<4x8x128xf32, #tpu.memory_space<vmem>>, vector<16xf32>,
        tpu.vector_store %arg10[%parallel_loop3A_135, %parallel_loop3A_136, %parallel_loop3A_137], %parallel_loop3A_134 {strides = array<i32>} : memref<4x8x128xf32, #tpu.memory_space<vmem>>, vector<16xf32>,
        %parallel_loop3A_139 = arith.constant 48 : i32
        %parallel_loop3A_140 = vector.broadcast %parallel_loop3A_139 : i32 to vector<16xi32>
        %parallel_loop3A_141 = arith.addi %iota3A, %parallel_loop3A_140 : vector<16xi32>
        %parallel_loop3A_142 = tpu.vector_load_idx %arg8[%parallel_loop3A_141, %parallel_loop3A_110] : memref<128x32xf32, #tpu.memory_space<vmem>>[vector<16xi32>, vector<16xi32>], vector<16xf32>,
        %parallel_loop3A_143 = arith.index_cast %parallel_loop3A_112 : i32 to index
        %parallel_loop3A_144 = arith.index_cast %parallel_loop3A_114 : i32 to index
        %parallel_loop3A_145 = arith.constant 48 : index
        %parallel_loop3A_146 = tpu.vector_load %arg10[%parallel_loop3A_143, %parallel_loop3A_144, %parallel_loop3A_145] {strides = array<i32>} : memref<4x8x128xf32, #tpu.memory_space<vmem>>, vector<16xf32>,
        tpu.vector_store %arg10[%parallel_loop3A_143, %parallel_loop3A_144, %parallel_loop3A_145], %parallel_loop3A_142 {strides = array<i32>} : memref<4x8x128xf32, #tpu.memory_space<vmem>>, vector<16xf32>,
        %parallel_loop3A_147 = arith.constant 64 : i32
        %parallel_loop3A_148 = vector.broadcast %parallel_loop3A_147 : i32 to vector<16xi32>
        %parallel_loop3A_149 = arith.addi %iota3A, %parallel_loop3A_148 : vector<16xi32>
        %parallel_loop3A_150 = tpu.vector_load_idx %arg8[%parallel_loop3A_149, %parallel_loop3A_110] : memref<128x32xf32, #tpu.memory_space<vmem>>[vector<16xi32>, vector<16xi32>], vector<16xf32>,
        %parallel_loop3A_151 = arith.index_cast %parallel_loop3A_112 : i32 to index
        %parallel_loop3A_152 = arith.index_cast %parallel_loop3A_114 : i32 to index
        %parallel_loop3A_153 = arith.constant 64 : index
        %parallel_loop3A_154 = tpu.vector_load %arg10[%parallel_loop3A_151, %parallel_loop3A_152, %parallel_loop3A_153] {strides = array<i32>} : memref<4x8x128xf32, #tpu.memory_space<vmem>>, vector<16xf32>,
        tpu.vector_store %arg10[%parallel_loop3A_151, %parallel_loop3A_152, %parallel_loop3A_153], %parallel_loop3A_150 {strides = array<i32>} : memref<4x8x128xf32, #tpu.memory_space<vmem>>, vector<16xf32>,
        %parallel_loop3A_155 = arith.constant 80 : i32
        %parallel_loop3A_156 = vector.broadcast %parallel_loop3A_155 : i32 to vector<16xi32>
        %parallel_loop3A_157 = arith.addi %iota3A, %parallel_loop3A_156 : vector<16xi32>
        %parallel_loop3A_158 = tpu.vector_load_idx %arg8[%parallel_loop3A_157, %parallel_loop3A_110] : memref<128x32xf32, #tpu.memory_space<vmem>>[vector<16xi32>, vector<16xi32>], vector<16xf32>,
        %parallel_loop3A_159 = arith.index_cast %parallel_loop3A_112 : i32 to index
        %parallel_loop3A_160 = arith.index_cast %parallel_loop3A_114 : i32 to index
        %parallel_loop3A_161 = arith.constant 80 : index
        %parallel_loop3A_162 = tpu.vector_load %arg10[%parallel_loop3A_159, %parallel_loop3A_160, %parallel_loop3A_161] {strides = array<i32>} : memref<4x8x128xf32, #tpu.memory_space<vmem>>, vector<16xf32>,
        tpu.vector_store %arg10[%parallel_loop3A_159, %parallel_loop3A_160, %parallel_loop3A_161], %parallel_loop3A_158 {strides = array<i32>} : memref<4x8x128xf32, #tpu.memory_space<vmem>>, vector<16xf32>,
        %parallel_loop3A_163 = arith.constant 96 : i32
        %parallel_loop3A_164 = vector.broadcast %parallel_loop3A_163 : i32 to vector<16xi32>
        %parallel_loop3A_165 = arith.addi %iota3A, %parallel_loop3A_164 : vector<16xi32>
        %parallel_loop3A_166 = tpu.vector_load_idx %arg8[%parallel_loop3A_165, %parallel_loop3A_110] : memref<128x32xf32, #tpu.memory_space<vmem>>[vector<16xi32>, vector<16xi32>], vector<16xf32>,
        %parallel_loop3A_167 = arith.index_cast %parallel_loop3A_112 : i32 to index
        %parallel_loop3A_168 = arith.index_cast %parallel_loop3A_114 : i32 to index
        %parallel_loop3A_169 = arith.constant 96 : index
        %parallel_loop3A_170 = tpu.vector_load %arg10[%parallel_loop3A_167, %parallel_loop3A_168, %parallel_loop3A_169] {strides = array<i32>} : memref<4x8x128xf32, #tpu.memory_space<vmem>>, vector<16xf32>,
        tpu.vector_store %arg10[%parallel_loop3A_167, %parallel_loop3A_168, %parallel_loop3A_169], %parallel_loop3A_166 {strides = array<i32>} : memref<4x8x128xf32, #tpu.memory_space<vmem>>, vector<16xf32>,
        %parallel_loop3A_171 = arith.constant 112 : i32
        %parallel_loop3A_172 = vector.broadcast %parallel_loop3A_171 : i32 to vector<16xi32>
        %parallel_loop3A_173 = arith.addi %iota3A, %parallel_loop3A_172 : vector<16xi32>
        %parallel_loop3A_174 = tpu.vector_load_idx %arg8[%parallel_loop3A_173, %parallel_loop3A_110] : memref<128x32xf32, #tpu.memory_space<vmem>>[vector<16xi32>, vector<16xi32>], vector<16xf32>,
        %parallel_loop3A_175 = arith.index_cast %parallel_loop3A_112 : i32 to index
        %parallel_loop3A_176 = arith.index_cast %parallel_loop3A_114 : i32 to index
        %parallel_loop3A_177 = arith.constant 112 : index
        %parallel_loop3A_178 = tpu.vector_load %arg10[%parallel_loop3A_175, %parallel_loop3A_176, %parallel_loop3A_177] {strides = array<i32>} : memref<4x8x128xf32, #tpu.memory_space<vmem>>, vector<16xf32>,
        tpu.vector_store %arg10[%parallel_loop3A_175, %parallel_loop3A_176, %parallel_loop3A_177], %parallel_loop3A_174 {strides = array<i32>} : memref<4x8x128xf32, #tpu.memory_space<vmem>>, vector<16xf32>,
      } {sc.loop_unroll_factor = 4 : i64, sc.parallel_access}
      %add3A_74 = arith.constant 12 : i32
      %add3A_75 = arith.addi %mul3A_32, %add3A_74 : i32
      %dma_start3A_76 = arith.constant 0 : i32
      %dma_start3A_77 = arith.constant 0 : i32
      %dma_start3A_78 = arith.constant 0 : i32
      %dma_start3A_79 = tpu.memref_slice %arg4[%add3A_75, %dma_start3A_76, %add3A_46, %dma_start3A_77, %dma_start3A_78] : memref<26x4x128x8x128xf32, #tpu.memory_space<hbm>> -> memref<1x4x1x8x128xf32, #tpu.memory_space<hbm>>
      %dma_start3A_80 = tpu.memref_squeeze %dma_start3A_79 : memref<1x4x1x8x128xf32, #tpu.memory_space<hbm>> -> memref<4x8x128xf32, #tpu.memory_space<hbm>>
      %dma_start3A_81 = arith.constant 0 : i32
      %dma_start3A_82 = arith.constant 0 : i32
      %dma_start3A_83 = arith.constant 0 : i32
      %dma_start3A_84 = tpu.memref_slice %arg4[%add3A_75, %dma_start3A_81, %add3A_46, %dma_start3A_82, %dma_start3A_83] : memref<26x4x128x8x128xf32, #tpu.memory_space<hbm>> -> memref<1x4x1x8x128xf32, #tpu.memory_space<hbm>>
      %dma_start3A_85 = tpu.memref_squeeze %dma_start3A_84 : memref<1x4x1x8x128xf32, #tpu.memory_space<hbm>> -> memref<4x8x128xf32, #tpu.memory_space<hbm>>
      tpu.enqueue_dma source(%arg10 : memref<4x8x128xf32, #tpu.memory_space<vmem>>) target(%dma_start3A_85 : memref<4x8x128xf32, #tpu.memory_space<hbm>>) target_semaphore(%arg14 : memref<!tpu.dma_semaphore, #tpu.memory_space<semaphore_mem>>)
      %dma_wait3A_86 = arith.constant 0 : i32
      %dma_wait3A_87 = arith.constant 0 : i32
      %dma_wait3A_88 = arith.constant 0 : i32
      %dma_wait3A_89 = tpu.memref_slice %arg4[%mul3A_32, %dma_wait3A_86, %add3A_46, %dma_wait3A_87, %dma_wait3A_88] : memref<26x4x128x8x128xf32, #tpu.memory_space<hbm>> -> memref<1x4x1x8x128xf32, #tpu.memory_space<hbm>>
      %dma_wait3A_90 = tpu.memref_squeeze %dma_wait3A_89 : memref<1x4x1x8x128xf32, #tpu.memory_space<hbm>> -> memref<4x8x128xf32, #tpu.memory_space<hbm>>
      %dma_wait3A_91 = arith.constant 0 : i32
      %dma_wait3A_92 = arith.constant 0 : i32
      %dma_wait3A_93 = arith.constant 0 : i32
      %dma_wait3A_94 = tpu.memref_slice %arg4[%mul3A_32, %dma_wait3A_91, %add3A_46, %dma_wait3A_92, %dma_wait3A_93] : memref<26x4x128x8x128xf32, #tpu.memory_space<hbm>> -> memref<1x4x1x8x128xf32, #tpu.memory_space<hbm>>
      %dma_wait3A_95 = tpu.memref_squeeze %dma_wait3A_94 : memref<1x4x1x8x128xf32, #tpu.memory_space<hbm>> -> memref<4x8x128xf32, #tpu.memory_space<hbm>>
      tpu.wait_dma2 semaphore(%arg14 : memref<!tpu.dma_semaphore, #tpu.memory_space<semaphore_mem>>) src(%arg10 : memref<4x8x128xf32, #tpu.memory_space<vmem>>) dst(%dma_wait3A_95 : memref<4x8x128xf32, #tpu.memory_space<hbm>>)
      %dma_wait3A_96 = arith.constant 0 : i32
      %dma_wait3A_97 = arith.constant 0 : i32
      %dma_wait3A_98 = arith.constant 0 : i32
      %dma_wait3A_99 = tpu.memref_slice %arg4[%mul3A_32, %dma_wait3A_96, %add3A_46, %dma_wait3A_97, %dma_wait3A_98] : memref<26x4x128x8x128xf32, #tpu.memory_space<hbm>> -> memref<1x4x1x8x128xf32, #tpu.memory_space<hbm>>
      %dma_wait3A_100 = tpu.memref_squeeze %dma_wait3A_99 : memref<1x4x1x8x128xf32, #tpu.memory_space<hbm>> -> memref<4x8x128xf32, #tpu.memory_space<hbm>>
      %dma_wait3A_101 = arith.constant 0 : i32
      %dma_wait3A_102 = arith.constant 0 : i32
      %dma_wait3A_103 = arith.constant 0 : i32
      %dma_wait3A_104 = tpu.memref_slice %arg4[%mul3A_32, %dma_wait3A_101, %add3A_46, %dma_wait3A_102, %dma_wait3A_103] : memref<26x4x128x8x128xf32, #tpu.memory_space<hbm>> -> memref<1x4x1x8x128xf32, #tpu.memory_space<hbm>>
      %dma_wait3A_105 = tpu.memref_squeeze %dma_wait3A_104 : memref<1x4x1x8x128xf32, #tpu.memory_space<hbm>> -> memref<4x8x128xf32, #tpu.memory_space<hbm>>
      tpu.wait_dma2 semaphore(%arg15 : memref<!tpu.dma_semaphore, #tpu.memory_space<semaphore_mem>>) src(%arg11 : memref<4x8x128xf32, #tpu.memory_space<vmem>>) dst(%dma_wait3A_105 : memref<4x8x128xf32, #tpu.memory_space<hbm>>)
    }
    %scan3A_37 = arith.constant 8 : i32
    return
  }
}

</mosaic_0001>

<sc_bundles>
// kernel: kernel.4.cloned.1.call-start
scs
__scs_entry_jumppad:
0x0: {  	(pc) =	sbr.rel $0x88, $3  }
0x1: {  	(tag) =	ssettag $0x0;
	lr =	simm.s32 $0x1  }
0x2: {  	[smem:$0x3F9F] =	sst lr;
	_ =	strace $0xD0000000  }
0x3: {  	_ = 	snop  }
0x4: {  	_ = 	snop  }
0x5: {  	_ = 	snop  }
0x6: {  	_ = 	snop  }
0x7: {  	_ = 	snop  }
__scs_overlays_trampoline_lowered:
0x8: {  	[smem:$0x3FAE] =	sst s0  }
0x9: {  	[smem:$0x3FAF] =	sst s1  }
0xa: {  	[smem:$0x3FB0] =	sst s2  }
0xb: {  	[smem:$0x3FB1] =	sst s3  }
0xc: {  	[smem:$0x3FB2] =	sst s4  }
0xd: {  	[smem:$0x3FB3] =	sst s5  }
0xe: {  	[smem:$0x3FB4] =	sst s6  }
0xf: {  	[smem:$0x3FB5] =	sst s7  }
0x10: {  	[smem:$0x3FB6] =	sst s8  }
0x11: {  	[smem:$0x3FB7] =	sst s9;
	s0 =	simm.s32 @!p0 $0x0  }
0x12: {  	s1 =	sld [smem:$0x3F9D];
	s0 =	simm.s32 @p0 $0x1  }
0x13: {  	[smem:$0x3FB8] =	sst s0;
	s0 =	simm.s32 @!p1 $0x0  }
0x14: {  	s2 =	sld [smem:$0x3F9C];
	s0 =	simm.s32 @p1 $0x1  }
0x15: {  	[smem:$0x3FB9] =	sst s0;
	s0 =	simm.s32 @!p2 $0x0  }
0x16: {  	s3 =	sld [smem:$0x3FDB];
	s0 =	simm.s32 @p2 $0x1  }
0x17: {  	s4 =	simm.s32 $0x1BF5;
	[smem:$0x3FBB] =	sst s0  }
0x18: {  	s0 =	sld [smem:$0x3F9E];
	_ =	swait.ge [sflag:s4], $0x0  }
0x19: {  	s7 =	sld [smem:$0x3F9F]  }
0x1a: {  	s8 =	sadd.s32 $0xFFFFE003, lr  }
0x1b: {  	s9 =	sadd.s32 $0xFFFFFEF7, lr;
	s5 =	simm.s32 $0xFFFFFFFF;
	p2 =	slt.u32 s8, $0xFFFFF086  }
0x1c: {  	p1 =	slt.u32 s9, $0xF7A;
	s5 =	simm.s32 @!p2 $0x0  }
0x1d: {  	s5 =	simm.s32 @p1 $0x1;
	p0 =	seq.s32 s7, s2  }
0x1e: {  	s7 =	smul.u32 @!p0 $0xF7A, s2;
	p2 =	seq.s32 @!p0 s5, $0x0  }
0x1f: {  	s9 =	smul.u32 $0xF7A, s1;
	s8 =	simm.s32 @!p0 $0x1BF5;
	p2 =	por !p2, p0  }
0x20: {  	[sflag:s8] =	ssyncset.s32 @!p0 $0xFFFFF086;
	s6 =	sadd.s32 @!p0 s3, s7;
	s7 =	simm.s32 @!p0 $0x108  }
0x21: {  	s3 =	sadd.s32 s3, s9;
	s6 =	sadd.s32 @!p0 $0x88, s6;
	s7 =	simm.s32 @p2 $0x1082  }
0x22: {  	[simem:s7], [sflag:s8] =	dma.local @!p0 [hbm:s6], $0xF7A  }
0x23: {  	s9 =	sor.u32 $0xD0000000, s2;
	s6 =	simm.s32 $0x108;
	_ =	swait.ge @!p0 [sflag:s8], $0x0  }
0x24: {  	s3 =	sadd.s32 $0x88, s3;
	s6 =	simm.s32 @!p1 $0x1082;
	[sflag:s4] =	ssyncset.s32 $0xFFFFF086  }
0x25: {  	[simem:s6], [sflag:s4] =	dma.local [hbm:s3], $0xF7A  }
0x26: {  	[smem:$0x3F9F] =	sst s1;
	(tag) =	ssettag s2;
	_ =	strace s9  }
0x27: {  	s1 =	sld [smem:$0x3FAF]  }
0x28: {  	s2 =	sld [smem:$0x3FB0]  }
0x29: {  	s4 =	sld [smem:$0x3FB2]  }
0x2a: {  	p0 =	seq.s32 s5, $0x0;
	s5 =	sld [smem:$0x3FB3]  }
0x2b: {  	s6 =	sld [smem:$0x3FB4]  }
0x2c: {  	s7 =	sld [smem:$0x3FB5]  }
0x2d: {  	s3 =	simm.s32 $0x108;
	s8 =	sld [smem:$0x3FB6]  }
0x2e: {  	s3 =	simm.s32 @!p0 $0x1082;
	s9 =	sld [smem:$0x3FB7]  }
0x2f: {  	lr =	sadd.s32 s0, s3;
	s0 =	sld [smem:$0x3FAE]  }
0x30: {  	s3 =	sld [smem:$0x3FB1]  }
0x31: {  	[smem:$0x3FBA] =	sst s10  }
0x32: {  	s10 =	sld [smem:$0x3FB8];
	_ =	sdelay $0x3  }
0x33: {  	p0 =	seq.s32 s10, $0x1;
	s10 =	sld [smem:$0x3FBA];
	_ =	sdelay $0x3  }
0x34: {  	[smem:$0x3FBA] =	sst s10  }
0x35: {  	s10 =	sld [smem:$0x3FB9];
	_ =	sdelay $0x3  }
0x36: {  	p1 =	seq.s32 s10, $0x1;
	s10 =	sld [smem:$0x3FBA];
	_ =	sdelay $0x3  }
0x37: {  	[smem:$0x3FBA] =	sst s10  }
0x38: {  	s10 =	sld [smem:$0x3FBB]  }
0x39: {  	_ = 	snop;
	(pc) =	sbr.ind lr, $3  }
0x3a: {  	_ = 	snop  }
0x3b: {  	_ = 	snop  }
0x3c: {  	p2 =	seq.s32 s10, $0x1;
	s10 =	sld [smem:$0x3FBA]  }
0x3d: {  	_ =	shalt  }
0x3e: {  	_ =	shalt  }
0x3f: {  	_ =	shalt  }
0x40: {  	_ =	shalt  }
0x41: {  	_ =	shalt  }
0x42: {  	_ =	shalt  }
0x43: {  	_ =	shalt  }
0x44: {  	_ =	shalt  }
0x45: {  	_ =	shalt  }
0x46: {  	_ =	shalt  }
0x47: {  	_ =	shalt  }
0x48: {  	_ =	shalt  }
0x49: {  	_ =	shalt  }
0x4a: {  	_ =	shalt  }
0x4b: {  	_ =	shalt  }
0x4c: {  	_ =	shalt  }
0x4d: {  	_ =	shalt  }
0x4e: {  	_ =	shalt  }
0x4f: {  	_ =	shalt  }
0x50: {  	_ =	shalt  }
0x51: {  	_ =	shalt  }
0x52: {  	_ =	shalt  }
0x53: {  	_ =	shalt  }
0x54: {  	_ =	shalt  }
0x55: {  	_ =	shalt  }
0x56: {  	_ =	shalt  }
0x57: {  	_ =	shalt  }
0x58: {  	_ =	shalt  }
0x59: {  	_ =	shalt  }
0x5a: {  	_ =	shalt  }
0x5b: {  	_ =	shalt  }
0x5c: {  	_ =	shalt  }
0x5d: {  	_ =	shalt  }
0x5e: {  	_ =	shalt  }
0x5f: {  	_ =	shalt  }
0x60: {  	_ =	shalt  }
0x61: {  	_ =	shalt  }
0x62: {  	_ =	shalt  }
0x63: {  	_ =	shalt  }
0x64: {  	_ =	shalt  }
0x65: {  	_ =	shalt  }
0x66: {  	_ =	shalt  }
0x67: {  	_ =	shalt  }
0x68: {  	_ =	shalt  }
0x69: {  	_ =	shalt  }
0x6a: {  	_ =	shalt  }
0x6b: {  	_ =	shalt  }
0x6c: {  	_ =	shalt  }
0x6d: {  	_ =	shalt  }
0x6e: {  	_ =	shalt  }
0x6f: {  	_ =	shalt  }
0x70: {  	_ =	shalt  }
0x71: {  	_ =	shalt  }
0x72: {  	_ =	shalt  }
0x73: {  	_ =	shalt  }
0x74: {  	_ =	shalt  }
0x75: {  	_ =	shalt  }
0x76: {  	_ =	shalt  }
0x77: {  	_ =	shalt  }
0x78: {  	_ =	shalt  }
0x79: {  	_ =	shalt  }
0x7a: {  	_ =	shalt  }
0x7b: {  	_ =	shalt  }
0x7c: {  	_ =	shalt  }
0x7d: {  	_ =	shalt  }
0x7e: {  	_ =	shalt  }
0x7f: {  	_ =	shalt  }
0x80: {  	_ =	shalt  }
0x81: {  	_ =	shalt  }
0x82: {  	_ =	shalt  }
0x83: {  	_ =	shalt  }
0x84: {  	_ =	shalt  }
0x85: {  	_ =	shalt  }
0x86: {  	_ =	shalt  }
0x87: {  	_ =	shalt  }
.Lfunc_end0:
.L_simem_size_0:
called_computation_lowered:
.L_overlay_start_0:
0x88: {  	s2 =	sld [smem:$0x3FD9]  }
0x89: {  	s3 =	sld [smem:$0x3FFE];
	_ =	sdelay $0x1  }
0x8a: {  	s1 =	srdreg.scid  }
0x8b: {  	s0 =	sand.u32 $0x1, s1  }
0x8c: {  	s17 =	sshll.u32 s0, $0xA;
	s2 =	sadd.s32 s3, s2  }
0x8d: {  	s2 =	sadd.s32 s2, s17  }
0x8e: {  	[smem:$0x3FC6] =	sst s2  }
0x8f: {  	_ = 	snop  }
0x90: {  	s2 =	sld [smem:$0x3FC8]  }
0x91: {  	s18 =	sld [smem:$0x3FD0];
	(tm) =	ssettm $0x1  }
0x92: {  	s4 =	sld [smem:$0x3FFB];
	_ =	sdelay $0x3  }
0x93: {  	_ =	strace s4  }
0x94: {  	s4 =	sld [smem:$0x3FFC];
	_ =	sdelay $0x3  }
0x95: {  	_ =	strace s4  }
0x96: {  	s4 =	sld [smem:$0x3FFD];
	_ =	sdelay $0x3  }
0x97: {  	_ =	strace s4  }
0x98: {  	_ =	strace $0x8FFFFFFF  }
0x99: {  	s19 =	sld [smem:$0x3FDB];
	_ =	sdelay $0x1  }
0x9a: {  	s5 =	simm.s32 $_scs_section_size  }
0x9b: {  	s6 =	simm.s32 $_size__tile_overlayer_lowered;
	s7 =	simm.s32 $_tile_overlayer_lowered  }
0x9c: {  	s22 =	simm.s32 $0x1BFF;
	s21 =	sshll.u32 s7, $0x1;
	s4 =	sadd.s32 s5, s19  }
0x9d: {  	s8 =	simm.s32 $0x0;
	s20 =	sshll.u32 s6, $0x1;
	s6 =	sadd.s32 s21, s4  }
0x9e: {  	[timem:s8], [sflag:s22] =	dma.local [hbm:s6], s20  }
0x9f: {  	_ =	swait.ge [sflag:s22], s20  }
0xa0: {  	s5 =	ssub.s32 $0x0, s20;
	[sflag:s22] =	ssyncset.done $0x0  }
0xa1: {  	[sflag:s22] =	ssyncadd.s32 s5;
	_ =	sdelay $0x1  }
0xa2: {  	s23 =	simm.s32 $0x1B8B  }
0xa3: {  	_ =	swait.ge [sflag:s23], $0x1  }
0xa4: {  	[sflag:s23] =	ssyncset.done $0x0  }
0xa5: {  	s25 =	simm.s32 $0x1B8E;
	s24 =	sld [smem:$0x3FFE];
	[sflag:s23] =	ssyncadd.s32 $0xFFFFFFFF  }
0xa6: {  	s26 =	simm.s32 $execute0_lowered;
	[smem:$0x3FD2] =	sst s25  }
0xa7: {  	s6 =	sshll.u32 s26, $0x1;
	_ =	strace $0x80000046;
	[dreg:$0x1] =	wrdreg $0xFFFFFFFF  }
0xa8: {  	s28 =	simm.s32 $_size_execute0_lowered;
	s4 =	sadd.s32 s4, s6;
	[dreg:$0x0] =	wrdreg $0x0  }
0xa9: {  	s6 =	sshll.u32 s28, $0x1;
	[dreg:$0x2] =	wrdreg s4  }
0xaa: {  	[dreg:$0x3] =	wrdreg s6  }
0xab: {  	[dreg:$0x4] =	wrdreg $0xC0  }
0xac: {  	_ =	task [dreg:s8], $0x5FFFF  }
0xad: {  	[dreg:$0x1] =	wrdreg $0xFFFFFFFF  }
0xae: {  	[dreg:$0x0] =	wrdreg $0x60  }
0xaf: {  	[dreg:$0x2] =	wrdreg s2  }
0xb0: {  	[dreg:$0x3] =	wrdreg s18  }
0xb1: {  	[dreg:$0x4] =	wrdreg s24  }
0xb2: {  	[dreg:$0x5] =	wrdreg $0x9  }
0xb3: {  	_ =	task.clear_ibuf [dreg:s8], $0x6FFFF;
	_ =	strace $0x90000046  }
0xb4: {  	s29 =	simm.s32 $0x9;
	_ =	strace $0x80000048  }
0xb5: {  	_ =	swait.ge [sflag:s29], $0x1  }
0xb6: {  	[sflag:s29] =	ssyncadd.s32 $0xFFFFFFFF  }
0xb7: {  	_ =	strace $0x90000048  }
0xb8: {  	_ =	sfence  }
0xb9: {  	s30 =	sld [smem:$0x0];
	_ =	sdelay $0x2  }
0xba: {  	s31 =	sshll.u32 s1, $0xD;
	s1 =	sshrl.u32 s1, $0x2  }
0xbb: {  	s3 =	sand.u32 $0x4000, s31;
	s1 =	sadd.s32 s1, s30  }
0xbc: {  	s0 =	sor.u32 s3, s0;
	s1 =	sshll.u32 s1, $0x11  }
0xbd: {  	s0 =	sor.u32 s1, s0  }
0xbe: {  	s0 =	sadd.s32 $0x8F2B, s0  }
0xbf: {  	[sflag:s0] =	ssyncadd.remote.s32 $0x1  }
0xc0: {  	_ =	sfence.sel $0xFFFF  }
0xc1: {  	[dreg:$0x0] =	wrdreg $0xFFFFFFFF;
	(pc) =	sbr.abs _section_cstart, $3  }
0xc2: {  	[dreg:$0x1] =	wrdreg $0xFFFFFFFF  }
0xc3: {  	_ =	task.clear_ibuf [dreg:s8], $0x2FFFF;
	_ =	strace $0x9FFFFFFF  }
0xc4: {  	(tm) =	ssettm $0x7FFFFFFF  }
0xc5: {  	_ =	shalt  }
tec
execute0_lowered:
.L_overlay_start_1:
0x0: {  	(tag) =	ssettag $0x1  }
0x1: {  	s1 =	rddreg [dreg:$0x0]  }
0x2: {  	s0 =	rddreg [dreg:$0x2];
	s5 =	srdreg.scid;
	s4 =	simm.s32 $0x0  }
0x3: {  	s2 =	stileid.u32;
	s14 =	simm.s32 $0x400;
	s15 =	simm.s32 $0x7A1400  }
0x4: {  	s16 =	simm.s32 $0x1000;
	s17 =	simm.s32 $0x1;
	s18 =	simm.s32 $0x2000  }
0x5: {  	s19 =	simm.s32 $0x2;
	s20 =	simm.s32 $0x4;
	s21 =	simm.s32 $0x3000  }
0x6: {  	s22 =	simm.s32 $0x3;
	s5 =	sand.u32 $0x1, s5;
	[smem:$0x7FF] =	sst s4  }
0x7: {  	s7 =	sshll.u32 s2, $0x1;
	p0 =	sgt.u32 s2, $0x1;
	s6 =	ssub.s32 $0x2, s5  }
0x8: {  	_ =	strace $0x80000047;
	s23 =	sor.u32 s5, s7;
	s5 =	sadd.s32 $0xA00, s0  }
0x9: {  	s8 =	sshrl.u32 s6, $0x1;
	s28 =	sshll.u32 s23, $0x7;
	s7 =	sor.u32 $0x40, s23  }
0xa: {  	s29 =	sor.u32 $0x1E80, s23;
	s9 =	sshll.u32 s23, $0x9;
	s13 =	sor.u32 $0x20, s23  }
.Ltmp0:
0xb: {  	p1 =	sne.s32 s23, $0x4;
	s23 =	simm.s32 $0x0;
	(pc) =	sbr.rel .LBB2_1-.Ltmp0, $4  }
0xc: {  	v0 =	vlaneseq.u32;
	s12 =	ssub.s32 s6, s8;
	s3 =	sadd.s32 s1, s28;
	s10 =	sshll.u32 s29, $0x7  }
0xd: {  	v0 =	vmul.u32 $0x80, v0;
	s11 =	sshll.u32 s29, $0x9;
	[dreg:$0x4] =	wrdreg s3;
	s30 =	sadd.s32 s1, s10  }
0xe: {  	s8 =	sadd.s32 s5, s9;
	s31 =	sadd.s32 s5, s11;
	[dreg:$0x5] =	wrdreg s30  }
0xf: {  	v1 =	vor.u32 $0x800, v0;
	s11 =	sadd.s32 $0x3D1200, s0;
	s12 =	smax.u32 s12, $0x1;
	[dreg:$0x6] =	wrdreg s31  }
.LBB2_15:
0x10: {  	s0 =	simm.s32 @!p1 $0x0;
	s2 =	simm.s32 @!p1 $0x2000;
	s3 =	rddreg [dreg:$0x1]  }
0x11: {  	[tilespmem:s2], [sflag:$0x5] =	stream.linear.gather @!p1 [hbm4b:s3+s0], $0x800, $0x38;
	[tilespmem:$0x4000] =	vst v63  }
0x12: {  	s3 =	simm.s32 @!p1 $0x5  }
0x13: {  	s23 =	sadd.s32 $0x1, s23;
	_ =	swait.ge @!p1 [sflag:s3], $0x800  }
0x14: {  	p2 =	sne.s32 s23, s12;
	[sflag:s3] =	ssyncset.done @!p1 $0x0  }
.Ltmp1:
0x15: {  	[sflag:s3] =	ssyncadd.s32 @!p1 $0xFFFFF800;
	(pc) =	sbr.rel @!p2 .LBB2_16-.Ltmp1, $4  }
0x16: {  	[hbm4b:s11+s0] =	stream.linear.scatter @!p1 [tilespmem:s2], [sflag:$0x5], $0x800, $0x38;
	[tilespmem:$0x4000] =	vst v63  }
0x17: {  	_ =	swait.ge @!p1 [sflag:s3], $0x800  }
0x18: {  	[sflag:s3] =	ssyncset.done @!p1 $0x0  }
0x19: {  	[sflag:s3] =	ssyncadd.s32 @!p1 $0xFFFFF800  }
.LBB2_1:
0x1a: {  	s0 =	rddreg [dreg:$0x4];
	s24 =	simm.s32 $0x0  }
0x1b: {  	[tilespmem:s4], [sflag:$0x1] =	stream.strided.gather [hbm4b:s0+s14], $0x1000, s15, s14, $0x38;
	[tilespmem:$0x4000] =	vst v63  }
.LBB2_2:
0x1c: {  	s26 =	sshll.u32 s24, $0x6;
	s9 =	simm.s32 $0x0;
	s10 =	simm.s32 $0x1  }
0x1d: {  	s28 =	simm.s32 $0x2;
	s2 =	simm.s32 $0x3;
	s25 =	sor.u32 s13, s26;
	v2 =	vmov s9  }
0x1e: {  	s29 =	simm.s32 $0x7;
	s3 =	simm.s32 $0x5;
	v3 =	vmov s10;
	v4 =	vmov s28;
	v5 =	vmov s2;
	s0 =	sshll.u32 s25, $0x7  }
0x1f: {  	s28 =	simm.s32 $0x4;
	v7 =	vmov s29;
	v8 =	vmov s3;
	v2 =	vand.u32 $0x78, v2;
	s0 =	sadd.s32 s1, s0  }
0x20: {  	v6 =	vmov s28;
	v9 =	vbroadcast v2, $0x0;
	v2 =	vand.u32 $0x7F, v7;
	[tilespmem:s16], [sflag:$0x2] =	stream.strided.gather [hbm4b:s0+s14], $0x1000, s15, s14, $0x38;
	[tilespmem:$0x4000] =	vst v63  }
0x21: {  	v3 =	vand.u32 $0x79, v3;
	v4 =	vand.u32 $0x7A, v4;
	v2 =	vbroadcast v2, $0x0;
	_ =	swait.ge [sflag:s17], $0x1000  }
0x22: {  	p2 =	seq.s32 s24, $0x0;
	v5 =	vand.u32 $0x7B, v5;
	v3 =	vbroadcast v3, $0x0;
	v10 =	vor.u32 v0, v9;
	[sflag:s17] =	ssyncset.done $0x0  }
0x23: {  	v8 =	vand.u32 $0x7D, v8;
	v4 =	vbroadcast v4, $0x0;
	s0 =	simm.s32 @!p2 $0x3;
	v11 =	vor.u32 v0, v2;
	[sflag:s17] =	ssyncadd.s32 $0xFFFFF000  }
0x24: {  	s6 =	simm.s32 $0x6;
	v5 =	vbroadcast v5, $0x0;
	v6 =	vand.u32 $0x7C, v6;
	v12 =	vor.u32 v0, v3;
	_ =	swait.ge @!p2 [sflag:s0], $0x1000  }
0x25: {  	v7 =	vmov s6;
	v6 =	vbroadcast v6, $0x0;
	v13 =	vor.u32 v0, v4;
	[sflag:s0] =	ssyncset.done @!p2 $0x0  }
0x26: {  	v8 =	vbroadcast v8, $0x0;
	v7 =	vand.u32 $0x7E, v7;
	v14 =	vor.u32 v0, v5;
	[sflag:s0] =	ssyncadd.s32 @!p2 $0xFFFFF000  }
0x27: {  	v7 =	vbroadcast v7, $0x0;
	v15 =	vor.u32 v0, v6;
	v10 =	vld.idx.msk [tilespmem:v10+s4+$0x0], $0xffff  }
0x28: {  	v16 =	vor.u32 v0, v8;
	v11 =	vld.idx.msk [tilespmem:v11+s4+$0x0], $0xffff  }
0x29: {  	v17 =	vor.u32 v0, v7;
	v12 =	vld.idx.msk [tilespmem:v12+s4+$0x0], $0xffff  }
0x2a: {  	s10 =	simm.s32 $0x9;
	v18 =	vor.u32 v1, v2;
	v13 =	vld.idx.msk [tilespmem:v13+s4+$0x0], $0xffff  }
0x2b: {  	s2 =	simm.s32 $0xA;
	s3 =	simm.s32 $0xC;
	v19 =	vmov s10;
	v3 =	vor.u32 v1, v3;
	v14 =	vld.idx.msk [tilespmem:v14+s4+$0x0], $0xffff  }
0x2c: {  	s9 =	simm.s32 $0x8;
	s29 =	simm.s32 $0x2080;
	s28 =	simm.s32 $0xB;
	v20 =	vmov s2;
	v22 =	vmov s3;
	v5 =	vor.u32 v1, v5;
	v15 =	vld.idx.msk [tilespmem:v15+s4+$0x0], $0xffff  }
0x2d: {  	v21 =	vmov s28;
	s28 =	simm.s32 $0xD;
	v4 =	vor.u32 v1, v4;
	v2 =	vmov s9;
	v16 =	vld.idx.msk [tilespmem:v16+s4+$0x0], $0xffff;
	[tilespmem:s29+$0x60] =	vst v11  }
0x2e: {  	v23 =	vmov s28;
	v6 =	vor.u32 v1, v6;
	v2 =	vand.u32 $0x78, v2;
	v17 =	vld.idx.msk [tilespmem:v17+s4+$0x0], $0xffff;
	[tilespmem:s29+$0xFFFFFFA0] =	vst v12  }
0x2f: {  	s6 =	simm.s32 $0xF;
	s28 =	simm.s32 $0xE;
	v8 =	vor.u32 v1, v8;
	v9 =	vor.u32 v1, v9;
	v2 =	vbroadcast v2, $0x0;
	[tilespmem:s29+$0xFFFFFFC0] =	vst v13;
	v12 =	vld.idx.msk [tilespmem:v18+s4+$0x0], $0xffff  }
0x30: {  	v11 =	vmov s6;
	v13 =	vand.u32 $0x79, v19;
	[tilespmem:s29+$0xFFFFFFE0] =	vst v14;
	v18 =	vmov s28;
	v24 =	vld.idx.msk [tilespmem:v3+s4+$0x0], $0xffff  }
0x31: {  	[tilespmem:s29+$0x0] =	vst v15;
	v11 =	vand.u32 $0x7F, v11;
	v3 =	vor.u32 v1, v7;
	v13 =	vbroadcast v13, $0x0;
	v14 =	vld.idx.msk [tilespmem:v5+s4+$0x0], $0xffff  }
0x32: {  	[tilespmem:s29+$0x20] =	vst v16;
	v7 =	vor.u32 v0, v2;
	v19 =	vbroadcast v11, $0x0;
	v11 =	vld.idx.msk [tilespmem:v4+s4+$0x0], $0xffff;
	v4 =	vand.u32 $0x7A, v20  }
0x33: {  	[tilespmem:s29+$0xFFFFFF80] =	vst v10;
	v6 =	vld.idx.msk [tilespmem:v6+s4+$0x0], $0xffff;
	v5 =	vand.u32 $0x7E, v18;
	v20 =	vbroadcast v4, $0x0;
	v16 =	vor.u32 v0, v13  }
0x34: {  	s28 =	simm.s32 $0xE0;
	v26 =	vld.idx.msk [tilespmem:v9+s4+$0x0], $0xffff;
	v4 =	vand.u32 $0x7B, v21;
	v5 =	vbroadcast v5, $0x0;
	v15 =	vor.u32 v0, v19  }
0x35: {  	s30 =	simm.s32 $0x20;
	[tilespmem:s29+$0x40] =	vst v17;
	s9 =	sor.u32 $0x70, s28;
	v21 =	vbroadcast v4, $0x0;
	v4 =	vand.u32 $0x7C, v22;
	v22 =	vld.idx.msk [tilespmem:v8+s4+$0x0], $0xffff;
	v8 =	vor.u32 v0, v20  }
0x36: {  	s30 =	sor.u32 $0x30, s30;
	s10 =	simm.s32 $0x40;
	v25 =	vbroadcast v4, $0x0;
	v4 =	vand.u32 $0x7D, v23;
	v28 =	vor.u32 v0, v5;
	v23 =	vld.idx.msk [tilespmem:v3+s4+$0x0], $0xffff;
	[tilespmem:s9+$0x2000] =	vst v12  }
0x37: {  	s0 =	sor.u32 $0x50, s10;
	v3 =	vld.idx.msk [tilespmem:v7+s4+$0x0], $0xffff;
	v7 =	vor.u32 v0, v21;
	v4 =	vbroadcast v4, $0x0;
	[tilespmem:s30+$0x2000] =	vst v24  }
0x38: {  	v10 =	vor.u32 v0, v25;
	[tilespmem:s0+$0x2000] =	vst v11;
	v11 =	vld.idx.msk [tilespmem:v16+s4+$0x0], $0xffff  }
0x39: {  	s31 =	simm.s32 $0x60;
	s2 =	simm.s32 $0xA0;
	[tilespmem:s29+$0x10] =	vst v6;
	v63 =	vor.u32 v0, v4;
	v27 =	vld.idx.msk [tilespmem:v15+s4+$0x0], $0xffff  }
0x3a: {  	s3 =	simm.s32 $0x11;
	s6 =	simm.s32 $0x13;
	v17 =	vor.u32 v1, v19;
	s30 =	sor.u32 $0x70, s31;
	[tilespmem:s29+$0xFFFFFF90] =	vst v26;
	v8 =	vld.idx.msk [tilespmem:v8+s4+$0x0], $0xffff  }
0x3b: {  	v9 =	vmov s6;
	v18 =	vor.u32 v1, v20;
	s31 =	simm.s32 $0xC0;
	[tilespmem:s30+$0x2000] =	vst v14;
	s30 =	simm.s32 $0x10;
	s0 =	sor.u32 $0x30, s2;
	v14 =	vor.u32 v1, v13;
	v20 =	vld.idx.msk [tilespmem:v28+s4+$0x0], $0xffff  }
0x3c: {  	s31 =	sor.u32 $0x50, s31;
	v6 =	vmov s30;
	[tilespmem:s0+$0x2000] =	vst v22;
	v15 =	vmov s3;
	s3 =	simm.s32 $0x12;
	v12 =	vld.idx.msk [tilespmem:v7+s4+$0x0], $0xffff  }
0x3d: {  	s10 =	simm.s32 $0x15;
	s9 =	simm.s32 $0x14;
	v21 =	vor.u32 v1, v21;
	s29 =	simm.s32 $0x2180;
	v6 =	vand.u32 $0x78, v6;
	v19 =	vmov s3;
	[tilespmem:s31+$0x2000] =	vst v23;
	v13 =	vld.idx.msk [tilespmem:v10+s4+$0x0], $0xffff  }
0x3e: {  	s0 =	simm.s32 $0x17;
	v22 =	vor.u32 v1, v25;
	v7 =	vmov s10;
	s31 =	simm.s32 $0x18;
	v10 =	vmov s9;
	v16 =	vld.idx.msk [tilespmem:v63+s4+$0x0], $0xffff;
	[tilespmem:s29+$0x60] =	vst v27  }
.LBB2_3:
0x3f: {  	p3 =	slt.u32 s31, $0x78;
	v6 =	vbroadcast v6, $0x0;
	s3 =	sadd.s32 $0x6, s30;
	v23 =	vmov s0;
	[tilespmem:s29+$0xFFFFFFA0] =	vst v11;
	v4 =	vor.u32 v1, v4;
	v11 =	vld.idx.msk [tilespmem:v17+s4+$0x0], $0xffff;
	s30 =	smov.u32 s31  }
0x40: {  	v5 =	vor.u32 v1, v5;
	v17 =	vmov s3;
	v23 =	vand.u32 $0x7F, v23;
	v14 =	vld.idx.msk [tilespmem:v14+s4+$0x0], $0xffff;
	[tilespmem:s29+$0xFFFFFFC0] =	vst v8  }
0x41: {  	v15 =	vand.u32 $0x79, v15;
	v8 =	vor.u32 v0, v6;
	v23 =	vbroadcast v23, $0x0;
	v18 =	vld.idx.msk [tilespmem:v18+s4+$0x0], $0xffff;
	[tilespmem:s29+$0xFFFFFFE0] =	vst v12  }
0x42: {  	v12 =	vbroadcast v15, $0x0;
	v15 =	vand.u32 $0x7A, v19;
	v19 =	vor.u32 v1, v2;
	v2 =	vmovc v6;
	v21 =	vld.idx.msk [tilespmem:v21+s4+$0x0], $0xffff;
	[tilespmem:s29+$0x0] =	vst v13  }
0x43: {  	s28 =	sadd.s32 $0x100, s28;
	v6 =	vand.u32 $0x7B, v9;
	v13 =	vbroadcast v15, $0x0;
	v9 =	vor.u32 v0, v23;
	v15 =	vld.idx.msk [tilespmem:v22+s4+$0x0], $0xffff;
	[tilespmem:s29+$0x20] =	vst v16  }
0x44: {  	s0 =	sadd.s32 $0xFFFFFF40, s28;
	s3 =	sadd.s32 $0xFFFFFF60, s28;
	s2 =	sor.u32 $0x70, s28;
	v16 =	vor.u32 v0, v12;
	v22 =	vbroadcast v6, $0x0;
	v6 =	vand.u32 $0x7C, v10;
	v10 =	vld.idx.msk [tilespmem:v4+s4+$0x0], $0xffff;
	[tilespmem:s29+$0x40] =	vst v20  }
0x45: {  	s9 =	sadd.s32 $0xFFFFFF80, s28;
	s10 =	sadd.s32 $0xFFFFFFC0, s28;
	s6 =	sadd.s32 $0xFFFFFFE0, s28;
	v20 =	vor.u32 v0, v13;
	v24 =	vbroadcast v6, $0x0;
	v4 =	vand.u32 $0x7D, v7;
	v7 =	vld.idx.msk [tilespmem:v5+s4+$0x0], $0xffff;
	[tilespmem:s2+$0x2000] =	vst v11  }
0x46: {  	s0 =	sor.u32 $0x30, s0;
	v6 =	vor.u32 v0, v22;
	v4 =	vbroadcast v4, $0x0;
	v5 =	vand.u32 $0x7E, v17;
	s2 =	sor.u32 $0x50, s3;
	s3 =	sor.u32 $0x70, s9;
	[tilespmem:s29+$0xFFFFFF80] =	vst v3;
	v3 =	vld.idx.msk [tilespmem:v8+s4+$0x0], $0xffff  }
0x47: {  	s6 =	sor.u32 $0x50, s6;
	v25 =	vor.u32 v0, v24;
	v5 =	vbroadcast v5, $0x0;
	v26 =	vld.idx.msk [tilespmem:v19+s4+$0x0], $0xffff;
	[tilespmem:s0+$0x2000] =	vst v14;
	s0 =	sor.u32 $0x30, s10  }
0x48: {  	v27 =	vor.u32 v0, v4;
	v28 =	vld.idx.msk [tilespmem:v9+s4+$0x0], $0xffff;
	[tilespmem:s2+$0x2000] =	vst v18  }
0x49: {  	v29 =	vor.u32 v0, v5;
	v11 =	vld.idx.msk [tilespmem:v16+s4+$0x0], $0xffff;
	[tilespmem:s3+$0x2000] =	vst v21  }
.Ltmp2:
0x4a: {  	v17 =	vor.u32 v1, v23;
	v8 =	vld.idx.msk [tilespmem:v20+s4+$0x0], $0xffff;
	[tilespmem:s29+$0x10] =	vst v15;
	(pc) =	sbr.rel @p3 .LBB2_3-.Ltmp2, $4  }
0x4b: {  	v14 =	vor.u32 v1, v12;
	v9 =	vmov s31;
	s2 =	sadd.s32 $0x1, s31;
	v12 =	vld.idx.msk [tilespmem:v6+s4+$0x0], $0xffff;
	[tilespmem:s0+$0x2000] =	vst v10  }
0x4c: {  	v18 =	vor.u32 v1, v13;
	v15 =	vmov s2;
	s2 =	sadd.s32 $0x3, s31;
	v6 =	vand.u32 $0x78, v9;
	s0 =	sadd.s32 $0x2, s31;
	v13 =	vld.idx.msk [tilespmem:v25+s4+$0x0], $0xffff;
	[tilespmem:s6+$0x2000] =	vst v7  }
0x4d: {  	v21 =	vor.u32 v1, v22;
	v9 =	vmov s2;
	s2 =	sadd.s32 $0x5, s31;
	v19 =	vmov s0;
	s0 =	sadd.s32 $0x4, s31;
	v16 =	vld.idx.msk [tilespmem:v27+s4+$0x0], $0xffff;
	[tilespmem:s29+$0xFFFFFF90] =	vst v26;
	s29 =	sadd.s32 $0x100, s29  }
0x4e: {  	v22 =	vor.u32 v1, v24;
	v7 =	vmov s2;
	s31 =	sadd.s32 $0x8, s31;
	v10 =	vmov s0;
	s0 =	sadd.s32 $0x7, s30;
	v20 =	vld.idx.msk [tilespmem:v29+s4+$0x0], $0xffff;
	[tilespmem:s29+$0x60] =	vst v28  }
0x4f: {  	_ =	sdelay $0x1  }
0x50: {  	[tilespmem:s29+$0xFFFFFFA0] =	vst v11  }
0x51: {  	v42 =	vmov s0;
	[tilespmem:s29+$0xFFFFFFC0] =	vst v8  }
0x52: {  	v17 =	vld.idx.msk [tilespmem:v17+s4+$0x0], $0xffff;
	v4 =	vor.u32 v1, v4;
	v5 =	vor.u32 v1, v5;
	v45 =	vand.u32 $0x79, v15;
	[tilespmem:s29+$0xFFFFFF80] =	vst v3  }
0x53: {  	v47 =	vand.u32 $0x7A, v19;
	v2 =	vor.u32 v1, v2;
	[tilespmem:s29+$0xFFFFFFE0] =	vst v12;
	v44 =	vld.idx.msk [tilespmem:v14+s4+$0x0], $0xffff;
	v14 =	vbroadcast v45, $0x0  }
0x54: {  	v9 =	vand.u32 $0x7B, v9;
	v10 =	vand.u32 $0x7C, v10;
	v46 =	vld.idx.msk [tilespmem:v18+s4+$0x0], $0xffff;
	v15 =	vbroadcast v47, $0x0;
	[tilespmem:s29+$0x0] =	vst v13  }
0x55: {  	s2 =	sadd.s32 $0x6, s30;
	s28 =	sadd.s32 $0x100, s28;
	v11 =	vand.u32 $0x7F, v42;
	v10 =	vbroadcast v10, $0x0;
	v48 =	vld.idx.msk [tilespmem:v21+s4+$0x0], $0xffff;
	[tilespmem:s29+$0x20] =	vst v16;
	v51 =	vor.u32 v0, v14  }
0x56: {  	v43 =	vmov s2;
	s2 =	sor.u32 $0x70, s28;
	s3 =	sadd.s32 $0xFFFFFF40, s28;
	v11 =	vbroadcast v11, $0x0;
	v50 =	vld.idx.msk [tilespmem:v22+s4+$0x0], $0xffff;
	v52 =	vor.u32 v0, v15;
	[tilespmem:s29+$0x40] =	vst v20  }
0x57: {  	v7 =	vand.u32 $0x7D, v7;
	v9 =	vbroadcast v9, $0x0;
	s6 =	sadd.s32 $0xFFFFFF60, s28;
	v54 =	vor.u32 v0, v10;
	[tilespmem:s2+$0x2000] =	vst v17;
	v4 =	vld.idx.msk [tilespmem:v4+s4+$0x0], $0xffff;
	s2 =	sor.u32 $0x30, s3  }
0x58: {  	v7 =	vbroadcast v7, $0x0;
	v8 =	vand.u32 $0x7E, v43;
	s0 =	sor.u32 $0x50, s6;
	v49 =	vor.u32 v0, v11;
	s3 =	sadd.s32 $0xFFFFFF80, s28;
	v3 =	vld.idx.msk [tilespmem:v5+s4+$0x0], $0xffff;
	[tilespmem:s2+$0x2000] =	vst v44  }
0x59: {  	v53 =	vor.u32 v0, v9;
	v8 =	vbroadcast v8, $0x0;
	v2 =	vld.idx.msk [tilespmem:v2+s4+$0x0], $0xffff;
	s9 =	sor.u32 $0x70, s3;
	[tilespmem:s0+$0x2000] =	vst v46  }
0x5a: {  	v6 =	vbroadcast v6, $0x0;
	s10 =	sadd.s32 $0xFFFFFFC0, s28;
	v55 =	vor.u32 v0, v7;
	[tilespmem:s9+$0x2000] =	vst v48;
	v56 =	vld.idx.msk [tilespmem:v51+s4+$0x0], $0xffff  }
0x5b: {  	s30 =	sadd.s32 $0xFFFFFFE0, s28;
	v57 =	vor.u32 v0, v8;
	s0 =	sor.u32 $0x30, s10;
	[tilespmem:s29+$0x10] =	vst v50;
	v17 =	vld.idx.msk [tilespmem:v52+s4+$0x0], $0xffff  }
0x5c: {  	v58 =	vor.u32 v0, v6;
	s2 =	sor.u32 $0x50, s30;
	v12 =	vld.idx.msk [tilespmem:v54+s4+$0x0], $0xffff;
	[tilespmem:s0+$0x2000] =	vst v4  }
0x5d: {  	v10 =	vor.u32 v1, v10;
	v18 =	vld.idx.msk [tilespmem:v49+s4+$0x0], $0xffff;
	[tilespmem:s2+$0x2000] =	vst v3  }
0x5e: {  	v11 =	vor.u32 v1, v11;
	v5 =	vld.idx.msk [tilespmem:v53+s4+$0x0], $0xffff;
	[tilespmem:s29+$0xFFFFFF90] =	vst v2;
	s0 =	sadd.s32 $0x100, s29  }
0x5f: {  	v13 =	vld.idx.msk [tilespmem:v55+s4+$0x0], $0xffff;
	v3 =	vor.u32 v1, v14;
	[tilespmem:s0+$0xFFFFFFA0] =	vst v56  }
0x60: {  	v2 =	vor.u32 v1, v15;
	v59 =	vld.idx.msk [tilespmem:v57+s4+$0x0], $0xffff;
	[tilespmem:s0+$0xFFFFFFC0] =	vst v17  }
0x61: {  	v7 =	vor.u32 v1, v7;
	v4 =	vld.idx.msk [tilespmem:v58+s4+$0x0], $0xffff;
	[tilespmem:s0+$0x0] =	vst v12  }
0x62: {  	v60 =	vor.u32 v1, v8;
	[tilespmem:s0+$0x60] =	vst v18;
	v62 =	vld.idx.msk [tilespmem:v10+s4+$0x0], $0xffff  }
0x63: {  	v9 =	vor.u32 v1, v9;
	[tilespmem:s0+$0xFFFFFFE0] =	vst v5;
	v11 =	vld.idx.msk [tilespmem:v11+s4+$0x0], $0xffff  }
0x64: {  	v6 =	vor.u32 v1, v6;
	[tilespmem:s0+$0x20] =	vst v13;
	v3 =	vld.idx.msk [tilespmem:v3+s4+$0x0], $0xffff  }
0x65: {  	v2 =	vld.idx.msk [tilespmem:v2+s4+$0x0], $0xffff;
	[tilespmem:s0+$0x40] =	vst v59  }
0x66: {  	s31 =	sadd.s32 $0x100, s28;
	v7 =	vld.idx.msk [tilespmem:v7+s4+$0x0], $0xffff;
	[tilespmem:s0+$0xFFFFFF80] =	vst v4  }
0x67: {  	s6 =	sadd.s32 $0xFFFFFF40, s31;
	s9 =	sor.u32 $0x70, s31;
	v63 =	vld.idx.msk [tilespmem:v60+s4+$0x0], $0xffff;
	[tilespmem:s0+$0x10] =	vst v62  }
0x68: {  	s6 =	sor.u32 $0x30, s6;
	s10 =	sadd.s32 $0xFFFFFF60, s31;
	v61 =	vld.idx.msk [tilespmem:v9+s4+$0x0], $0xffff;
	[tilespmem:s9+$0x2000] =	vst v11  }
0x69: {  	s3 =	sor.u32 $0x50, s10;
	s29 =	sadd.s32 $0xFFFFFFC0, s31;
	[tilespmem:s6+$0x2000] =	vst v3;
	v3 =	vld.idx.msk [tilespmem:v6+s4+$0x0], $0xffff  }
0x6a: {  	p3 =	sne.s32 s24, $0x79;
	s2 =	sadd.s32 $0xFFFFFFE0, s31;
	[tilespmem:s3+$0x2000] =	vst v2;
	s3 =	sor.u32 $0x30, s29  }
.Ltmp3:
0x6b: {  	s2 =	sor.u32 $0x50, s2;
	s9 =	sadd.s32 $0xFFFFFF80, s31;
	[tilespmem:s3+$0x2000] =	vst v7;
	(pc) =	sbr.rel @p3 .LBB2_6-.Ltmp3, $4  }
0x6c: {  	s28 =	sor.u32 $0x70, s9;
	[tilespmem:s2+$0x2000] =	vst v63  }
0x6d: {  	s30 =	sshll.u32 s24, $0xF;
	[tilespmem:s28+$0x2000] =	vst v61  }
0x6e: {  	s31 =	sadd.s32 s30, s8;
	[tilespmem:s0+$0xFFFFFF90] =	vst v3  }
0x6f: {  	[hbm4b:s31+s4] =	stream.linear.scatter [tilespmem:s18], [sflag:$0x3], $0x1000, $0x38;
	[tilespmem:$0x4000] =	vst v63  }
.Ltmp4:
0x70: {  	(pc) =	sbr.rel .LBB2_7-.Ltmp4, $4  }
0x71: {  	_ = 	snop  }
0x72: {  	_ =	swait.ge [sflag:s19], $0x1000  }
0x73: {  	[sflag:s19] =	ssyncset.done $0x0  }
0x74: {  	[sflag:s19] =	ssyncadd.s32 $0xFFFFF000  }
.LBB2_6:
0x75: {  	s0 =	sadd.s32 s7, s26  }
0x76: {  	s0 =	sshll.u32 s0, $0x7  }
.Ltmp5:
0x77: {  	s0 =	sadd.s32 s1, s0;
	(pc) =	sbr.rel @p2 .LBB2_8-.Ltmp5, $4  }
0x78: {  	[tilespmem:s4], [sflag:$0x1] =	stream.strided.gather [hbm4b:s0+s14], $0x1000, s15, s14, $0x38;
	[tilespmem:$0x4000] =	vst v63  }
0x79: {  	_ =	swait.ge [sflag:s19], $0x1000  }
0x7a: {  	[sflag:s19] =	ssyncset.done $0x0  }
0x7b: {  	[sflag:s19] =	ssyncadd.s32 $0xFFFFF000  }
.LBB2_7:
0x7c: {  	_ =	swait.ge [sflag:s20], $0x1000  }
0x7d: {  	[sflag:s20] =	ssyncset.done $0x0  }
0x7e: {  	[sflag:s20] =	ssyncadd.s32 $0xFFFFF000  }
.LBB2_8:
0x7f: {  	s0 =	simm.s32 $0x0  }
0x80: {  	s9 =	simm.s32 $0x1;
	s2 =	simm.s32 $0x2;
	s10 =	simm.s32 $0x3;
	v2 =	vmov s0  }
0x81: {  	s26 =	simm.s32 $0x4;
	s3 =	simm.s32 $0x7;
	v3 =	vmov s9;
	v4 =	vmov s2;
	v5 =	vmov s10  }
0x82: {  	s31 =	simm.s32 $0x5;
	v6 =	vmov s26;
	v7 =	vmov s3;
	v2 =	vand.u32 $0x78, v2  }
0x83: {  	v8 =	vmov s31;
	v3 =	vand.u32 $0x79, v3;
	v9 =	vbroadcast v2, $0x0  }
0x84: {  	v4 =	vand.u32 $0x7A, v4;
	v5 =	vand.u32 $0x7B, v5;
	v3 =	vbroadcast v3, $0x0  }
0x85: {  	v6 =	vand.u32 $0x7C, v6;
	v4 =	vbroadcast v4, $0x0;
	v10 =	vor.u32 v0, v9  }
0x86: {  	v2 =	vand.u32 $0x7F, v7;
	v6 =	vbroadcast v6, $0x0;
	v12 =	vor.u32 v0, v3  }
0x87: {  	s2 =	simm.s32 $0x6;
	v8 =	vand.u32 $0x7D, v8;
	v2 =	vbroadcast v2, $0x0;
	v13 =	vor.u32 v0, v4  }
0x88: {  	v7 =	vmov s2;
	v5 =	vbroadcast v5, $0x0;
	v15 =	vor.u32 v0, v6  }
0x89: {  	v8 =	vbroadcast v8, $0x0;
	v7 =	vand.u32 $0x7E, v7;
	v11 =	vor.u32 v0, v2  }
0x8a: {  	v14 =	vor.u32 v0, v5;
	v7 =	vbroadcast v7, $0x0;
	v10 =	vld.idx.msk [tilespmem:v10+s16+$0x0], $0xffff  }
0x8b: {  	v16 =	vor.u32 v0, v8;
	v12 =	vld.idx.msk [tilespmem:v12+s16+$0x0], $0xffff  }
0x8c: {  	v17 =	vor.u32 v0, v7;
	v13 =	vld.idx.msk [tilespmem:v13+s16+$0x0], $0xffff  }
0x8d: {  	s6 =	simm.s32 $0x9;
	v3 =	vor.u32 v1, v3;
	v15 =	vld.idx.msk [tilespmem:v15+s16+$0x0], $0xffff  }
0x8e: {  	v19 =	vmov s6;
	s9 =	simm.s32 $0xA;
	s10 =	simm.s32 $0xB;
	v6 =	vor.u32 v1, v6;
	v11 =	vld.idx.msk [tilespmem:v11+s16+$0x0], $0xffff  }
0x8f: {  	s28 =	simm.s32 $0x3080;
	s3 =	simm.s32 $0x8;
	s26 =	simm.s32 $0xC;
	v20 =	vmov s9;
	v21 =	vmov s10;
	v18 =	vor.u32 v1, v2;
	v14 =	vld.idx.msk [tilespmem:v14+s16+$0x0], $0xffff  }
0x90: {  	s31 =	simm.s32 $0xD;
	v22 =	vmov s26;
	v4 =	vor.u32 v1, v4;
	v2 =	vmov s3;
	v16 =	vld.idx.msk [tilespmem:v16+s16+$0x0], $0xffff;
	[tilespmem:s28+$0xFFFFFFA0] =	vst v12  }
0x91: {  	v23 =	vmov s31;
	v5 =	vor.u32 v1, v5;
	v2 =	vand.u32 $0x78, v2;
	v17 =	vld.idx.msk [tilespmem:v17+s16+$0x0], $0xffff;
	[tilespmem:s28+$0xFFFFFFC0] =	vst v13  }
0x92: {  	s2 =	simm.s32 $0xF;
	v8 =	vor.u32 v1, v8;
	v9 =	vor.u32 v1, v9;
	v2 =	vbroadcast v2, $0x0;
	[tilespmem:s28+$0x0] =	vst v15;
	v24 =	vld.idx.msk [tilespmem:v3+s16+$0x0], $0xffff  }
0x93: {  	v13 =	vand.u32 $0x79, v19;
	[tilespmem:s28+$0x60] =	vst v11;
	v11 =	vmov s2;
	v3 =	vor.u32 v1, v7;
	v6 =	vld.idx.msk [tilespmem:v6+s16+$0x0], $0xffff  }
0x94: {  	s3 =	simm.s32 $0xE;
	[tilespmem:s28+$0xFFFFFFE0] =	vst v14;
	v7 =	vor.u32 v0, v2;
	v13 =	vbroadcast v13, $0x0;
	v12 =	vld.idx.msk [tilespmem:v18+s16+$0x0], $0xffff;
	v11 =	vand.u32 $0x7F, v11  }
0x95: {  	[tilespmem:s28+$0x20] =	vst v16;
	v18 =	vmov s3;
	v19 =	vbroadcast v11, $0x0;
	v11 =	vld.idx.msk [tilespmem:v4+s16+$0x0], $0xffff;
	v4 =	vand.u32 $0x7A, v20  }
0x96: {  	[tilespmem:s28+$0xFFFFFF80] =	vst v10;
	v14 =	vld.idx.msk [tilespmem:v5+s16+$0x0], $0xffff;
	v16 =	vor.u32 v0, v13;
	v5 =	vand.u32 $0x7E, v18;
	v20 =	vbroadcast v4, $0x0  }
0x97: {  	s9 =	simm.s32 $0x20;
	v26 =	vld.idx.msk [tilespmem:v9+s16+$0x0], $0xffff;
	v4 =	vand.u32 $0x7B, v21;
	v5 =	vbroadcast v5, $0x0;
	v15 =	vor.u32 v0, v19  }
0x98: {  	s2 =	sor.u32 $0x30, s9;
	[tilespmem:s28+$0x40] =	vst v17;
	v21 =	vbroadcast v4, $0x0;
	v4 =	vand.u32 $0x7C, v22;
	v22 =	vld.idx.msk [tilespmem:v8+s16+$0x0], $0xffff;
	v8 =	vor.u32 v0, v20  }
0x99: {  	s10 =	simm.s32 $0x40;
	v25 =	vbroadcast v4, $0x0;
	v4 =	vand.u32 $0x7D, v23;
	v23 =	vld.idx.msk [tilespmem:v3+s16+$0x0], $0xffff;
	[tilespmem:s2+$0x3000] =	vst v24;
	v28 =	vor.u32 v0, v5  }
0x9a: {  	s0 =	sor.u32 $0x50, s10;
	v3 =	vld.idx.msk [tilespmem:v7+s16+$0x0], $0xffff;
	[tilespmem:s28+$0x10] =	vst v6;
	v7 =	vor.u32 v0, v21;
	v4 =	vbroadcast v4, $0x0  }
0x9b: {  	s26 =	simm.s32 $0xE0;
	v10 =	vor.u32 v0, v25;
	[tilespmem:s0+$0x3000] =	vst v11;
	v11 =	vld.idx.msk [tilespmem:v16+s16+$0x0], $0xffff  }
0x9c: {  	s31 =	simm.s32 $0x60;
	s6 =	sor.u32 $0x70, s26;
	[tilespmem:s28+$0xFFFFFF90] =	vst v26;
	v63 =	vor.u32 v0, v4;
	v27 =	vld.idx.msk [tilespmem:v15+s16+$0x0], $0xffff  }
0x9d: {  	s29 =	simm.s32 $0x10;
	s9 =	simm.s32 $0xA0;
	v17 =	vor.u32 v1, v19;
	[tilespmem:s6+$0x3000] =	vst v12;
	s6 =	sor.u32 $0x70, s31;
	v8 =	vld.idx.msk [tilespmem:v8+s16+$0x0], $0xffff  }
0x9e: {  	s10 =	simm.s32 $0xC0;
	v6 =	vmov s29;
	v18 =	vor.u32 v1, v20;
	[tilespmem:s6+$0x3000] =	vst v14;
	s0 =	sor.u32 $0x30, s9;
	v14 =	vor.u32 v1, v13;
	s6 =	simm.s32 $0x12;
	v20 =	vld.idx.msk [tilespmem:v28+s16+$0x0], $0xffff  }
0x9f: {  	s2 =	sor.u32 $0x50, s10;
	s31 =	simm.s32 $0x11;
	v6 =	vand.u32 $0x78, v6;
	s9 =	simm.s32 $0x13;
	v19 =	vmov s6;
	[tilespmem:s0+$0x3000] =	vst v22;
	v12 =	vld.idx.msk [tilespmem:v7+s16+$0x0], $0xffff  }
0xa0: {  	s10 =	simm.s32 $0x14;
	s28 =	simm.s32 $0x3180;
	v21 =	vor.u32 v1, v21;
	v9 =	vmov s9;
	v15 =	vmov s31;
	s31 =	simm.s32 $0x15;
	[tilespmem:s2+$0x3000] =	vst v23;
	v13 =	vld.idx.msk [tilespmem:v10+s16+$0x0], $0xffff  }
0xa1: {  	s30 =	simm.s32 $0x18;
	s0 =	simm.s32 $0x17;
	v22 =	vor.u32 v1, v25;
	v7 =	vmov s31;
	v10 =	vmov s10;
	v16 =	vld.idx.msk [tilespmem:v63+s16+$0x0], $0xffff;
	[tilespmem:s28+$0x60] =	vst v27  }
.LBB2_9:
0xa2: {  	p2 =	slt.u32 s30, $0x78;
	v6 =	vbroadcast v6, $0x0;
	s2 =	sadd.s32 $0x6, s29;
	v23 =	vmov s0;
	[tilespmem:s28+$0xFFFFFFA0] =	vst v11;
	v4 =	vor.u32 v1, v4;
	v11 =	vld.idx.msk [tilespmem:v17+s16+$0x0], $0xffff;
	s29 =	smov.u32 s30  }
0xa3: {  	v5 =	vor.u32 v1, v5;
	v17 =	vmov s2;
	v23 =	vand.u32 $0x7F, v23;
	v14 =	vld.idx.msk [tilespmem:v14+s16+$0x0], $0xffff;
	[tilespmem:s28+$0xFFFFFFC0] =	vst v8  }
0xa4: {  	v15 =	vand.u32 $0x79, v15;
	v8 =	vor.u32 v0, v6;
	v23 =	vbroadcast v23, $0x0;
	v18 =	vld.idx.msk [tilespmem:v18+s16+$0x0], $0xffff;
	[tilespmem:s28+$0xFFFFFFE0] =	vst v12  }
0xa5: {  	v12 =	vbroadcast v15, $0x0;
	v15 =	vand.u32 $0x7A, v19;
	v19 =	vor.u32 v1, v2;
	v2 =	vmovc v6;
	v21 =	vld.idx.msk [tilespmem:v21+s16+$0x0], $0xffff;
	[tilespmem:s28+$0x0] =	vst v13  }
0xa6: {  	s26 =	sadd.s32 $0x100, s26;
	v6 =	vand.u32 $0x7B, v9;
	v13 =	vbroadcast v15, $0x0;
	v9 =	vor.u32 v0, v23;
	v15 =	vld.idx.msk [tilespmem:v22+s16+$0x0], $0xffff;
	[tilespmem:s28+$0x20] =	vst v16  }
0xa7: {  	s0 =	sadd.s32 $0xFFFFFF40, s26;
	s2 =	sadd.s32 $0xFFFFFF60, s26;
	s3 =	sor.u32 $0x70, s26;
	v16 =	vor.u32 v0, v12;
	v22 =	vbroadcast v6, $0x0;
	v6 =	vand.u32 $0x7C, v10;
	v10 =	vld.idx.msk [tilespmem:v4+s16+$0x0], $0xffff;
	[tilespmem:s28+$0x40] =	vst v20  }
0xa8: {  	s6 =	sadd.s32 $0xFFFFFF80, s26;
	s9 =	sadd.s32 $0xFFFFFFC0, s26;
	s10 =	sadd.s32 $0xFFFFFFE0, s26;
	v20 =	vor.u32 v0, v13;
	v24 =	vbroadcast v6, $0x0;
	v4 =	vand.u32 $0x7D, v7;
	v7 =	vld.idx.msk [tilespmem:v5+s16+$0x0], $0xffff;
	[tilespmem:s3+$0x3000] =	vst v11  }
0xa9: {  	s0 =	sor.u32 $0x30, s0;
	s2 =	sor.u32 $0x50, s2;
	v6 =	vor.u32 v0, v22;
	v4 =	vbroadcast v4, $0x0;
	v5 =	vand.u32 $0x7E, v17;
	s3 =	sor.u32 $0x70, s6;
	[tilespmem:s28+$0xFFFFFF80] =	vst v3;
	v3 =	vld.idx.msk [tilespmem:v8+s16+$0x0], $0xffff  }
0xaa: {  	s6 =	sor.u32 $0x50, s10;
	v25 =	vor.u32 v0, v24;
	v5 =	vbroadcast v5, $0x0;
	v26 =	vld.idx.msk [tilespmem:v19+s16+$0x0], $0xffff;
	[tilespmem:s0+$0x3000] =	vst v14;
	s0 =	sor.u32 $0x30, s9  }
0xab: {  	v27 =	vor.u32 v0, v4;
	v28 =	vld.idx.msk [tilespmem:v9+s16+$0x0], $0xffff;
	[tilespmem:s2+$0x3000] =	vst v18  }
0xac: {  	v29 =	vor.u32 v0, v5;
	v11 =	vld.idx.msk [tilespmem:v16+s16+$0x0], $0xffff;
	[tilespmem:s3+$0x3000] =	vst v21  }
.Ltmp6:
0xad: {  	v17 =	vor.u32 v1, v23;
	v8 =	vld.idx.msk [tilespmem:v20+s16+$0x0], $0xffff;
	[tilespmem:s28+$0x10] =	vst v15;
	(pc) =	sbr.rel @p2 .LBB2_9-.Ltmp6, $4  }
0xae: {  	v14 =	vor.u32 v1, v12;
	v9 =	vmov s30;
	s2 =	sadd.s32 $0x1, s30;
	v12 =	vld.idx.msk [tilespmem:v6+s16+$0x0], $0xffff;
	[tilespmem:s0+$0x3000] =	vst v10  }
0xaf: {  	v18 =	vor.u32 v1, v13;
	v15 =	vmov s2;
	s2 =	sadd.s32 $0x3, s30;
	v6 =	vand.u32 $0x78, v9;
	s0 =	sadd.s32 $0x2, s30;
	v13 =	vld.idx.msk [tilespmem:v25+s16+$0x0], $0xffff;
	[tilespmem:s6+$0x3000] =	vst v7  }
0xb0: {  	v21 =	vor.u32 v1, v22;
	v9 =	vmov s2;
	s2 =	sadd.s32 $0x5, s30;
	v19 =	vmov s0;
	s0 =	sadd.s32 $0x4, s30;
	v16 =	vld.idx.msk [tilespmem:v27+s16+$0x0], $0xffff;
	[tilespmem:s28+$0xFFFFFF90] =	vst v26;
	s28 =	sadd.s32 $0x100, s28  }
0xb1: {  	v22 =	vor.u32 v1, v24;
	v7 =	vmov s2;
	s30 =	sadd.s32 $0x8, s30;
	v10 =	vmov s0;
	s0 =	sadd.s32 $0x7, s29;
	v20 =	vld.idx.msk [tilespmem:v29+s16+$0x0], $0xffff;
	[tilespmem:s28+$0x60] =	vst v28  }
0xb2: {  	_ =	sdelay $0x1  }
0xb3: {  	[tilespmem:s28+$0xFFFFFFA0] =	vst v11  }
0xb4: {  	v42 =	vmov s0;
	[tilespmem:s28+$0xFFFFFFC0] =	vst v8  }
0xb5: {  	v17 =	vld.idx.msk [tilespmem:v17+s16+$0x0], $0xffff;
	v4 =	vor.u32 v1, v4;
	v5 =	vor.u32 v1, v5;
	v45 =	vand.u32 $0x79, v15;
	[tilespmem:s28+$0xFFFFFF80] =	vst v3  }
0xb6: {  	v47 =	vand.u32 $0x7A, v19;
	v2 =	vor.u32 v1, v2;
	[tilespmem:s28+$0xFFFFFFE0] =	vst v12;
	v44 =	vld.idx.msk [tilespmem:v14+s16+$0x0], $0xffff;
	v14 =	vbroadcast v45, $0x0  }
0xb7: {  	v9 =	vand.u32 $0x7B, v9;
	v10 =	vand.u32 $0x7C, v10;
	v46 =	vld.idx.msk [tilespmem:v18+s16+$0x0], $0xffff;
	v15 =	vbroadcast v47, $0x0;
	[tilespmem:s28+$0x0] =	vst v13  }
0xb8: {  	s2 =	sadd.s32 $0x6, s29;
	s26 =	sadd.s32 $0x100, s26;
	v7 =	vand.u32 $0x7D, v7;
	v9 =	vbroadcast v9, $0x0;
	v48 =	vld.idx.msk [tilespmem:v21+s16+$0x0], $0xffff;
	[tilespmem:s28+$0x20] =	vst v16;
	v51 =	vor.u32 v0, v14  }
0xb9: {  	v43 =	vmov s2;
	s3 =	sor.u32 $0x70, s26;
	s6 =	sadd.s32 $0xFFFFFF40, s26;
	v10 =	vbroadcast v10, $0x0;
	v50 =	vld.idx.msk [tilespmem:v22+s16+$0x0], $0xffff;
	v52 =	vor.u32 v0, v15;
	[tilespmem:s28+$0x40] =	vst v20  }
0xba: {  	v11 =	vand.u32 $0x7F, v42;
	s9 =	sadd.s32 $0xFFFFFF60, s26;
	v7 =	vbroadcast v7, $0x0;
	s2 =	sor.u32 $0x30, s6;
	v53 =	vor.u32 v0, v9;
	[tilespmem:s3+$0x3000] =	vst v17;
	v4 =	vld.idx.msk [tilespmem:v4+s16+$0x0], $0xffff  }
0xbb: {  	v11 =	vbroadcast v11, $0x0;
	v8 =	vand.u32 $0x7E, v43;
	s0 =	sor.u32 $0x50, s9;
	v54 =	vor.u32 v0, v10;
	s3 =	sadd.s32 $0xFFFFFF80, s26;
	v3 =	vld.idx.msk [tilespmem:v5+s16+$0x0], $0xffff;
	[tilespmem:s2+$0x3000] =	vst v44  }
0xbc: {  	v8 =	vbroadcast v8, $0x0;
	v55 =	vor.u32 v0, v7;
	v2 =	vld.idx.msk [tilespmem:v2+s16+$0x0], $0xffff;
	s10 =	sor.u32 $0x70, s3;
	[tilespmem:s0+$0x3000] =	vst v46  }
0xbd: {  	v6 =	vbroadcast v6, $0x0;
	s29 =	sadd.s32 $0xFFFFFFC0, s26;
	v49 =	vor.u32 v0, v11;
	[tilespmem:s10+$0x3000] =	vst v48;
	v56 =	vld.idx.msk [tilespmem:v51+s16+$0x0], $0xffff  }
0xbe: {  	s30 =	sadd.s32 $0xFFFFFFE0, s26;
	v57 =	vor.u32 v0, v8;
	s0 =	sor.u32 $0x30, s29;
	[tilespmem:s28+$0x10] =	vst v50;
	v17 =	vld.idx.msk [tilespmem:v52+s16+$0x0], $0xffff  }
0xbf: {  	v58 =	vor.u32 v0, v6;
	s2 =	sor.u32 $0x50, s30;
	v5 =	vld.idx.msk [tilespmem:v53+s16+$0x0], $0xffff;
	[tilespmem:s0+$0x3000] =	vst v4  }
0xc0: {  	v9 =	vor.u32 v1, v9;
	v12 =	vld.idx.msk [tilespmem:v54+s16+$0x0], $0xffff;
	[tilespmem:s2+$0x3000] =	vst v3  }
0xc1: {  	v10 =	vor.u32 v1, v10;
	v13 =	vld.idx.msk [tilespmem:v55+s16+$0x0], $0xffff;
	[tilespmem:s28+$0xFFFFFF90] =	vst v2;
	s0 =	sadd.s32 $0x100, s28  }
0xc2: {  	v18 =	vld.idx.msk [tilespmem:v49+s16+$0x0], $0xffff;
	v3 =	vor.u32 v1, v14;
	[tilespmem:s0+$0xFFFFFFA0] =	vst v56  }
0xc3: {  	v11 =	vor.u32 v1, v11;
	v59 =	vld.idx.msk [tilespmem:v57+s16+$0x0], $0xffff;
	[tilespmem:s0+$0xFFFFFFC0] =	vst v17  }
0xc4: {  	v2 =	vor.u32 v1, v15;
	v4 =	vld.idx.msk [tilespmem:v58+s16+$0x0], $0xffff;
	[tilespmem:s0+$0xFFFFFFE0] =	vst v5  }
0xc5: {  	v7 =	vor.u32 v1, v7;
	[tilespmem:s0+$0x0] =	vst v12;
	v61 =	vld.idx.msk [tilespmem:v9+s16+$0x0], $0xffff  }
0xc6: {  	v60 =	vor.u32 v1, v8;
	[tilespmem:s0+$0x20] =	vst v13;
	v62 =	vld.idx.msk [tilespmem:v10+s16+$0x0], $0xffff  }
0xc7: {  	s31 =	sadd.s32 $0x100, s26;
	v6 =	vor.u32 v1, v6;
	[tilespmem:s0+$0x60] =	vst v18;
	v3 =	vld.idx.msk [tilespmem:v3+s16+$0x0], $0xffff  }
0xc8: {  	s9 =	sadd.s32 $0xFFFFFF80, s31;
	v11 =	vld.idx.msk [tilespmem:v11+s16+$0x0], $0xffff;
	[tilespmem:s0+$0x40] =	vst v59  }
0xc9: {  	s28 =	sor.u32 $0x70, s9;
	v2 =	vld.idx.msk [tilespmem:v2+s16+$0x0], $0xffff;
	[tilespmem:s0+$0xFFFFFF80] =	vst v4  }
0xca: {  	s6 =	sadd.s32 $0xFFFFFF40, s31;
	v7 =	vld.idx.msk [tilespmem:v7+s16+$0x0], $0xffff;
	[tilespmem:s28+$0x3000] =	vst v61  }
0xcb: {  	s6 =	sor.u32 $0x30, s6;
	v63 =	vld.idx.msk [tilespmem:v60+s16+$0x0], $0xffff;
	[tilespmem:s0+$0x10] =	vst v62  }
0xcc: {  	s24 =	sadd.s32 $0x1, s24;
	s26 =	sadd.s32 $0xFFFFFF60, s31;
	s10 =	sor.u32 $0x70, s31;
	[tilespmem:s6+$0x3000] =	vst v3;
	v3 =	vld.idx.msk [tilespmem:v6+s16+$0x0], $0xffff  }
0xcd: {  	p2 =	sne.s32 s24, $0x7A;
	s3 =	sor.u32 $0x50, s26;
	s29 =	sadd.s32 $0xFFFFFFC0, s31;
	[tilespmem:s10+$0x3000] =	vst v11  }
.Ltmp7:
0xce: {  	s2 =	sadd.s32 $0xFFFFFFE0, s31;
	[tilespmem:s3+$0x3000] =	vst v2;
	s3 =	sor.u32 $0x30, s29;
	(pc) =	sbr.rel @p2 .LBB2_2-.Ltmp7, $4  }
0xcf: {  	s2 =	sor.u32 $0x50, s2;
	[tilespmem:s3+$0x3000] =	vst v7  }
0xd0: {  	s30 =	sshll.u32 s25, $0x9;
	[tilespmem:s2+$0x3000] =	vst v63  }
0xd1: {  	s31 =	sadd.s32 s5, s30;
	[tilespmem:s0+$0xFFFFFF90] =	vst v3  }
0xd2: {  	[hbm4b:s31+s4] =	stream.linear.scatter [tilespmem:s21], [sflag:$0x4], $0x1000, $0x38;
	[tilespmem:$0x4000] =	vst v63  }
0xd3: {  	_ =	swait.ge [sflag:s22], $0x1000  }
.Ltmp8:
0xd4: {  	[sflag:s22] =	ssyncset.done $0x0;
	(pc) =	sbr.rel @p0 .LBB2_15-.Ltmp8, $4  }
0xd5: {  	[sflag:s22] =	ssyncadd.s32 $0xFFFFF000  }
0xd6: {  	_ =	swait.ge [sflag:s20], $0x1000  }
0xd7: {  	[sflag:s20] =	ssyncset.done $0x0  }
0xd8: {  	[sflag:s20] =	ssyncadd.s32 $0xFFFFF000  }
0xd9: {  	s0 =	simm.s32 $0x0  }
0xda: {  	s2 =	simm.s32 $0x1;
	s3 =	simm.s32 $0x2;
	s31 =	simm.s32 $0x3;
	v2 =	vmov s0  }
0xdb: {  	s9 =	simm.s32 $0x4;
	s6 =	simm.s32 $0x7;
	v3 =	vmov s2;
	v4 =	vmov s3;
	v5 =	vmov s31  }
0xdc: {  	s10 =	simm.s32 $0x5;
	v6 =	vmov s9;
	v7 =	vmov s6;
	v2 =	vand.u32 $0x78, v2  }
0xdd: {  	v8 =	vmov s10;
	v3 =	vand.u32 $0x79, v3;
	v9 =	vbroadcast v2, $0x0  }
0xde: {  	v4 =	vand.u32 $0x7A, v4;
	v5 =	vand.u32 $0x7B, v5;
	v3 =	vbroadcast v3, $0x0  }
0xdf: {  	s25 =	rddreg [dreg:$0x5];
	v6 =	vand.u32 $0x7C, v6;
	v4 =	vbroadcast v4, $0x0;
	v10 =	vor.u32 v0, v9  }
0xe0: {  	[tilespmem:s0], [sflag:$0x1] =	stream.strided.gather [hbm4b:s25+s14], $0x1000, s15, s14, $0x38;
	v2 =	vand.u32 $0x7F, v7;
	v5 =	vbroadcast v5, $0x0;
	v12 =	vor.u32 v0, v3;
	[tilespmem:$0x4000] =	vst v63  }
0xe1: {  	s24 =	simm.s32 $0x6;
	_ =	swait.ge [sflag:s17], $0x1000;
	v8 =	vand.u32 $0x7D, v8;
	v2 =	vbroadcast v2, $0x0;
	v13 =	vor.u32 v0, v4  }
0xe2: {  	v7 =	vmov s24;
	[sflag:s17] =	ssyncset.done $0x0;
	v6 =	vbroadcast v6, $0x0;
	v14 =	vor.u32 v0, v5  }
0xe3: {  	v8 =	vbroadcast v8, $0x0;
	[sflag:s17] =	ssyncadd.s32 $0xFFFFF000;
	v7 =	vand.u32 $0x7E, v7;
	v11 =	vor.u32 v0, v2  }
0xe4: {  	v15 =	vor.u32 v0, v6;
	v7 =	vbroadcast v7, $0x0;
	v10 =	vld.idx.msk [tilespmem:v10+s4+$0x0], $0xffff  }
0xe5: {  	v16 =	vor.u32 v0, v8;
	v12 =	vld.idx.msk [tilespmem:v12+s4+$0x0], $0xffff  }
0xe6: {  	v17 =	vor.u32 v0, v7;
	v13 =	vld.idx.msk [tilespmem:v13+s4+$0x0], $0xffff  }
0xe7: {  	s29 =	simm.s32 $0x9;
	v3 =	vor.u32 v1, v3;
	v14 =	vld.idx.msk [tilespmem:v14+s4+$0x0], $0xffff  }
0xe8: {  	s30 =	simm.s32 $0xA;
	v19 =	vmov s29;
	s31 =	simm.s32 $0xB;
	v5 =	vor.u32 v1, v5;
	v11 =	vld.idx.msk [tilespmem:v11+s4+$0x0], $0xffff  }
0xe9: {  	s26 =	simm.s32 $0x8;
	s25 =	simm.s32 $0x2080;
	v20 =	vmov s30;
	s2 =	simm.s32 $0xC;
	v21 =	vmov s31;
	v18 =	vor.u32 v1, v2;
	v15 =	vld.idx.msk [tilespmem:v15+s4+$0x0], $0xffff  }
0xea: {  	s3 =	simm.s32 $0xD;
	v22 =	vmov s2;
	v4 =	vor.u32 v1, v4;
	v2 =	vmov s26;
	v16 =	vld.idx.msk [tilespmem:v16+s4+$0x0], $0xffff;
	[tilespmem:s25+$0xFFFFFFA0] =	vst v12  }
0xeb: {  	v23 =	vmov s3;
	v6 =	vor.u32 v1, v6;
	v2 =	vand.u32 $0x78, v2;
	v17 =	vld.idx.msk [tilespmem:v17+s4+$0x0], $0xffff;
	[tilespmem:s25+$0xFFFFFFC0] =	vst v13  }
0xec: {  	s6 =	simm.s32 $0xF;
	v8 =	vor.u32 v1, v8;
	v9 =	vor.u32 v1, v9;
	v2 =	vbroadcast v2, $0x0;
	[tilespmem:s25+$0xFFFFFFE0] =	vst v14;
	v24 =	vld.idx.msk [tilespmem:v3+s4+$0x0], $0xffff  }
0xed: {  	v13 =	vand.u32 $0x79, v19;
	[tilespmem:s25+$0x60] =	vst v11;
	v11 =	vmov s6;
	v3 =	vor.u32 v1, v7;
	v14 =	vld.idx.msk [tilespmem:v5+s4+$0x0], $0xffff  }
0xee: {  	s9 =	simm.s32 $0xE;
	[tilespmem:s25+$0x0] =	vst v15;
	v7 =	vor.u32 v0, v2;
	v13 =	vbroadcast v13, $0x0;
	v12 =	vld.idx.msk [tilespmem:v18+s4+$0x0], $0xffff;
	v11 =	vand.u32 $0x7F, v11  }
0xef: {  	[tilespmem:s25+$0x20] =	vst v16;
	v18 =	vmov s9;
	v19 =	vbroadcast v11, $0x0;
	v11 =	vld.idx.msk [tilespmem:v4+s4+$0x0], $0xffff;
	v4 =	vand.u32 $0x7A, v20  }
0xf0: {  	[tilespmem:s25+$0xFFFFFF80] =	vst v10;
	v6 =	vld.idx.msk [tilespmem:v6+s4+$0x0], $0xffff;
	v16 =	vor.u32 v0, v13;
	v5 =	vand.u32 $0x7E, v18;
	v20 =	vbroadcast v4, $0x0  }
0xf1: {  	s26 =	simm.s32 $0x20;
	v26 =	vld.idx.msk [tilespmem:v9+s4+$0x0], $0xffff;
	v4 =	vand.u32 $0x7B, v21;
	v5 =	vbroadcast v5, $0x0;
	v15 =	vor.u32 v0, v19  }
0xf2: {  	s30 =	simm.s32 $0x60;
	s2 =	sor.u32 $0x30, s26;
	[tilespmem:s25+$0x40] =	vst v17;
	v21 =	vbroadcast v4, $0x0;
	v4 =	vand.u32 $0x7C, v22;
	v22 =	vld.idx.msk [tilespmem:v8+s4+$0x0], $0xffff;
	v8 =	vor.u32 v0, v20  }
0xf3: {  	s29 =	simm.s32 $0x40;
	s31 =	sor.u32 $0x70, s30;
	v25 =	vbroadcast v4, $0x0;
	v4 =	vand.u32 $0x7D, v23;
	v23 =	vld.idx.msk [tilespmem:v3+s4+$0x0], $0xffff;
	[tilespmem:s2+$0x2000] =	vst v24;
	v28 =	vor.u32 v0, v5  }
0xf4: {  	s0 =	sor.u32 $0x50, s29;
	v3 =	vld.idx.msk [tilespmem:v7+s4+$0x0], $0xffff;
	[tilespmem:s31+$0x2000] =	vst v14;
	v7 =	vor.u32 v0, v21;
	v4 =	vbroadcast v4, $0x0  }
0xf5: {  	v10 =	vor.u32 v0, v25;
	[tilespmem:s0+$0x2000] =	vst v11;
	v11 =	vld.idx.msk [tilespmem:v16+s4+$0x0], $0xffff  }
0xf6: {  	s24 =	simm.s32 $0xE0;
	[tilespmem:s25+$0x10] =	vst v6;
	v63 =	vor.u32 v0, v4;
	v27 =	vld.idx.msk [tilespmem:v15+s4+$0x0], $0xffff  }
0xf7: {  	s3 =	simm.s32 $0xA0;
	s10 =	sor.u32 $0x70, s24;
	s26 =	simm.s32 $0x10;
	v17 =	vor.u32 v1, v19;
	[tilespmem:s25+$0xFFFFFF90] =	vst v26;
	v8 =	vld.idx.msk [tilespmem:v8+s4+$0x0], $0xffff  }
0xf8: {  	s29 =	simm.s32 $0x13;
	s6 =	simm.s32 $0xC0;
	v6 =	vmov s26;
	v14 =	vor.u32 v1, v13;
	v18 =	vor.u32 v1, v20;
	[tilespmem:s10+$0x2000] =	vst v12;
	s0 =	sor.u32 $0x30, s3;
	v20 =	vld.idx.msk [tilespmem:v28+s4+$0x0], $0xffff  }
0xf9: {  	v9 =	vmov s29;
	s9 =	simm.s32 $0x11;
	s2 =	sor.u32 $0x50, s6;
	v6 =	vand.u32 $0x78, v6;
	s10 =	simm.s32 $0x12;
	[tilespmem:s0+$0x2000] =	vst v22;
	v12 =	vld.idx.msk [tilespmem:v7+s4+$0x0], $0xffff  }
0xfa: {  	s30 =	simm.s32 $0x14;
	s31 =	simm.s32 $0x15;
	s25 =	simm.s32 $0x2180;
	v21 =	vor.u32 v1, v21;
	v19 =	vmov s10;
	v15 =	vmov s9;
	[tilespmem:s2+$0x2000] =	vst v23;
	v13 =	vld.idx.msk [tilespmem:v10+s4+$0x0], $0xffff  }
0xfb: {  	s28 =	simm.s32 $0x18;
	s0 =	simm.s32 $0x17;
	v22 =	vor.u32 v1, v25;
	v7 =	vmov s31;
	v10 =	vmov s30;
	v16 =	vld.idx.msk [tilespmem:v63+s4+$0x0], $0xffff;
	[tilespmem:s25+$0x60] =	vst v27  }
.LBB2_13:
0xfc: {  	p2 =	slt.u32 s28, $0x78;
	v6 =	vbroadcast v6, $0x0;
	s2 =	sadd.s32 $0x6, s26;
	v23 =	vmov s0;
	[tilespmem:s25+$0xFFFFFFA0] =	vst v11;
	v4 =	vor.u32 v1, v4;
	v11 =	vld.idx.msk [tilespmem:v17+s4+$0x0], $0xffff;
	s26 =	smov.u32 s28  }
0xfd: {  	v5 =	vor.u32 v1, v5;
	v17 =	vmov s2;
	v23 =	vand.u32 $0x7F, v23;
	v14 =	vld.idx.msk [tilespmem:v14+s4+$0x0], $0xffff;
	[tilespmem:s25+$0xFFFFFFC0] =	vst v8  }
0xfe: {  	v15 =	vand.u32 $0x79, v15;
	v8 =	vor.u32 v0, v6;
	v23 =	vbroadcast v23, $0x0;
	v18 =	vld.idx.msk [tilespmem:v18+s4+$0x0], $0xffff;
	[tilespmem:s25+$0xFFFFFFE0] =	vst v12  }
0xff: {  	v12 =	vbroadcast v15, $0x0;
	v15 =	vand.u32 $0x7A, v19;
	v19 =	vor.u32 v1, v2;
	v2 =	vmovc v6;
	v21 =	vld.idx.msk [tilespmem:v21+s4+$0x0], $0xffff;
	[tilespmem:s25+$0x0] =	vst v13  }
0x100: {  	s24 =	sadd.s32 $0x100, s24;
	v6 =	vand.u32 $0x7B, v9;
	v13 =	vbroadcast v15, $0x0;
	v9 =	vor.u32 v0, v23;
	v15 =	vld.idx.msk [tilespmem:v22+s4+$0x0], $0xffff;
	[tilespmem:s25+$0x20] =	vst v16  }
0x101: {  	s0 =	sadd.s32 $0xFFFFFF40, s24;
	s2 =	sadd.s32 $0xFFFFFF60, s24;
	s3 =	sor.u32 $0x70, s24;
	v16 =	vor.u32 v0, v12;
	v22 =	vbroadcast v6, $0x0;
	v6 =	vand.u32 $0x7C, v10;
	v10 =	vld.idx.msk [tilespmem:v4+s4+$0x0], $0xffff;
	[tilespmem:s25+$0x40] =	vst v20  }
0x102: {  	s6 =	sadd.s32 $0xFFFFFF80, s24;
	s9 =	sadd.s32 $0xFFFFFFC0, s24;
	s10 =	sadd.s32 $0xFFFFFFE0, s24;
	v20 =	vor.u32 v0, v13;
	v24 =	vbroadcast v6, $0x0;
	v4 =	vand.u32 $0x7D, v7;
	v7 =	vld.idx.msk [tilespmem:v5+s4+$0x0], $0xffff;
	[tilespmem:s3+$0x2000] =	vst v11  }
0x103: {  	s0 =	sor.u32 $0x30, s0;
	s2 =	sor.u32 $0x50, s2;
	v6 =	vor.u32 v0, v22;
	v4 =	vbroadcast v4, $0x0;
	v5 =	vand.u32 $0x7E, v17;
	s3 =	sor.u32 $0x70, s6;
	[tilespmem:s25+$0xFFFFFF80] =	vst v3;
	v3 =	vld.idx.msk [tilespmem:v8+s4+$0x0], $0xffff  }
0x104: {  	s6 =	sor.u32 $0x50, s10;
	v25 =	vor.u32 v0, v24;
	v5 =	vbroadcast v5, $0x0;
	v26 =	vld.idx.msk [tilespmem:v19+s4+$0x0], $0xffff;
	[tilespmem:s0+$0x2000] =	vst v14;
	s0 =	sor.u32 $0x30, s9  }
0x105: {  	v27 =	vor.u32 v0, v4;
	v28 =	vld.idx.msk [tilespmem:v9+s4+$0x0], $0xffff;
	[tilespmem:s2+$0x2000] =	vst v18  }
0x106: {  	v29 =	vor.u32 v0, v5;
	v11 =	vld.idx.msk [tilespmem:v16+s4+$0x0], $0xffff;
	[tilespmem:s3+$0x2000] =	vst v21  }
.Ltmp9:
0x107: {  	v17 =	vor.u32 v1, v23;
	v8 =	vld.idx.msk [tilespmem:v20+s4+$0x0], $0xffff;
	[tilespmem:s25+$0x10] =	vst v15;
	(pc) =	sbr.rel @p2 .LBB2_13-.Ltmp9, $4  }
0x108: {  	v14 =	vor.u32 v1, v12;
	v9 =	vmov s28;
	s2 =	sadd.s32 $0x1, s28;
	v12 =	vld.idx.msk [tilespmem:v6+s4+$0x0], $0xffff;
	[tilespmem:s0+$0x2000] =	vst v10  }
0x109: {  	v18 =	vor.u32 v1, v13;
	v15 =	vmov s2;
	s2 =	sadd.s32 $0x3, s28;
	v6 =	vand.u32 $0x78, v9;
	s0 =	sadd.s32 $0x2, s28;
	v13 =	vld.idx.msk [tilespmem:v25+s4+$0x0], $0xffff;
	[tilespmem:s6+$0x2000] =	vst v7  }
0x10a: {  	v21 =	vor.u32 v1, v22;
	v9 =	vmov s2;
	s2 =	sadd.s32 $0x5, s28;
	v19 =	vmov s0;
	s0 =	sadd.s32 $0x4, s28;
	v16 =	vld.idx.msk [tilespmem:v27+s4+$0x0], $0xffff;
	[tilespmem:s25+$0xFFFFFF90] =	vst v26;
	s25 =	sadd.s32 $0x100, s25  }
0x10b: {  	v22 =	vor.u32 v1, v24;
	v7 =	vmov s2;
	s28 =	sadd.s32 $0x8, s28;
	v10 =	vmov s0;
	s0 =	sadd.s32 $0x7, s26;
	v20 =	vld.idx.msk [tilespmem:v29+s4+$0x0], $0xffff;
	[tilespmem:s25+$0x60] =	vst v28  }
0x10c: {  	_ =	sdelay $0x1  }
0x10d: {  	[tilespmem:s25+$0xFFFFFFA0] =	vst v11  }
0x10e: {  	v42 =	vmov s0;
	[tilespmem:s25+$0xFFFFFFC0] =	vst v8  }
0x10f: {  	v17 =	vld.idx.msk [tilespmem:v17+s4+$0x0], $0xffff;
	v4 =	vor.u32 v1, v4;
	v5 =	vor.u32 v1, v5;
	v45 =	vand.u32 $0x79, v15;
	[tilespmem:s25+$0xFFFFFF80] =	vst v3  }
0x110: {  	v47 =	vand.u32 $0x7A, v19;
	v2 =	vor.u32 v1, v2;
	[tilespmem:s25+$0xFFFFFFE0] =	vst v12;
	v44 =	vld.idx.msk [tilespmem:v14+s4+$0x0], $0xffff;
	v14 =	vbroadcast v45, $0x0  }
0x111: {  	v9 =	vand.u32 $0x7B, v9;
	v10 =	vand.u32 $0x7C, v10;
	v46 =	vld.idx.msk [tilespmem:v18+s4+$0x0], $0xffff;
	v15 =	vbroadcast v47, $0x0;
	[tilespmem:s25+$0x0] =	vst v13  }
0x112: {  	s2 =	sadd.s32 $0x6, s26;
	s24 =	sadd.s32 $0x100, s24;
	v7 =	vand.u32 $0x7D, v7;
	v9 =	vbroadcast v9, $0x0;
	v48 =	vld.idx.msk [tilespmem:v21+s4+$0x0], $0xffff;
	[tilespmem:s25+$0x20] =	vst v16;
	v51 =	vor.u32 v0, v14  }
0x113: {  	v43 =	vmov s2;
	s29 =	sor.u32 $0x70, s24;
	s30 =	sadd.s32 $0xFFFFFF40, s24;
	v10 =	vbroadcast v10, $0x0;
	v50 =	vld.idx.msk [tilespmem:v22+s4+$0x0], $0xffff;
	v52 =	vor.u32 v0, v15;
	[tilespmem:s25+$0x40] =	vst v20  }
0x114: {  	v11 =	vand.u32 $0x7F, v42;
	s31 =	sadd.s32 $0xFFFFFF60, s24;
	v7 =	vbroadcast v7, $0x0;
	s2 =	sor.u32 $0x30, s30;
	v53 =	vor.u32 v0, v9;
	[tilespmem:s29+$0x2000] =	vst v17;
	v4 =	vld.idx.msk [tilespmem:v4+s4+$0x0], $0xffff  }
0x115: {  	s3 =	sadd.s32 $0xFFFFFF80, s24;
	v11 =	vbroadcast v11, $0x0;
	v8 =	vand.u32 $0x7E, v43;
	s0 =	sor.u32 $0x50, s31;
	v54 =	vor.u32 v0, v10;
	v3 =	vld.idx.msk [tilespmem:v5+s4+$0x0], $0xffff;
	[tilespmem:s2+$0x2000] =	vst v44  }
0x116: {  	s6 =	sor.u32 $0x70, s3;
	v8 =	vbroadcast v8, $0x0;
	v55 =	vor.u32 v0, v7;
	v2 =	vld.idx.msk [tilespmem:v2+s4+$0x0], $0xffff;
	[tilespmem:s0+$0x2000] =	vst v46  }
0x117: {  	v6 =	vbroadcast v6, $0x0;
	s9 =	sadd.s32 $0xFFFFFFC0, s24;
	v49 =	vor.u32 v0, v11;
	[tilespmem:s6+$0x2000] =	vst v48;
	v56 =	vld.idx.msk [tilespmem:v51+s4+$0x0], $0xffff  }
0x118: {  	s10 =	sadd.s32 $0xFFFFFFE0, s24;
	v57 =	vor.u32 v0, v8;
	s0 =	sor.u32 $0x30, s9;
	[tilespmem:s25+$0x10] =	vst v50;
	v17 =	vld.idx.msk [tilespmem:v52+s4+$0x0], $0xffff  }
0x119: {  	v58 =	vor.u32 v0, v6;
	s2 =	sor.u32 $0x50, s10;
	v5 =	vld.idx.msk [tilespmem:v53+s4+$0x0], $0xffff;
	[tilespmem:s0+$0x2000] =	vst v4  }
0x11a: {  	v9 =	vor.u32 v1, v9;
	v12 =	vld.idx.msk [tilespmem:v54+s4+$0x0], $0xffff;
	[tilespmem:s2+$0x2000] =	vst v3  }
0x11b: {  	v10 =	vor.u32 v1, v10;
	v13 =	vld.idx.msk [tilespmem:v55+s4+$0x0], $0xffff;
	[tilespmem:s25+$0xFFFFFF90] =	vst v2;
	s25 =	sadd.s32 $0x100, s25  }
0x11c: {  	v18 =	vld.idx.msk [tilespmem:v49+s4+$0x0], $0xffff;
	v3 =	vor.u32 v1, v14;
	[tilespmem:s25+$0xFFFFFFA0] =	vst v56  }
0x11d: {  	v11 =	vor.u32 v1, v11;
	v59 =	vld.idx.msk [tilespmem:v57+s4+$0x0], $0xffff;
	[tilespmem:s25+$0xFFFFFFC0] =	vst v17  }
0x11e: {  	v2 =	vor.u32 v1, v15;
	v4 =	vld.idx.msk [tilespmem:v58+s4+$0x0], $0xffff;
	[tilespmem:s25+$0xFFFFFFE0] =	vst v5  }
0x11f: {  	v7 =	vor.u32 v1, v7;
	[tilespmem:s25+$0x0] =	vst v12;
	v61 =	vld.idx.msk [tilespmem:v9+s4+$0x0], $0xffff  }
0x120: {  	v60 =	vor.u32 v1, v8;
	[tilespmem:s25+$0x20] =	vst v13;
	v62 =	vld.idx.msk [tilespmem:v10+s4+$0x0], $0xffff  }
0x121: {  	s26 =	sadd.s32 $0x100, s24;
	v6 =	vor.u32 v1, v6;
	[tilespmem:s25+$0x60] =	vst v18;
	v3 =	vld.idx.msk [tilespmem:v3+s4+$0x0], $0xffff  }
0x122: {  	s9 =	sadd.s32 $0xFFFFFF80, s26;
	v11 =	vld.idx.msk [tilespmem:v11+s4+$0x0], $0xffff;
	[tilespmem:s25+$0x40] =	vst v59  }
0x123: {  	s30 =	sor.u32 $0x70, s9;
	v2 =	vld.idx.msk [tilespmem:v2+s4+$0x0], $0xffff;
	[tilespmem:s25+$0xFFFFFF80] =	vst v4  }
0x124: {  	s6 =	sadd.s32 $0xFFFFFF40, s26;
	v7 =	vld.idx.msk [tilespmem:v7+s4+$0x0], $0xffff;
	[tilespmem:s30+$0x2000] =	vst v61  }
0x125: {  	s6 =	sor.u32 $0x30, s6;
	v63 =	vld.idx.msk [tilespmem:v60+s4+$0x0], $0xffff;
	[tilespmem:s25+$0x10] =	vst v62  }
0x126: {  	s28 =	sor.u32 $0x70, s26;
	s29 =	sadd.s32 $0xFFFFFF60, s26;
	[tilespmem:s6+$0x2000] =	vst v3;
	v3 =	vld.idx.msk [tilespmem:v6+s4+$0x0], $0xffff  }
0x127: {  	s31 =	sadd.s32 $0xFFFFFFC0, s26;
	s3 =	sor.u32 $0x50, s29;
	[tilespmem:s28+$0x2000] =	vst v11  }
0x128: {  	s2 =	sadd.s32 $0xFFFFFFE0, s26;
	[tilespmem:s3+$0x2000] =	vst v2;
	s3 =	sor.u32 $0x30, s31  }
0x129: {  	s2 =	sor.u32 $0x50, s2;
	[tilespmem:s3+$0x2000] =	vst v7  }
0x12a: {  	[tilespmem:s2+$0x2000] =	vst v63  }
0x12b: {  	[tilespmem:s25+$0xFFFFFF90] =	vst v3  }
.Ltmp10:
0x12c: {  	s0 =	rddreg [dreg:$0x6];
	(pc) =	sbr.rel .LBB2_15-.Ltmp10, $4  }
0x12d: {  	[hbm4b:s0+s4] =	stream.linear.scatter [tilespmem:s18], [sflag:$0x3], $0x1000, $0x38;
	[tilespmem:$0x4000] =	vst v63  }
0x12e: {  	_ =	swait.ge [sflag:s22], $0x1000  }
0x12f: {  	[sflag:s22] =	ssyncset.done $0x0  }
0x130: {  	[sflag:s22] =	ssyncadd.s32 $0xFFFFF000  }
.LBB2_16:
0x131: {  	_ =	sfence.sel $0x180000  }
0x132: {  	[bflag:$0x0] =	sbarrier.arrive $0xFFFF  }
0x133: {  	_ =	strace $0x90000047  }
0x134: {  	s0 =	stileid.u32;
	[bflag:$0x2] =	sbarrier.arrive $0xFFFF  }
0x135: {  	p0 =	sne.s32 s0, $0x0;
	s0 =	rddreg [dreg:$0x3]  }
0x136: {  	s0 =	sadd.s32 @!p0 $0x100000, s0  }
0x137: {  	[sflag:s0] =	ssyncadd.tile.s32 @!p0 $0x1;
	_ =	shalt  }
.Lfunc_end2:
_tile_overlayer_lowered:
.L_overlay_start_2:
0x138: {  	(tag) =	ssettag $0x2  }
0x139: {  	s0 =	rddreg [dreg:$0x0];
	s2 =	stileid.u32  }
0x13a: {  	s1 =	rddreg [dreg:$0x1];
	p0 =	sne.s32 s2, $0x0  }
0x13b: {  	s3 =	rddreg [dreg:$0x2];
	[bflag:$0x3] =	sbarrier.arrive $0xFFFF;
	s2 =	simm.s32 @!p0 $0x1C05  }
0x13c: {  	[timem:s3], [sflag:s2] =	dma.local @!p0 [hbm:s0], s1  }
0x13d: {  	s0 =	simm.s32 @!p0 $0x5  }
0x13e: {  	_ =	swait.ge @!p0 [sflag:s0], s1  }
0x13f: {  	s1 =	ssub.s32 @!p0 $0x0, s1;
	[sflag:s0] =	ssyncset.done @!p0 $0x0  }
0x140: {  	[sflag:s0] =	ssyncadd.s32 @!p0 s1  }
0x141: {  	[bflag:$0x3] =	sbarrier.arrive $0xFFFF  }
0x142: {  	_ =	shalt  }

// kernel: kernel.7.cloned.1.call-start
scs
__scs_entry_jumppad:
0x0: {  	(pc) =	sbr.rel $0x88, $3  }
0x1: {  	(tag) =	ssettag $0x0;
	lr =	simm.s32 $0x1  }
0x2: {  	[smem:$0x3F9F] =	sst lr;
	_ =	strace $0xD0000000  }
0x3: {  	_ = 	snop  }
0x4: {  	_ = 	snop  }
0x5: {  	_ = 	snop  }
0x6: {  	_ = 	snop  }
0x7: {  	_ = 	snop  }
__scs_overlays_trampoline_lowered:
0x8: {  	[smem:$0x3FAE] =	sst s0  }
0x9: {  	[smem:$0x3FAF] =	sst s1  }
0xa: {  	[smem:$0x3FB0] =	sst s2  }
0xb: {  	[smem:$0x3FB1] =	sst s3  }
0xc: {  	[smem:$0x3FB2] =	sst s4  }
0xd: {  	[smem:$0x3FB3] =	sst s5  }
0xe: {  	[smem:$0x3FB4] =	sst s6  }
0xf: {  	[smem:$0x3FB5] =	sst s7  }
0x10: {  	[smem:$0x3FB6] =	sst s8  }
0x11: {  	[smem:$0x3FB7] =	sst s9;
	s0 =	simm.s32 @!p0 $0x0  }
0x12: {  	s1 =	sld [smem:$0x3F9D];
	s0 =	simm.s32 @p0 $0x1  }
0x13: {  	[smem:$0x3FB8] =	sst s0;
	s0 =	simm.s32 @!p1 $0x0  }
0x14: {  	s2 =	sld [smem:$0x3F9C];
	s0 =	simm.s32 @p1 $0x1  }
0x15: {  	[smem:$0x3FB9] =	sst s0;
	s0 =	simm.s32 @!p2 $0x0  }
0x16: {  	s3 =	sld [smem:$0x3FDB];
	s0 =	simm.s32 @p2 $0x1  }
0x17: {  	s4 =	simm.s32 $0x1BF5;
	[smem:$0x3FBB] =	sst s0  }
0x18: {  	s0 =	sld [smem:$0x3F9E];
	_ =	swait.ge [sflag:s4], $0x0  }
0x19: {  	s7 =	sld [smem:$0x3F9F]  }
0x1a: {  	s8 =	sadd.s32 $0xFFFFE003, lr  }
0x1b: {  	s9 =	sadd.s32 $0xFFFFFEF7, lr;
	s5 =	simm.s32 $0xFFFFFFFF;
	p2 =	slt.u32 s8, $0xFFFFF086  }
0x1c: {  	p1 =	slt.u32 s9, $0xF7A;
	s5 =	simm.s32 @!p2 $0x0  }
0x1d: {  	s5 =	simm.s32 @p1 $0x1;
	p0 =	seq.s32 s7, s2  }
0x1e: {  	s7 =	smul.u32 @!p0 $0xF7A, s2;
	p2 =	seq.s32 @!p0 s5, $0x0  }
0x1f: {  	s9 =	smul.u32 $0xF7A, s1;
	s8 =	simm.s32 @!p0 $0x1BF5;
	p2 =	por !p2, p0  }
0x20: {  	[sflag:s8] =	ssyncset.s32 @!p0 $0xFFFFF086;
	s6 =	sadd.s32 @!p0 s3, s7;
	s7 =	simm.s32 @!p0 $0x108  }
0x21: {  	s3 =	sadd.s32 s3, s9;
	s6 =	sadd.s32 @!p0 $0x88, s6;
	s7 =	simm.s32 @p2 $0x1082  }
0x22: {  	[simem:s7], [sflag:s8] =	dma.local @!p0 [hbm:s6], $0xF7A  }
0x23: {  	s9 =	sor.u32 $0xD0000000, s2;
	s6 =	simm.s32 $0x108;
	_ =	swait.ge @!p0 [sflag:s8], $0x0  }
0x24: {  	s3 =	sadd.s32 $0x88, s3;
	s6 =	simm.s32 @!p1 $0x1082;
	[sflag:s4] =	ssyncset.s32 $0xFFFFF086  }
0x25: {  	[simem:s6], [sflag:s4] =	dma.local [hbm:s3], $0xF7A  }
0x26: {  	[smem:$0x3F9F] =	sst s1;
	(tag) =	ssettag s2;
	_ =	strace s9  }
0x27: {  	s1 =	sld [smem:$0x3FAF]  }
0x28: {  	s2 =	sld [smem:$0x3FB0]  }
0x29: {  	s4 =	sld [smem:$0x3FB2]  }
0x2a: {  	p0 =	seq.s32 s5, $0x0;
	s5 =	sld [smem:$0x3FB3]  }
0x2b: {  	s6 =	sld [smem:$0x3FB4]  }
0x2c: {  	s7 =	sld [smem:$0x3FB5]  }
0x2d: {  	s3 =	simm.s32 $0x108;
	s8 =	sld [smem:$0x3FB6]  }
0x2e: {  	s3 =	simm.s32 @!p0 $0x1082;
	s9 =	sld [smem:$0x3FB7]  }
0x2f: {  	lr =	sadd.s32 s0, s3;
	s0 =	sld [smem:$0x3FAE]  }
0x30: {  	s3 =	sld [smem:$0x3FB1]  }
0x31: {  	[smem:$0x3FBA] =	sst s10  }
0x32: {  	s10 =	sld [smem:$0x3FB8];
	_ =	sdelay $0x3  }
0x33: {  	p0 =	seq.s32 s10, $0x1;
	s10 =	sld [smem:$0x3FBA];
	_ =	sdelay $0x3  }
0x34: {  	[smem:$0x3FBA] =	sst s10  }
0x35: {  	s10 =	sld [smem:$0x3FB9];
	_ =	sdelay $0x3  }
0x36: {  	p1 =	seq.s32 s10, $0x1;
	s10 =	sld [smem:$0x3FBA];
	_ =	sdelay $0x3  }
0x37: {  	[smem:$0x3FBA] =	sst s10  }
0x38: {  	s10 =	sld [smem:$0x3FBB]  }
0x39: {  	_ = 	snop;
	(pc) =	sbr.ind lr, $3  }
0x3a: {  	_ = 	snop  }
0x3b: {  	_ = 	snop  }
0x3c: {  	p2 =	seq.s32 s10, $0x1;
	s10 =	sld [smem:$0x3FBA]  }
0x3d: {  	_ =	shalt  }
0x3e: {  	_ =	shalt  }
0x3f: {  	_ =	shalt  }
0x40: {  	_ =	shalt  }
0x41: {  	_ =	shalt  }
0x42: {  	_ =	shalt  }
0x43: {  	_ =	shalt  }
0x44: {  	_ =	shalt  }
0x45: {  	_ =	shalt  }
0x46: {  	_ =	shalt  }
0x47: {  	_ =	shalt  }
0x48: {  	_ =	shalt  }
0x49: {  	_ =	shalt  }
0x4a: {  	_ =	shalt  }
0x4b: {  	_ =	shalt  }
0x4c: {  	_ =	shalt  }
0x4d: {  	_ =	shalt  }
0x4e: {  	_ =	shalt  }
0x4f: {  	_ =	shalt  }
0x50: {  	_ =	shalt  }
0x51: {  	_ =	shalt  }
0x52: {  	_ =	shalt  }
0x53: {  	_ =	shalt  }
0x54: {  	_ =	shalt  }
0x55: {  	_ =	shalt  }
0x56: {  	_ =	shalt  }
0x57: {  	_ =	shalt  }
0x58: {  	_ =	shalt  }
0x59: {  	_ =	shalt  }
0x5a: {  	_ =	shalt  }
0x5b: {  	_ =	shalt  }
0x5c: {  	_ =	shalt  }
0x5d: {  	_ =	shalt  }
0x5e: {  	_ =	shalt  }
0x5f: {  	_ =	shalt  }
0x60: {  	_ =	shalt  }
0x61: {  	_ =	shalt  }
0x62: {  	_ =	shalt  }
0x63: {  	_ =	shalt  }
0x64: {  	_ =	shalt  }
0x65: {  	_ =	shalt  }
0x66: {  	_ =	shalt  }
0x67: {  	_ =	shalt  }
0x68: {  	_ =	shalt  }
0x69: {  	_ =	shalt  }
0x6a: {  	_ =	shalt  }
0x6b: {  	_ =	shalt  }
0x6c: {  	_ =	shalt  }
0x6d: {  	_ =	shalt  }
0x6e: {  	_ =	shalt  }
0x6f: {  	_ =	shalt  }
0x70: {  	_ =	shalt  }
0x71: {  	_ =	shalt  }
0x72: {  	_ =	shalt  }
0x73: {  	_ =	shalt  }
0x74: {  	_ =	shalt  }
0x75: {  	_ =	shalt  }
0x76: {  	_ =	shalt  }
0x77: {  	_ =	shalt  }
0x78: {  	_ =	shalt  }
0x79: {  	_ =	shalt  }
0x7a: {  	_ =	shalt  }
0x7b: {  	_ =	shalt  }
0x7c: {  	_ =	shalt  }
0x7d: {  	_ =	shalt  }
0x7e: {  	_ =	shalt  }
0x7f: {  	_ =	shalt  }
0x80: {  	_ =	shalt  }
0x81: {  	_ =	shalt  }
0x82: {  	_ =	shalt  }
0x83: {  	_ =	shalt  }
0x84: {  	_ =	shalt  }
0x85: {  	_ =	shalt  }
0x86: {  	_ =	shalt  }
0x87: {  	_ =	shalt  }
.Lfunc_end0:
.L_simem_size_0:
called_computation.1_lowered:
.L_overlay_start_0:
0x88: {  	s2 =	sld [smem:$0x3FD9]  }
0x89: {  	s3 =	sld [smem:$0x3FFE];
	_ =	sdelay $0x1  }
0x8a: {  	s1 =	srdreg.scid  }
0x8b: {  	s0 =	sand.u32 $0x1, s1  }
0x8c: {  	s17 =	sshll.u32 s0, $0xA;
	s2 =	sadd.s32 s3, s2  }
0x8d: {  	s2 =	sadd.s32 s2, s17  }
0x8e: {  	[smem:$0x3FC6] =	sst s2  }
0x8f: {  	_ = 	snop  }
0x90: {  	s2 =	sld [smem:$0x3FD0];
	(tm) =	ssettm $0x1  }
0x91: {  	s18 =	sld [smem:$0x3FFB];
	_ =	sdelay $0x3  }
0x92: {  	_ =	strace s18  }
0x93: {  	s3 =	sld [smem:$0x3FFC];
	_ =	sdelay $0x3  }
0x94: {  	_ =	strace s3  }
0x95: {  	s3 =	sld [smem:$0x3FFD];
	_ =	sdelay $0x3  }
0x96: {  	_ =	strace s3  }
0x97: {  	_ =	strace $0x8FFFFFFF  }
0x98: {  	s19 =	sld [smem:$0x3FDB];
	_ =	sdelay $0x1  }
0x99: {  	s4 =	simm.s32 $_scs_section_size  }
0x9a: {  	s5 =	simm.s32 $_size__tile_overlayer_lowered;
	s6 =	simm.s32 $_tile_overlayer_lowered  }
0x9b: {  	s22 =	simm.s32 $0x1BFF;
	s21 =	sshll.u32 s6, $0x1;
	s3 =	sadd.s32 s4, s19  }
0x9c: {  	s7 =	simm.s32 $0x0;
	s20 =	sshll.u32 s5, $0x1;
	s5 =	sadd.s32 s21, s3  }
0x9d: {  	[timem:s7], [sflag:s22] =	dma.local [hbm:s5], s20  }
0x9e: {  	_ =	swait.ge [sflag:s22], s20  }
0x9f: {  	s4 =	ssub.s32 $0x0, s20;
	[sflag:s22] =	ssyncset.done $0x0  }
0xa0: {  	[sflag:s22] =	ssyncadd.s32 s4;
	_ =	sdelay $0x1  }
0xa1: {  	s23 =	simm.s32 $0x1B8B  }
0xa2: {  	_ =	swait.ge [sflag:s23], $0x1  }
0xa3: {  	[sflag:s23] =	ssyncset.done $0x0  }
0xa4: {  	s25 =	simm.s32 $0x1B8E;
	s24 =	sld [smem:$0x3FFE];
	[sflag:s23] =	ssyncadd.s32 $0xFFFFFFFF  }
0xa5: {  	s26 =	simm.s32 $execute0_lowered;
	[smem:$0x3FD2] =	sst s25  }
0xa6: {  	s5 =	sshll.u32 s26, $0x1;
	_ =	strace $0x80000049;
	[dreg:$0x1] =	wrdreg $0xFFFFFFFF  }
0xa7: {  	s28 =	simm.s32 $_size_execute0_lowered;
	s3 =	sadd.s32 s3, s5;
	[dreg:$0x0] =	wrdreg $0x0  }
0xa8: {  	s5 =	sshll.u32 s28, $0x1;
	[dreg:$0x2] =	wrdreg s3  }
0xa9: {  	[dreg:$0x3] =	wrdreg s5  }
0xaa: {  	[dreg:$0x4] =	wrdreg $0xC0  }
0xab: {  	_ =	task [dreg:s7], $0x5FFFF  }
0xac: {  	[dreg:$0x1] =	wrdreg $0xFFFFFFFF  }
0xad: {  	[dreg:$0x0] =	wrdreg $0x60  }
0xae: {  	[dreg:$0x2] =	wrdreg s24  }
0xaf: {  	[dreg:$0x3] =	wrdreg s2  }
0xb0: {  	[dreg:$0x4] =	wrdreg $0x9  }
0xb1: {  	_ =	task.clear_ibuf [dreg:s7], $0x5FFFF;
	_ =	strace $0x90000049  }
0xb2: {  	s29 =	simm.s32 $0x9;
	_ =	strace $0x8000004B  }
0xb3: {  	_ =	swait.ge [sflag:s29], $0x1  }
0xb4: {  	[sflag:s29] =	ssyncadd.s32 $0xFFFFFFFF  }
0xb5: {  	_ =	strace $0x9000004B  }
0xb6: {  	_ =	sfence  }
0xb7: {  	s30 =	sld [smem:$0x0];
	_ =	sdelay $0x2  }
0xb8: {  	s31 =	sshll.u32 s1, $0xD;
	s1 =	sshrl.u32 s1, $0x2  }
0xb9: {  	s3 =	sand.u32 $0x4000, s31;
	s1 =	sadd.s32 s1, s30  }
0xba: {  	s0 =	sor.u32 s3, s0;
	s1 =	sshll.u32 s1, $0x11  }
0xbb: {  	s0 =	sor.u32 s1, s0  }
0xbc: {  	s0 =	sadd.s32 $0x8F2B, s0  }
0xbd: {  	[sflag:s0] =	ssyncadd.remote.s32 $0x1  }
0xbe: {  	_ =	sfence.sel $0xFFFF  }
0xbf: {  	[dreg:$0x0] =	wrdreg $0xFFFFFFFF;
	(pc) =	sbr.abs _section_cstart, $3  }
0xc0: {  	[dreg:$0x1] =	wrdreg $0xFFFFFFFF  }
0xc1: {  	_ =	task.clear_ibuf [dreg:s7], $0x2FFFF;
	_ =	strace $0x9FFFFFFF  }
0xc2: {  	(tm) =	ssettm $0x7FFFFFFF  }
0xc3: {  	_ =	shalt  }
tec
execute0_lowered:
.L_overlay_start_1:
0x0: {  	(tag) =	ssettag $0x1  }
0x1: {  	s0 =	rddreg [dreg:$0x0]  }
0x2: {  	s1 =	rddreg [dreg:$0x1]  }
0x3: {  	s2 =	simm.s32 $0x0;
	s25 =	srdreg.scid;
	s5 =	stileid.u32  }
0x4: {  	s13 =	simm.s32 $0x80;
	s15 =	simm.s32 $0xE00;
	s17 =	simm.s32 $0x1E00  }
0x5: {  	[smem:$0x7FF] =	sst s2;
	s4 =	sadd.s32 $0xA00, s0;
	s0 =	sadd.s32 $0x3D1400, s0  }
0x6: {  	s3 =	sshll.u32 s5, $0x1;
	s5 =	sshrl.u32 s5, $0x3;
	_ =	strace $0x8000004A  }
0x7: {  	[dreg:$0x3] =	wrdreg s0;
	s0 =	sand.u32 $0x1, s25;
	s3 =	sand.u32 $0xE, s3  }
0x8: {  	s6 =	smul.u32 $0xD, s5;
	s7 =	ssub.s32 $0x2, s0;
	s0 =	sor.u32 s0, s3  }
0x9: {  	v2 =	vlaneseq.u32;
	s18 =	simm.s32 $0x1;
	s26 =	smul.u32 $0x680000, s5;
	s29 =	sshll.u32 s0, $0xA  }
0xa: {  	s19 =	simm.s32 $0x400;
	v0 =	vmul.u32 $0x20, v2;
	s30 =	sadd.s32 $0x2, s6;
	[dreg:$0x4] =	wrdreg s29  }
0xb: {  	s8 =	sshrl.u32 s7, $0x1;
	s3 =	sadd.s32 $0x600000, s26;
	[dreg:$0x5] =	wrdreg s30  }
0xc: {  	v2 =	vmul.u32 $0x1A, v2;
	v3 =	vor.u32 $0x200, v0;
	v4 =	vor.u32 $0x400, v0;
	s0 =	sshll.u32 s0, $0xD;
	s28 =	ssub.s32 s7, s8;
	[dreg:$0x6] =	wrdreg s3  }
0xd: {  	s20 =	simm.s32 $0x20000;
	v5 =	vor.u32 $0x600, v0;
	v6 =	vor.u32 $0x800, v0;
	v7 =	vor.u32 $0xA00, v0;
	[dreg:$0x8] =	wrdreg s0;
	s31 =	smax.u32 s28, $0x1  }
0xe: {  	s22 =	simm.s32 $0x2;
	v8 =	vor.u32 $0xC00, v0;
	v9 =	vor.u32 $0xE00, v0;
	v1 =	vmov s6;
	s3 =	simm.s32 $0x0;
	[dreg:$0x7] =	wrdreg s31  }
.LBB2_1:
0xf: {  	[dreg:$0x9] =	wrdreg s3;
	s5 =	simm.s32 $0x0  }
.LBB2_2:
0x10: {  	s0 =	sshll.u32 s5, $0x7;
	s3 =	rddreg [dreg:$0x4]  }
0x11: {  	s0 =	sadd.s32 s3, s0  }
0x12: {  	s0 =	smul.u32 $0x1A, s0;
	_ =	sdelay $0x1  }
0x13: {  	s30 =	rddreg [dreg:$0x3];
	s0 =	sshrl.u32 s0, $0x3  }
0x14: {  	s31 =	simm.s32 $0x5;
	s3 =	sadd.s32 s30, s0;
	s0 =	simm.s32 $0x0  }
0x15: {  	[tilespmem:s0], [sflag:$0x5] =	stream.linear.gather [hbm4b:s3+s0], $0xD00, $0x38;
	[tilespmem:$0x4E00] =	vst v63  }
0x16: {  	_ =	swait.ge [sflag:s31], $0xD00  }
0x17: {  	[sflag:s31] =	ssyncset.done $0x0  }
0x18: {  	p0 =	por $0x1, $0x1;
	[sflag:s31] =	ssyncadd.s32 $0xFFFFF300  }
.LBB2_3:
0x19: {  	v10 =	vmov s0;
	s3 =	sor.u32 $0x10, s0  }
0x1a: {  	s30 =	sor.u32 $0x20, s0;
	v10 =	vmul.u32 $0x1A, v10;
	v11 =	vmov s3  }
0x1b: {  	s31 =	sor.u32 $0x30, s0;
	v12 =	vmov s30;
	v11 =	vmul.u32 $0x1A, v11  }
0x1c: {  	v13 =	vmov s31;
	v12 =	vmul.u32 $0x1A, v12;
	v10 =	vadd.s32 v1, v10  }
0x1d: {  	v13 =	vmul.u32 $0x1A, v13;
	v10 =	vbroadcast v10, $0x0;
	v11 =	vadd.s32 v1, v11  }
0x1e: {  	v12 =	vadd.s32 v1, v12;
	v11 =	vbroadcast v11, $0x0  }
0x1f: {  	v13 =	vadd.s32 v1, v13;
	v12 =	vbroadcast v12, $0x0;
	v10 =	vadd.s32 v2, v10  }
0x20: {  	v13 =	vbroadcast v13, $0x0;
	v11 =	vadd.s32 v2, v11  }
0x21: {  	v12 =	vadd.s32 v2, v12  }
0x22: {  	v13 =	vadd.s32 v2, v13;
	_ =	sdelay $0x1  }
0x23: {  	v10 =	vld.idx.msk [tilespmem:v10+s2+$0x0], $0xffff  }
0x24: {  	v11 =	vld.idx.msk [tilespmem:v11+s2+$0x0], $0xffff  }
0x25: {  	v12 =	vld.idx.msk [tilespmem:v12+s2+$0x0], $0xffff  }
0x26: {  	p1 =	por p0, p0;
	v13 =	vld.idx.msk [tilespmem:v13+s2+$0x0], $0xffff  }
.Ltmp0:
0x27: {  	_ = 	snop;
	(pc) =	sbr.rel @p1 .LBB2_3-.Ltmp0, $4  }
0x28: {  	[tilespmem:s0+$0xD00] =	vst v10  }
0x29: {  	[tilespmem:s0+$0xD10] =	vst v11  }
0x2a: {  	[tilespmem:s0+$0xD20] =	vst v12  }
0x2b: {  	p0 =	por $0x0, $0x0;
	[tilespmem:s0+$0xD30] =	vst v13;
	s0 =	simm.s32 $0x40  }
0x2c: {  	s0 =	simm.s32 $0xD00;
	s31 =	sshll.u32 s5, $0xA;
	s3 =	rddreg [dreg:$0x8]  }
0x2d: {  	[tilespmem:s15], [sflag:$0x1] =	stream.indirect.gather [hbm4b:s4+s13], $0x20, s0, s13, $0xb8;
	[tilespmem:$0x4E00] =	vst v63  }
0x2e: {  	[dreg:$0xa] =	wrdreg s5;
	s30 =	simm.s32 $0x0;
	s29 =	sadd.s32 s31, s3  }
.LBB2_5:
0x2f: {  	s0 =	sshll.u32 s30, $0x1  }
0x30: {  	s3 =	sadd.s32 s0, s6  }
0x31: {  	s31 =	sadd.s32 $0x1, s3  }
0x32: {  	p0 =	por $0x1, $0x1;
	s3 =	simm.s32 $0x0;
	v10 =	vmov s31  }
.LBB2_6:
0x33: {  	v11 =	vmov s3;
	s5 =	sor.u32 $0x10, s3  }
0x34: {  	s26 =	sor.u32 $0x20, s3;
	v11 =	vmul.u32 $0x1A, v11;
	v12 =	vmov s5  }
0x35: {  	s28 =	sor.u32 $0x30, s3;
	v13 =	vmov s26;
	v12 =	vmul.u32 $0x1A, v12  }
0x36: {  	v14 =	vmov s28;
	v13 =	vmul.u32 $0x1A, v13;
	v11 =	vadd.s32 v10, v11  }
0x37: {  	v14 =	vmul.u32 $0x1A, v14;
	v11 =	vbroadcast v11, $0x0;
	v12 =	vadd.s32 v10, v12  }
0x38: {  	v13 =	vadd.s32 v10, v13;
	v12 =	vbroadcast v12, $0x0  }
0x39: {  	v14 =	vadd.s32 v10, v14;
	v13 =	vbroadcast v13, $0x0;
	v11 =	vadd.s32 v2, v11  }
0x3a: {  	v14 =	vbroadcast v14, $0x0;
	v12 =	vadd.s32 v2, v12  }
0x3b: {  	v13 =	vadd.s32 v2, v13  }
0x3c: {  	v14 =	vadd.s32 v2, v14;
	_ =	sdelay $0x1  }
0x3d: {  	v11 =	vld.idx.msk [tilespmem:v11+s2+$0x0], $0xffff  }
0x3e: {  	v12 =	vld.idx.msk [tilespmem:v12+s2+$0x0], $0xffff  }
0x3f: {  	v13 =	vld.idx.msk [tilespmem:v13+s2+$0x0], $0xffff  }
0x40: {  	p1 =	por p0, p0;
	v14 =	vld.idx.msk [tilespmem:v14+s2+$0x0], $0xffff  }
.Ltmp1:
0x41: {  	_ = 	snop;
	(pc) =	sbr.rel @p1 .LBB2_6-.Ltmp1, $4  }
0x42: {  	[tilespmem:s3+$0xD80] =	vst v11  }
0x43: {  	[tilespmem:s3+$0xD90] =	vst v12  }
0x44: {  	[tilespmem:s3+$0xDA0] =	vst v13  }
0x45: {  	p0 =	por $0x0, $0x0;
	[tilespmem:s3+$0xDB0] =	vst v14;
	s3 =	simm.s32 $0x40  }
0x46: {  	s3 =	simm.s32 $0x0  }
0x47: {  	s26 =	simm.s32 $0x1;
	v10 =	vmov s3  }
0x48: {  	s5 =	simm.s32 $0xD80;
	v11 =	vmov s26;
	v10 =	vand.u32 $0x1C, v10  }
0x49: {  	[tilespmem:s17], [sflag:$0x2] =	stream.indirect.gather [hbm4b:s4+s13], $0x20, s5, s13, $0xb8;
	v17 =	vbroadcast v10, $0x0;
	v10 =	vand.u32 $0x1D, v11;
	[tilespmem:$0x4E00] =	vst v63  }
0x4a: {  	_ =	swait.ge [sflag:s18], $0x1000;
	v19 =	vbroadcast v10, $0x0  }
0x4b: {  	p0 =	seq.s32 s30, $0x0;
	[sflag:s18] =	ssyncset.done $0x0;
	v10 =	vor.u32 v0, v17  }
0x4c: {  	s3 =	simm.s32 @!p0 $0x3;
	[sflag:s18] =	ssyncadd.s32 $0xFFFFF000;
	v11 =	vor.u32 v0, v19  }
0x4d: {  	_ =	swait.ge @!p0 [sflag:s3], $0x1000  }
0x4e: {  	[sflag:s3] =	ssyncset.done @!p0 $0x0  }
0x4f: {  	[sflag:s3] =	ssyncadd.s32 @!p0 $0xFFFFF000  }
0x50: {  	v10 =	vld.idx.msk [tilespmem:v10+s15+$0x0], $0xffff  }
0x51: {  	s7 =	simm.s32 $0x2;
	v12 =	vor.u32 v3, v17;
	v11 =	vld.idx.msk [tilespmem:v11+s15+$0x0], $0xffff  }
0x52: {  	s8 =	simm.s32 $0x0;
	v13 =	vmov s7;
	v14 =	vor.u32 v3, v19  }
0x53: {  	s5 =	simm.s32 $0x80;
	v13 =	vand.u32 $0x1E, v13;
	s3 =	sand.u32 $0xC00, s8  }
0x54: {  	s10 =	simm.s32 $0x2E40;
	s5 =	sand.u32 $0x280, s5;
	v18 =	vbroadcast v13, $0x0;
	s3 =	sadd.s32 $0x2E00, s3  }
0x55: {  	s9 =	simm.s32 $0x3;
	s24 =	sadd.s32 s5, s3;
	[tilespmem:s10+$0xFFFFFFC0] =	vst v10  }
0x56: {  	v10 =	vor.u32 v0, v18;
	[tilespmem:s24+$0x0] =	vst v11;
	v11 =	vld.idx.msk [tilespmem:v12+s15+$0x0], $0xffff;
	v12 =	vmov s9  }
0x57: {  	v13 =	vld.idx.msk [tilespmem:v14+s15+$0x0], $0xffff;
	v14 =	vor.u32 v4, v17;
	v12 =	vand.u32 $0x1F, v12  }
0x58: {  	v15 =	vor.u32 v4, v19;
	v20 =	vbroadcast v12, $0x0;
	_ =	sdelay $0x1  }
0x59: {  	s11 =	simm.s32 $0x4;
	v16 =	vor.u32 v0, v20  }
0x5a: {  	v21 =	vld.idx.msk [tilespmem:v10+s15+$0x0], $0xffff;
	v10 =	vmov s11;
	[tilespmem:s10+$0xFFFFFFD0] =	vst v11  }
0x5b: {  	s12 =	simm.s32 $0x5;
	v22 =	vor.u32 v3, v18;
	v10 =	vand.u32 $0x1C, v10;
	[tilespmem:s24+$0x10] =	vst v13;
	v13 =	vld.idx.msk [tilespmem:v14+s15+$0x0], $0xffff  }
0x5c: {  	s14 =	simm.s32 $0x6;
	s7 =	simm.s32 $0x100;
	v11 =	vmov s12;
	v10 =	vbroadcast v10, $0x0;
	v14 =	vld.idx.msk [tilespmem:v15+s15+$0x0], $0xffff;
	v15 =	vor.u32 v5, v17  }
0x5d: {  	v24 =	vmov s14;
	s7 =	sand.u32 $0x300, s7;
	v23 =	vor.u32 v5, v19;
	v11 =	vand.u32 $0x1D, v11  }
0x5e: {  	s9 =	sadd.s32 s7, s3;
	v12 =	vbroadcast v11, $0x0;
	v11 =	vand.u32 $0x1E, v24;
	v24 =	vor.u32 v0, v10;
	v16 =	vld.idx.msk [tilespmem:v16+s15+$0x0], $0xffff  }
0x5f: {  	v11 =	vbroadcast v11, $0x0;
	[tilespmem:s9+$0x0] =	vst v21;
	v21 =	vor.u32 v3, v20  }
0x60: {  	s16 =	simm.s32 $0x180;
	v25 =	vor.u32 v0, v12;
	v22 =	vld.idx.msk [tilespmem:v22+s15+$0x0], $0xffff;
	[tilespmem:s10+$0xFFFFFFE0] =	vst v13  }
0x61: {  	s5 =	sand.u32 $0x380, s16;
	v13 =	vor.u32 v0, v11;
	[tilespmem:s24+$0x20] =	vst v14;
	v14 =	vld.idx.msk [tilespmem:v15+s15+$0x0], $0xffff  }
0x62: {  	s7 =	sadd.s32 s5, s3;
	v15 =	vld.idx.msk [tilespmem:v23+s15+$0x0], $0xffff;
	v23 =	vor.u32 v6, v17  }
0x63: {  	v26 =	vor.u32 v6, v19;
	v24 =	vld.idx.msk [tilespmem:v24+s15+$0x0], $0xffff;
	[tilespmem:s7+$0x0] =	vst v16  }
0x64: {  	v16 =	vor.u32 v4, v18;
	v21 =	vld.idx.msk [tilespmem:v21+s15+$0x0], $0xffff  }
0x65: {  	v27 =	vor.u32 v4, v20;
	v25 =	vld.idx.msk [tilespmem:v25+s15+$0x0], $0xffff  }
0x66: {  	v28 =	vor.u32 v3, v10;
	v13 =	vld.idx.msk [tilespmem:v13+s15+$0x0], $0xffff;
	[tilespmem:s10+$0xFFFFFFF0] =	vst v14  }
0x67: {  	s21 =	simm.s32 $0x200;
	v14 =	vor.u32 v3, v12;
	[tilespmem:s24+$0x30] =	vst v15;
	v15 =	vld.idx.msk [tilespmem:v23+s15+$0x0], $0xffff  }
0x68: {  	s23 =	sand.u32 $0xC00, s21;
	s11 =	simm.s32 $0x280;
	[tilespmem:s9+$0x10] =	vst v22;
	v23 =	vor.u32 v7, v17;
	v22 =	vld.idx.msk [tilespmem:v26+s15+$0x0], $0xffff  }
0x69: {  	s25 =	sadd.s32 $0x2E00, s23;
	s3 =	simm.s32 $0x3040;
	s12 =	sand.u32 $0x280, s11;
	v26 =	vor.u32 v3, v11;
	v16 =	vld.idx.msk [tilespmem:v16+s15+$0x0], $0xffff;
	[tilespmem:s7+$0x10] =	vst v21  }
0x6a: {  	s14 =	simm.s32 $0x300;
	s5 =	sadd.s32 s12, s25;
	[tilespmem:s3+$0xFFFFFFC0] =	vst v24;
	v21 =	vor.u32 v5, v18;
	v24 =	vld.idx.msk [tilespmem:v27+s15+$0x0], $0xffff  }
0x6b: {  	s26 =	sand.u32 $0x300, s14;
	[tilespmem:s5+$0x0] =	vst v25;
	v25 =	vld.idx.msk [tilespmem:v28+s15+$0x0], $0xffff;
	v27 =	vor.u32 v5, v20  }
0x6c: {  	s26 =	sadd.s32 s26, s25;
	s8 =	simm.s32 $0x7;
	v14 =	vld.idx.msk [tilespmem:v14+s15+$0x0], $0xffff;
	[tilespmem:s10+$0x0] =	vst v15;
	v15 =	vor.u32 v7, v19  }
0x6d: {  	v29 =	vor.u32 v4, v12;
	v28 =	vmov s8;
	[tilespmem:s26+$0x0] =	vst v13;
	v23 =	vld.idx.msk [tilespmem:v23+s15+$0x0], $0xffff  }
0x6e: {  	v13 =	vand.u32 $0x1F, v28;
	v26 =	vld.idx.msk [tilespmem:v26+s15+$0x0], $0xffff;
	[tilespmem:s9+$0x20] =	vst v16;
	v16 =	vor.u32 v4, v10  }
0x6f: {  	v13 =	vbroadcast v13, $0x0;
	v21 =	vld.idx.msk [tilespmem:v21+s15+$0x0], $0xffff;
	[tilespmem:s7+$0x20] =	vst v24;
	v24 =	vor.u32 v8, v17  }
0x70: {  	v30 =	vor.u32 v6, v18;
	[tilespmem:s24+$0x40] =	vst v22;
	v22 =	vld.idx.msk [tilespmem:v27+s15+$0x0], $0xffff  }
0x71: {  	s14 =	simm.s32 $0x8;
	v27 =	vor.u32 v0, v13;
	[tilespmem:s5+$0x10] =	vst v14;
	v28 =	vld.idx.msk [tilespmem:v15+s15+$0x0], $0xffff  }
0x72: {  	s16 =	simm.s32 $0x9;
	v31 =	vor.u32 v6, v20;
	[tilespmem:s3+$0xFFFFFFD0] =	vst v25;
	v14 =	vmov s14;
	v25 =	vld.idx.msk [tilespmem:v29+s15+$0x0], $0xffff  }
0x73: {  	v14 =	vand.u32 $0x1C, v14;
	v15 =	vmov s16;
	v29 =	vor.u32 v5, v12;
	[tilespmem:s10+$0x10] =	vst v23;
	v23 =	vld.idx.msk [tilespmem:v16+s15+$0x0], $0xffff  }
0x74: {  	s21 =	simm.s32 $0xA;
	v32 =	vor.u32 v8, v19;
	v14 =	vbroadcast v14, $0x0;
	v15 =	vand.u32 $0x1D, v15;
	[tilespmem:s9+$0x30] =	vst v21;
	v24 =	vld.idx.msk [tilespmem:v24+s15+$0x0], $0xffff  }
0x75: {  	v16 =	vmov s21;
	v15 =	vbroadcast v15, $0x0;
	v21 =	vor.u32 v5, v10;
	v30 =	vld.idx.msk [tilespmem:v30+s15+$0x0], $0xffff  }
0x76: {  	v16 =	vand.u32 $0x1E, v16;
	v27 =	vld.idx.msk [tilespmem:v27+s15+$0x0], $0xffff;
	[tilespmem:s7+$0x30] =	vst v22;
	v22 =	vor.u32 v0, v14  }
0x77: {  	v16 =	vbroadcast v16, $0x0;
	v33 =	vor.u32 v0, v15;
	[tilespmem:s5+$0x20] =	vst v25;
	v25 =	vld.idx.msk [tilespmem:v31+s15+$0x0], $0xffff  }
0x78: {  	v31 =	vor.u32 v3, v13;
	[tilespmem:s24+$0x50] =	vst v28;
	v29 =	vld.idx.msk [tilespmem:v29+s15+$0x0], $0xffff  }
0x79: {  	s23 =	simm.s32 $0x380;
	v28 =	vor.u32 v0, v16;
	[tilespmem:s3+$0xFFFFFFE0] =	vst v23;
	v23 =	vld.idx.msk [tilespmem:v32+s15+$0x0], $0xffff  }
0x7a: {  	s12 =	sand.u32 $0x380, s23;
	[tilespmem:s26+$0x10] =	vst v26;
	v26 =	vor.u32 v6, v12;
	v21 =	vld.idx.msk [tilespmem:v21+s15+$0x0], $0xffff  }
0x7b: {  	s11 =	sadd.s32 s12, s25;
	v19 =	vor.u32 v9, v19;
	[tilespmem:s9+$0x40] =	vst v30;
	v22 =	vld.idx.msk [tilespmem:v22+s15+$0x0], $0xffff  }
0x7c: {  	v30 =	vor.u32 v7, v18;
	[tilespmem:s11+$0x0] =	vst v27;
	v27 =	vld.idx.msk [tilespmem:v33+s15+$0x0], $0xffff  }
0x7d: {  	v61 =	vor.u32 v7, v20;
	v31 =	vld.idx.msk [tilespmem:v31+s15+$0x0], $0xffff;
	[tilespmem:s7+$0x40] =	vst v25  }
0x7e: {  	v25 =	vld.idx.msk [tilespmem:v28+s15+$0x0], $0xffff;
	v28 =	vor.u32 v6, v10;
	[tilespmem:s5+$0x30] =	vst v29  }
0x7f: {  	s25 =	simm.s32 $0x400;
	v29 =	vor.u32 v3, v14;
	[tilespmem:s24+$0x60] =	vst v23;
	v26 =	vld.idx.msk [tilespmem:v26+s15+$0x0], $0xffff  }
0x80: {  	s12 =	simm.s32 $0x3240;
	s8 =	sand.u32 $0xC00, s25;
	s16 =	simm.s32 $0x480;
	v23 =	vor.u32 v4, v11;
	[tilespmem:s3+$0xFFFFFFF0] =	vst v21;
	v19 =	vld.idx.msk [tilespmem:v19+s15+$0x0], $0xffff  }
0x81: {  	s28 =	sadd.s32 $0x2E00, s8;
	s16 =	sand.u32 $0x280, s16;
	v21 =	vor.u32 v3, v15;
	[tilespmem:s12+$0xFFFFFFC0] =	vst v22;
	v22 =	vld.idx.msk [tilespmem:v30+s15+$0x0], $0xffff  }
0x82: {  	v17 =	vor.u32 v9, v17;
	s25 =	sadd.s32 s16, s28;
	[tilespmem:s10+$0x20] =	vst v24;
	v30 =	vld.idx.msk [tilespmem:v61+s15+$0x0], $0xffff  }
0x83: {  	[tilespmem:s25+$0x0] =	vst v27;
	v27 =	vor.u32 v4, v13;
	v28 =	vld.idx.msk [tilespmem:v28+s15+$0x0], $0xffff  }
0x84: {  	s21 =	simm.s32 $0x500;
	v24 =	vor.u32 v8, v18;
	[tilespmem:s11+$0x10] =	vst v31;
	v62 =	vld.idx.msk [tilespmem:v29+s15+$0x0], $0xffff  }
0x85: {  	s14 =	sand.u32 $0x300, s21;
	v29 =	vor.u32 v7, v10;
	v23 =	vld.idx.msk [tilespmem:v23+s15+$0x0], $0xffff;
	[tilespmem:s5+$0x40] =	vst v26  }
0x86: {  	v34 =	vor.u32 v7, v12;
	v31 =	vld.idx.msk [tilespmem:v21+s15+$0x0], $0xffff;
	[tilespmem:s24+$0x70] =	vst v19;
	s24 =	sadd.s32 s14, s28  }
0x87: {  	v26 =	vor.u32 v3, v16;
	v21 =	vld.idx.msk [tilespmem:v17+s15+$0x0], $0xffff;
	[tilespmem:s24+$0x0] =	vst v25  }
0x88: {  	v19 =	vor.u32 v5, v11;
	v27 =	vld.idx.msk [tilespmem:v27+s15+$0x0], $0xffff;
	[tilespmem:s9+$0x50] =	vst v22  }
0x89: {  	v22 =	vor.u32 v8, v20;
	v24 =	vld.idx.msk [tilespmem:v24+s15+$0x0], $0xffff;
	[tilespmem:s3+$0x0] =	vst v28  }
0x8a: {  	s23 =	simm.s32 $0xB;
	[tilespmem:s7+$0x50] =	vst v30;
	v28 =	vor.u32 v5, v13;
	v25 =	vld.idx.msk [tilespmem:v29+s15+$0x0], $0xffff  }
0x8b: {  	v17 =	vmov s23;
	v30 =	vor.u32 v9, v18;
	[tilespmem:s26+$0x20] =	vst v23;
	v23 =	vld.idx.msk [tilespmem:v34+s15+$0x0], $0xffff  }
0x8c: {  	v35 =	vor.u32 v4, v15;
	v17 =	vand.u32 $0x1F, v17;
	[tilespmem:s12+$0xFFFFFFD0] =	vst v62;
	v63 =	vld.idx.msk [tilespmem:v26+s15+$0x0], $0xffff  }
0x8d: {  	v17 =	vbroadcast v17, $0x0;
	[tilespmem:s25+$0x10] =	vst v31;
	v29 =	vld.idx.msk [tilespmem:v19+s15+$0x0], $0xffff  }
0x8e: {  	v18 =	vor.u32 v6, v13;
	v31 =	vor.u32 v4, v14;
	[tilespmem:s11+$0x20] =	vst v27;
	v27 =	vld.idx.msk [tilespmem:v22+s15+$0x0], $0xffff  }
0x8f: {  	v32 =	vor.u32 v0, v17;
	v22 =	vor.u32 v8, v10;
	v28 =	vld.idx.msk [tilespmem:v28+s15+$0x0], $0xffff;
	[tilespmem:s9+$0x60] =	vst v24  }
0x90: {  	v19 =	vor.u32 v4, v16;
	v24 =	vor.u32 v9, v20;
	v26 =	vld.idx.msk [tilespmem:v30+s15+$0x0], $0xffff;
	[tilespmem:s3+$0x10] =	vst v25  }
0x91: {  	s16 =	simm.s32 $0x580;
	s23 =	simm.s32 $0xC;
	v20 =	vor.u32 v6, v17;
	v25 =	vld.idx.msk [tilespmem:v35+s15+$0x0], $0xffff;
	v30 =	vor.u32 v6, v11;
	[tilespmem:s24+$0x10] =	vst v63  }
.LBB2_8:
0x92: {  	s21 =	sadd.s32 $0x1, s23  }
0x93: {  	v33 =	vmov s23;
	p1 =	slt.u32 s23, $0x1C;
	v31 =	vld.idx.msk [tilespmem:v31+s15+$0x0], $0xffff;
	v34 =	vor.u32 v8, v12;
	[tilespmem:s26+$0x30] =	vst v29;
	s14 =	smov.u32 s23;
	s23 =	sadd.s32 $0x4, s23  }
0x94: {  	v35 =	vor.u32 v5, v15;
	v29 =	vand.u32 $0x1C, v33;
	v33 =	vmov s21;
	s21 =	sadd.s32 $0x2, s14;
	v22 =	vld.idx.msk [tilespmem:v22+s15+$0x0], $0xffff;
	[tilespmem:s7+$0x60] =	vst v27  }
0x95: {  	v27 =	vbroadcast v29, $0x0;
	v29 =	vand.u32 $0x1D, v33;
	v33 =	vmov s21;
	[tilespmem:s11+$0x30] =	vst v28;
	v24 =	vld.idx.msk [tilespmem:v24+s15+$0x0], $0xffff  }
0x96: {  	v28 =	vbroadcast v29, $0x0;
	v29 =	vand.u32 $0x1E, v33;
	v33 =	vor.u32 v5, v14;
	v32 =	vld.idx.msk [tilespmem:v32+s15+$0x0], $0xffff;
	[tilespmem:s9+$0x70] =	vst v26;
	s9 =	smov.u32 s26;
	s26 =	smov.u32 s24  }
0x97: {  	v26 =	vor.u32 v0, v27;
	v29 =	vbroadcast v29, $0x0;
	v30 =	vld.idx.msk [tilespmem:v30+s15+$0x0], $0xffff;
	[tilespmem:s10+$0x30] =	vst v21;
	s10 =	smov.u32 s3;
	s3 =	smov.u32 s12  }
0x98: {  	v21 =	vor.u32 v0, v28;
	[tilespmem:s25+$0x20] =	vst v25;
	v25 =	vld.idx.msk [tilespmem:v18+s15+$0x0], $0xffff;
	v18 =	vmov v20  }
0x99: {  	v36 =	vor.u32 v3, v17;
	v20 =	vor.u32 v0, v29;
	v35 =	vld.idx.msk [tilespmem:v35+s15+$0x0], $0xffff;
	[tilespmem:s5+$0x50] =	vst v23  }
0x9a: {  	s21 =	sand.u32 $0x380, s16;
	[tilespmem:s12+$0xFFFFFFE0] =	vst v31;
	v23 =	vld.idx.msk [tilespmem:v34+s15+$0x0], $0xffff  }
0x9b: {  	v31 =	vld.idx.msk [tilespmem:v33+s15+$0x0], $0xffff;
	v33 =	vor.u32 v6, v15;
	[tilespmem:s7+$0x70] =	vst v24;
	s7 =	smov.u32 s11;
	s11 =	sadd.s32 s21, s28  }
0x9c: {  	v24 =	vld.idx.msk [tilespmem:v26+s15+$0x0], $0xffff;
	[tilespmem:s11+$0x0] =	vst v32;
	v26 =	vor.u32 v9, v12;
	v12 =	vmov v15;
	v15 =	vmov v28  }
0x9d: {  	v28 =	vor.u32 v7, v11;
	v21 =	vld.idx.msk [tilespmem:v21+s15+$0x0], $0xffff;
	[tilespmem:s9+$0x40] =	vst v30;
	v30 =	vor.u32 v7, v13  }
0x9e: {  	s16 =	sadd.s32 $0x200, s16;
	v32 =	vor.u32 v3, v27;
	v34 =	vld.idx.msk [tilespmem:v36+s15+$0x0], $0xffff;
	[tilespmem:s7+$0x40] =	vst v25  }
0x9f: {  	s21 =	sadd.s32 $0xFFFFFE80, s16;
	v25 =	vor.u32 v3, v15;
	v36 =	vor.u32 v6, v14;
	v20 =	vld.idx.msk [tilespmem:v20+s15+$0x0], $0xffff;
	[tilespmem:s25+$0x30] =	vst v35  }
0xa0: {  	s24 =	sadd.s32 $0xFFFFFF00, s16;
	s12 =	sadd.s32 $0x200, s12;
	s21 =	sand.u32 $0xC00, s21;
	v35 =	vor.u32 v3, v29;
	v33 =	vld.idx.msk [tilespmem:v33+s15+$0x0], $0xffff;
	[tilespmem:s5+$0x60] =	vst v23  }
0xa1: {  	s24 =	sand.u32 $0x280, s24;
	s28 =	sadd.s32 $0x2E00, s21;
	s21 =	sadd.s32 $0xFFFFFF80, s16;
	[tilespmem:s3+$0xFFFFFFF0] =	vst v31;
	v23 =	vld.idx.msk [tilespmem:v26+s15+$0x0], $0xffff  }
0xa2: {  	s8 =	sadd.s32 s24, s28;
	s21 =	sand.u32 $0x300, s21;
	[tilespmem:s12+$0xFFFFFFC0] =	vst v24;
	v24 =	vld.idx.msk [tilespmem:v28+s15+$0x0], $0xffff  }
0xa3: {  	s24 =	sadd.s32 s21, s28;
	[tilespmem:s8+$0x0] =	vst v21;
	v21 =	vor.u32 v4, v17;
	v26 =	vld.idx.msk [tilespmem:v30+s15+$0x0], $0xffff  }
0xa4: {  	v28 =	vld.idx.msk [tilespmem:v36+s15+$0x0], $0xffff;
	[tilespmem:s10+$0x20] =	vst v22;
	v22 =	vor.u32 v8, v11  }
0xa5: {  	v31 =	vor.u32 v9, v10;
	v10 =	vmov v14;
	v14 =	vmov v27;
	v30 =	vld.idx.msk [tilespmem:v32+s15+$0x0], $0xffff;
	[tilespmem:s11+$0x10] =	vst v34  }
0xa6: {  	v27 =	vor.u32 v7, v10;
	v34 =	vor.u32 v4, v15;
	[tilespmem:s25+$0x40] =	vst v33;
	v32 =	vld.idx.msk [tilespmem:v19+s15+$0x0], $0xffff  }
0xa7: {  	v19 =	vor.u32 v4, v29;
	v25 =	vld.idx.msk [tilespmem:v25+s15+$0x0], $0xffff;
	[tilespmem:s5+$0x70] =	vst v23;
	s5 =	smov.u32 s25;
	s25 =	smov.u32 s8  }
0xa8: {  	v36 =	vor.u32 v8, v13;
	v23 =	vor.u32 v5, v16;
	v33 =	vld.idx.msk [tilespmem:v21+s15+$0x0], $0xffff;
	[tilespmem:s9+$0x50] =	vst v24  }
0xa9: {  	v37 =	vld.idx.msk [tilespmem:v22+s15+$0x0], $0xffff;
	[tilespmem:s7+$0x50] =	vst v26  }
0xaa: {  	v26 =	vor.u32 v5, v17;
	[tilespmem:s3+$0x0] =	vst v28;
	v21 =	vld.idx.msk [tilespmem:v31+s15+$0x0], $0xffff  }
0xab: {  	[tilespmem:s24+$0x0] =	vst v20;
	v38 =	vld.idx.msk [tilespmem:v27+s15+$0x0], $0xffff;
	v20 =	vor.u32 v9, v11;
	v11 =	vmov v16;
	v16 =	vmov v29  }
0xac: {  	v39 =	vor.u32 v7, v12;
	s8 =	sadd.s32 $0x3, s14;
	v35 =	vld.idx.msk [tilespmem:v35+s15+$0x0], $0xffff;
	[tilespmem:s26+$0x20] =	vst v32  }
0xad: {  	v24 =	vor.u32 v9, v13;
	v13 =	vmov v17;
	v22 =	vmov s8;
	[tilespmem:s25+$0x10] =	vst v25;
	v29 =	vld.idx.msk [tilespmem:v23+s15+$0x0], $0xffff  }
.Ltmp2:
0xae: {  	v31 =	vor.u32 v4, v14;
	v17 =	vand.u32 $0x1F, v22;
	[tilespmem:s11+$0x20] =	vst v33;
	v27 =	vld.idx.msk [tilespmem:v36+s15+$0x0], $0xffff;
	(pc) =	sbr.rel @p1 .LBB2_8-.Ltmp2, $4  }
0xaf: {  	v22 =	vor.u32 v8, v10;
	v17 =	vbroadcast v17, $0x0;
	v28 =	vld.idx.msk [tilespmem:v26+s15+$0x0], $0xffff;
	[tilespmem:s9+$0x60] =	vst v37  }
0xb0: {  	[tilespmem:s12+$0xFFFFFFD0] =	vst v30;
	v26 =	vld.idx.msk [tilespmem:v20+s15+$0x0], $0xffff  }
0xb1: {  	v32 =	vor.u32 v0, v17;
	v20 =	vor.u32 v6, v17;
	[tilespmem:s3+$0x10] =	vst v38;
	v23 =	vld.idx.msk [tilespmem:v39+s15+$0x0], $0xffff  }
0xb2: {  	v30 =	vor.u32 v6, v11;
	v25 =	vld.idx.msk [tilespmem:v34+s15+$0x0], $0xffff;
	[tilespmem:s24+$0x10] =	vst v35  }
0xb3: {  	_ =	sdelay $0x3  }
0xb4: {  	v32 =	vld.idx.msk [tilespmem:v32+s15+$0x0], $0xffff  }
0xb5: {  	v33 =	vor.u32 v3, v17;
	_ =	sdelay $0x1  }
0xb6: {  	[tilespmem:s26+$0x30] =	vst v29;
	s8 =	sand.u32 $0x380, s16  }
0xb7: {  	[tilespmem:s7+$0x60] =	vst v27;
	s14 =	sadd.s32 s8, s28  }
0xb8: {  	[tilespmem:s14+$0x0] =	vst v32  }
0xb9: {  	[tilespmem:s10+$0x30] =	vst v21;
	v54 =	vld.idx.msk [tilespmem:v33+s15+$0x0], $0xffff  }
0xba: {  	v55 =	vld.idx.msk [tilespmem:v31+s15+$0x0], $0xffff;
	v56 =	vor.u32 v4, v17;
	[tilespmem:s11+$0x30] =	vst v28  }
0xbb: {  	v19 =	vld.idx.msk [tilespmem:v19+s15+$0x0], $0xffff;
	[tilespmem:s9+$0x70] =	vst v26  }
0xbc: {  	v57 =	vor.u32 v5, v15;
	v35 =	vld.idx.msk [tilespmem:v22+s15+$0x0], $0xffff;
	[tilespmem:s5+$0x50] =	vst v23  }
0xbd: {  	v58 =	vor.u32 v8, v12;
	v24 =	vld.idx.msk [tilespmem:v24+s15+$0x0], $0xffff;
	[tilespmem:s25+$0x20] =	vst v25  }
0xbe: {  	v60 =	vor.u32 v5, v16;
	v30 =	vld.idx.msk [tilespmem:v30+s15+$0x0], $0xffff;
	[tilespmem:s14+$0x10] =	vst v54  }
0xbf: {  	v59 =	vor.u32 v5, v14;
	[tilespmem:s12+$0xFFFFFFE0] =	vst v55;
	v26 =	vld.idx.msk [tilespmem:v56+s15+$0x0], $0xffff  }
0xc0: {  	v62 =	vor.u32 v5, v17;
	v18 =	vld.idx.msk [tilespmem:v18+s15+$0x0], $0xffff;
	[tilespmem:s24+$0x20] =	vst v19  }
0xc1: {  	v61 =	vld.idx.msk [tilespmem:v57+s15+$0x0], $0xffff;
	v32 =	vor.u32 v7, v11;
	[tilespmem:s3+$0x20] =	vst v35  }
0xc2: {  	v39 =	vor.u32 v7, v13;
	v21 =	vld.idx.msk [tilespmem:v58+s15+$0x0], $0xffff;
	[tilespmem:s7+$0x70] =	vst v24  }
0xc3: {  	v63 =	vor.u32 v6, v15;
	[tilespmem:s26+$0x40] =	vst v30;
	v34 =	vld.idx.msk [tilespmem:v60+s15+$0x0], $0xffff  }
0xc4: {  	v36 =	vor.u32 v6, v16;
	v25 =	vld.idx.msk [tilespmem:v59+s15+$0x0], $0xffff;
	[tilespmem:s14+$0x20] =	vst v26  }
0xc5: {  	v37 =	vor.u32 v6, v14;
	[tilespmem:s11+$0x40] =	vst v18;
	v24 =	vld.idx.msk [tilespmem:v62+s15+$0x0], $0xffff  }
0xc6: {  	[tilespmem:s25+$0x30] =	vst v61;
	v40 =	vld.idx.msk [tilespmem:v32+s15+$0x0], $0xffff  }
0xc7: {  	v33 =	vor.u32 v9, v12;
	[tilespmem:s5+$0x60] =	vst v21;
	v21 =	vld.idx.msk [tilespmem:v39+s15+$0x0], $0xffff  }
0xc8: {  	v41 =	vor.u32 v8, v11;
	v38 =	vld.idx.msk [tilespmem:v63+s15+$0x0], $0xffff;
	[tilespmem:s24+$0x30] =	vst v34  }
0xc9: {  	v42 =	vor.u32 v7, v15;
	[tilespmem:s12+$0xFFFFFFF0] =	vst v25;
	v43 =	vld.idx.msk [tilespmem:v36+s15+$0x0], $0xffff  }
0xca: {  	v45 =	vor.u32 v7, v16;
	v44 =	vld.idx.msk [tilespmem:v37+s15+$0x0], $0xffff;
	[tilespmem:s14+$0x30] =	vst v24  }
0xcb: {  	v46 =	vor.u32 v7, v14;
	[tilespmem:s26+$0x50] =	vst v40;
	v20 =	vld.idx.msk [tilespmem:v20+s15+$0x0], $0xffff  }
0xcc: {  	v47 =	vor.u32 v7, v17;
	v12 =	vld.idx.msk [tilespmem:v33+s15+$0x0], $0xffff;
	[tilespmem:s11+$0x50] =	vst v21  }
0xcd: {  	v48 =	vor.u32 v8, v13;
	[tilespmem:s25+$0x40] =	vst v38;
	v49 =	vld.idx.msk [tilespmem:v41+s15+$0x0], $0xffff  }
0xce: {  	v11 =	vor.u32 v9, v11;
	v18 =	vld.idx.msk [tilespmem:v42+s15+$0x0], $0xffff;
	[tilespmem:s24+$0x40] =	vst v43  }
0xcf: {  	v50 =	vor.u32 v8, v15;
	[tilespmem:s12+$0x0] =	vst v44;
	v51 =	vld.idx.msk [tilespmem:v45+s15+$0x0], $0xffff  }
0xd0: {  	v53 =	vor.u32 v8, v16;
	v52 =	vld.idx.msk [tilespmem:v46+s15+$0x0], $0xffff;
	[tilespmem:s14+$0x40] =	vst v20  }
0xd1: {  	v54 =	vor.u32 v8, v14;
	[tilespmem:s5+$0x70] =	vst v12;
	v55 =	vld.idx.msk [tilespmem:v47+s15+$0x0], $0xffff  }
0xd2: {  	v56 =	vor.u32 v8, v17;
	v12 =	vld.idx.msk [tilespmem:v48+s15+$0x0], $0xffff;
	[tilespmem:s26+$0x60] =	vst v49  }
0xd3: {  	v10 =	vor.u32 v9, v10;
	v11 =	vld.idx.msk [tilespmem:v11+s15+$0x0], $0xffff;
	[tilespmem:s25+$0x50] =	vst v18  }
0xd4: {  	v57 =	vor.u32 v9, v13;
	v18 =	vld.idx.msk [tilespmem:v50+s15+$0x0], $0xffff;
	[tilespmem:s24+$0x50] =	vst v51  }
0xd5: {  	v58 =	vor.u32 v9, v15;
	[tilespmem:s12+$0x10] =	vst v52;
	v59 =	vld.idx.msk [tilespmem:v53+s15+$0x0], $0xffff  }
0xd6: {  	v61 =	vor.u32 v9, v16;
	v60 =	vld.idx.msk [tilespmem:v54+s15+$0x0], $0xffff;
	[tilespmem:s14+$0x50] =	vst v55  }
0xd7: {  	v62 =	vor.u32 v9, v14;
	[tilespmem:s11+$0x60] =	vst v12;
	v63 =	vld.idx.msk [tilespmem:v56+s15+$0x0], $0xffff  }
0xd8: {  	v10 =	vld.idx.msk [tilespmem:v10+s15+$0x0], $0xffff;
	[tilespmem:s26+$0x70] =	vst v11;
	v11 =	vor.u32 v9, v17  }
0xd9: {  	v13 =	vld.idx.msk [tilespmem:v57+s15+$0x0], $0xffff;
	[tilespmem:s25+$0x60] =	vst v18  }
0xda: {  	v15 =	vld.idx.msk [tilespmem:v58+s15+$0x0], $0xffff;
	[tilespmem:s24+$0x60] =	vst v59  }
0xdb: {  	[tilespmem:s12+$0x20] =	vst v60;
	v16 =	vld.idx.msk [tilespmem:v61+s15+$0x0], $0xffff  }
0xdc: {  	v12 =	vld.idx.msk [tilespmem:v62+s15+$0x0], $0xffff;
	[tilespmem:s14+$0x60] =	vst v63  }
0xdd: {  	[tilespmem:s3+$0x30] =	vst v10;
	v10 =	vld.idx.msk [tilespmem:v11+s15+$0x0], $0xffff  }
0xde: {  	s23 =	sadd.s32 s6, s0;
	[tilespmem:s11+$0x70] =	vst v13  }
0xdf: {  	s3 =	sshll.u32 s23, $0x13;
	[tilespmem:s25+$0x70] =	vst v15  }
0xe0: {  	s3 =	sadd.s32 s29, s3;
	[tilespmem:s24+$0x70] =	vst v16  }
0xe1: {  	s3 =	sshrl.u32 s3, $0x3;
	[tilespmem:s12+$0x30] =	vst v12  }
0xe2: {  	s3 =	sadd.s32 s1, s3;
	s25 =	simm.s32 $0x2E00;
	[tilespmem:s14+$0x70] =	vst v10  }
0xe3: {  	[hbm4b:s3+s19] =	stream.strided.scatter [tilespmem:s25], [sflag:$0x3], $0x1000, s20, s19, $0x38;
	[tilespmem:$0x4E00] =	vst v63  }
0xe4: {  	s26 =	rddreg [dreg:$0x5]  }
0xe5: {  	s28 =	sadd.s32 s0, s26  }
0xe6: {  	p1 =	por $0x1, $0x1;
	s0 =	simm.s32 $0x0;
	v10 =	vmov s28  }
.LBB2_10:
0xe7: {  	v11 =	vmov s0;
	s3 =	sor.u32 $0x10, s0  }
0xe8: {  	s26 =	sor.u32 $0x20, s0;
	v11 =	vmul.u32 $0x1A, v11;
	v12 =	vmov s3  }
0xe9: {  	s28 =	sor.u32 $0x30, s0;
	v13 =	vmov s26;
	v12 =	vmul.u32 $0x1A, v12  }
0xea: {  	v14 =	vmov s28;
	v13 =	vmul.u32 $0x1A, v13;
	v11 =	vadd.s32 v10, v11  }
0xeb: {  	v14 =	vmul.u32 $0x1A, v14;
	v11 =	vbroadcast v11, $0x0;
	v12 =	vadd.s32 v10, v12  }
0xec: {  	v13 =	vadd.s32 v10, v13;
	v12 =	vbroadcast v12, $0x0  }
0xed: {  	v14 =	vadd.s32 v10, v14;
	v13 =	vbroadcast v13, $0x0;
	v11 =	vadd.s32 v2, v11  }
0xee: {  	v14 =	vbroadcast v14, $0x0;
	v12 =	vadd.s32 v2, v12  }
0xef: {  	v13 =	vadd.s32 v2, v13  }
0xf0: {  	v14 =	vadd.s32 v2, v14;
	_ =	sdelay $0x1  }
0xf1: {  	v11 =	vld.idx.msk [tilespmem:v11+s2+$0x0], $0xffff  }
0xf2: {  	v12 =	vld.idx.msk [tilespmem:v12+s2+$0x0], $0xffff  }
0xf3: {  	v13 =	vld.idx.msk [tilespmem:v13+s2+$0x0], $0xffff  }
0xf4: {  	p2 =	por p1, p1;
	v14 =	vld.idx.msk [tilespmem:v14+s2+$0x0], $0xffff  }
.Ltmp3:
0xf5: {  	_ = 	snop;
	(pc) =	sbr.rel @p2 .LBB2_10-.Ltmp3, $4  }
0xf6: {  	[tilespmem:s0+$0xD00] =	vst v11  }
0xf7: {  	[tilespmem:s0+$0xD10] =	vst v12  }
0xf8: {  	[tilespmem:s0+$0xD20] =	vst v13  }
0xf9: {  	p1 =	por $0x0, $0x0;
	[tilespmem:s0+$0xD30] =	vst v14;
	s0 =	simm.s32 $0x40  }
0xfa: {  	s0 =	simm.s32 $0x0  }
0xfb: {  	s9 =	simm.s32 $0x1;
	v10 =	vmov s0  }
0xfc: {  	s10 =	simm.s32 $0xD00;
	v11 =	vmov s9;
	v10 =	vand.u32 $0x1C, v10  }
0xfd: {  	[tilespmem:s15], [sflag:$0x1] =	stream.indirect.gather [hbm4b:s4+s13], $0x20, s10, s13, $0xb8;
	v17 =	vbroadcast v10, $0x0;
	v10 =	vand.u32 $0x1D, v11;
	[tilespmem:$0x4E00] =	vst v63  }
0xfe: {  	_ =	swait.ge [sflag:s22], $0x1000;
	v19 =	vbroadcast v10, $0x0  }
0xff: {  	[sflag:s22] =	ssyncset.done $0x0;
	v10 =	vor.u32 v0, v17  }
0x100: {  	s0 =	simm.s32 @!p0 $0x4;
	[sflag:s22] =	ssyncadd.s32 $0xFFFFF000;
	v11 =	vor.u32 v0, v19  }
0x101: {  	_ =	swait.ge @!p0 [sflag:s0], $0x1000  }
0x102: {  	[sflag:s0] =	ssyncset.done @!p0 $0x0  }
0x103: {  	[sflag:s0] =	ssyncadd.s32 @!p0 $0xFFFFF000  }
0x104: {  	v10 =	vld.idx.msk [tilespmem:v10+s17+$0x0], $0xffff  }
0x105: {  	s11 =	simm.s32 $0x2;
	v12 =	vor.u32 v3, v17;
	v11 =	vld.idx.msk [tilespmem:v11+s17+$0x0], $0xffff  }
0x106: {  	s12 =	simm.s32 $0x0;
	v13 =	vmov s11;
	v14 =	vor.u32 v3, v19  }
0x107: {  	s5 =	simm.s32 $0x80;
	v13 =	vand.u32 $0x1E, v13;
	s0 =	sand.u32 $0xC00, s12  }
0x108: {  	s3 =	simm.s32 $0x3E40;
	s5 =	sand.u32 $0x280, s5;
	v18 =	vbroadcast v13, $0x0;
	s0 =	sadd.s32 $0x3E00, s0  }
0x109: {  	s14 =	simm.s32 $0x3;
	s24 =	sadd.s32 s5, s0;
	[tilespmem:s3+$0xFFFFFFC0] =	vst v10  }
0x10a: {  	v10 =	vor.u32 v0, v18;
	[tilespmem:s24+$0x0] =	vst v11;
	v11 =	vld.idx.msk [tilespmem:v12+s17+$0x0], $0xffff;
	v12 =	vmov s14  }
0x10b: {  	v13 =	vld.idx.msk [tilespmem:v14+s17+$0x0], $0xffff;
	v14 =	vor.u32 v4, v17;
	v12 =	vand.u32 $0x1F, v12  }
0x10c: {  	v15 =	vor.u32 v4, v19;
	v20 =	vbroadcast v12, $0x0;
	_ =	sdelay $0x1  }
0x10d: {  	s16 =	simm.s32 $0x4;
	v16 =	vor.u32 v0, v20  }
0x10e: {  	v21 =	vld.idx.msk [tilespmem:v10+s17+$0x0], $0xffff;
	v10 =	vmov s16;
	[tilespmem:s3+$0xFFFFFFD0] =	vst v11  }
0x10f: {  	s21 =	simm.s32 $0x5;
	v22 =	vor.u32 v3, v18;
	v10 =	vand.u32 $0x1C, v10;
	[tilespmem:s24+$0x10] =	vst v13;
	v13 =	vld.idx.msk [tilespmem:v14+s17+$0x0], $0xffff  }
0x110: {  	s7 =	simm.s32 $0x100;
	s23 =	simm.s32 $0x6;
	v11 =	vmov s21;
	v10 =	vbroadcast v10, $0x0;
	v14 =	vld.idx.msk [tilespmem:v15+s17+$0x0], $0xffff;
	v15 =	vor.u32 v5, v17  }
0x111: {  	s7 =	sand.u32 $0x300, s7;
	v24 =	vmov s23;
	v23 =	vor.u32 v5, v19;
	v11 =	vand.u32 $0x1D, v11  }
0x112: {  	s9 =	sadd.s32 s7, s0;
	v12 =	vbroadcast v11, $0x0;
	v11 =	vand.u32 $0x1E, v24;
	v24 =	vor.u32 v0, v10;
	v16 =	vld.idx.msk [tilespmem:v16+s17+$0x0], $0xffff  }
0x113: {  	v11 =	vbroadcast v11, $0x0;
	[tilespmem:s9+$0x0] =	vst v21;
	v21 =	vor.u32 v3, v20  }
0x114: {  	s25 =	simm.s32 $0x180;
	v25 =	vor.u32 v0, v12;
	v22 =	vld.idx.msk [tilespmem:v22+s17+$0x0], $0xffff;
	[tilespmem:s3+$0xFFFFFFE0] =	vst v13  }
0x115: {  	s5 =	sand.u32 $0x380, s25;
	v13 =	vor.u32 v0, v11;
	[tilespmem:s24+$0x20] =	vst v14;
	v14 =	vld.idx.msk [tilespmem:v15+s17+$0x0], $0xffff  }
0x116: {  	s7 =	sadd.s32 s5, s0;
	v15 =	vld.idx.msk [tilespmem:v23+s17+$0x0], $0xffff;
	v23 =	vor.u32 v6, v17  }
0x117: {  	v26 =	vor.u32 v6, v19;
	v24 =	vld.idx.msk [tilespmem:v24+s17+$0x0], $0xffff;
	[tilespmem:s7+$0x0] =	vst v16  }
0x118: {  	v16 =	vor.u32 v4, v18;
	v21 =	vld.idx.msk [tilespmem:v21+s17+$0x0], $0xffff  }
0x119: {  	v27 =	vor.u32 v4, v20;
	v25 =	vld.idx.msk [tilespmem:v25+s17+$0x0], $0xffff  }
0x11a: {  	v28 =	vor.u32 v3, v10;
	v13 =	vld.idx.msk [tilespmem:v13+s17+$0x0], $0xffff;
	[tilespmem:s3+$0xFFFFFFF0] =	vst v14  }
0x11b: {  	s26 =	simm.s32 $0x200;
	v14 =	vor.u32 v3, v12;
	[tilespmem:s24+$0x30] =	vst v15;
	v15 =	vld.idx.msk [tilespmem:v23+s17+$0x0], $0xffff  }
0x11c: {  	s8 =	simm.s32 $0x280;
	s28 =	sand.u32 $0xC00, s26;
	[tilespmem:s9+$0x10] =	vst v22;
	v23 =	vor.u32 v7, v17;
	v22 =	vld.idx.msk [tilespmem:v26+s17+$0x0], $0xffff  }
0x11d: {  	s8 =	sand.u32 $0x280, s8;
	s11 =	sadd.s32 $0x3E00, s28;
	s0 =	simm.s32 $0x4040;
	v26 =	vor.u32 v3, v11;
	v16 =	vld.idx.msk [tilespmem:v16+s17+$0x0], $0xffff;
	[tilespmem:s7+$0x10] =	vst v21  }
0x11e: {  	s10 =	simm.s32 $0x300;
	s5 =	sadd.s32 s8, s11;
	[tilespmem:s0+$0xFFFFFFC0] =	vst v24;
	v21 =	vor.u32 v5, v18;
	v24 =	vld.idx.msk [tilespmem:v27+s17+$0x0], $0xffff  }
0x11f: {  	s10 =	sand.u32 $0x300, s10;
	[tilespmem:s5+$0x0] =	vst v25;
	v25 =	vld.idx.msk [tilespmem:v28+s17+$0x0], $0xffff;
	v27 =	vor.u32 v5, v20  }
0x120: {  	s10 =	sadd.s32 s10, s11;
	s12 =	simm.s32 $0x7;
	v14 =	vld.idx.msk [tilespmem:v14+s17+$0x0], $0xffff;
	[tilespmem:s3+$0x0] =	vst v15;
	v15 =	vor.u32 v7, v19  }
0x121: {  	v29 =	vor.u32 v4, v12;
	v28 =	vmov s12;
	[tilespmem:s10+$0x0] =	vst v13;
	v23 =	vld.idx.msk [tilespmem:v23+s17+$0x0], $0xffff  }
0x122: {  	v13 =	vand.u32 $0x1F, v28;
	v26 =	vld.idx.msk [tilespmem:v26+s17+$0x0], $0xffff;
	[tilespmem:s9+$0x20] =	vst v16;
	v16 =	vor.u32 v4, v10  }
0x123: {  	v13 =	vbroadcast v13, $0x0;
	v21 =	vld.idx.msk [tilespmem:v21+s17+$0x0], $0xffff;
	[tilespmem:s7+$0x20] =	vst v24;
	v24 =	vor.u32 v8, v17  }
0x124: {  	v30 =	vor.u32 v6, v18;
	[tilespmem:s24+$0x40] =	vst v22;
	v22 =	vld.idx.msk [tilespmem:v27+s17+$0x0], $0xffff  }
0x125: {  	s12 =	simm.s32 $0x8;
	v27 =	vor.u32 v0, v13;
	[tilespmem:s5+$0x10] =	vst v14;
	v28 =	vld.idx.msk [tilespmem:v15+s17+$0x0], $0xffff  }
0x126: {  	s14 =	simm.s32 $0x9;
	v31 =	vor.u32 v6, v20;
	[tilespmem:s0+$0xFFFFFFD0] =	vst v25;
	v14 =	vmov s12;
	v25 =	vld.idx.msk [tilespmem:v29+s17+$0x0], $0xffff  }
0x127: {  	v14 =	vand.u32 $0x1C, v14;
	v15 =	vmov s14;
	v29 =	vor.u32 v5, v12;
	[tilespmem:s3+$0x10] =	vst v23;
	v23 =	vld.idx.msk [tilespmem:v16+s17+$0x0], $0xffff  }
0x128: {  	v32 =	vor.u32 v8, v19;
	s16 =	simm.s32 $0xA;
	v14 =	vbroadcast v14, $0x0;
	v15 =	vand.u32 $0x1D, v15;
	[tilespmem:s9+$0x30] =	vst v21;
	v24 =	vld.idx.msk [tilespmem:v24+s17+$0x0], $0xffff  }
0x129: {  	v16 =	vmov s16;
	v15 =	vbroadcast v15, $0x0;
	v21 =	vor.u32 v5, v10;
	v30 =	vld.idx.msk [tilespmem:v30+s17+$0x0], $0xffff  }
0x12a: {  	v16 =	vand.u32 $0x1E, v16;
	v27 =	vld.idx.msk [tilespmem:v27+s17+$0x0], $0xffff;
	[tilespmem:s7+$0x30] =	vst v22;
	v22 =	vor.u32 v0, v14  }
0x12b: {  	v16 =	vbroadcast v16, $0x0;
	v33 =	vor.u32 v0, v15;
	[tilespmem:s5+$0x20] =	vst v25;
	v25 =	vld.idx.msk [tilespmem:v31+s17+$0x0], $0xffff  }
0x12c: {  	v31 =	vor.u32 v3, v13;
	[tilespmem:s24+$0x50] =	vst v28;
	v29 =	vld.idx.msk [tilespmem:v29+s17+$0x0], $0xffff  }
0x12d: {  	s21 =	simm.s32 $0x380;
	v28 =	vor.u32 v0, v16;
	[tilespmem:s0+$0xFFFFFFE0] =	vst v23;
	v23 =	vld.idx.msk [tilespmem:v32+s17+$0x0], $0xffff  }
0x12e: {  	s8 =	sand.u32 $0x380, s21;
	[tilespmem:s10+$0x10] =	vst v26;
	v26 =	vor.u32 v6, v12;
	v21 =	vld.idx.msk [tilespmem:v21+s17+$0x0], $0xffff  }
0x12f: {  	s11 =	sadd.s32 s8, s11;
	v19 =	vor.u32 v9, v19;
	[tilespmem:s9+$0x40] =	vst v30;
	v22 =	vld.idx.msk [tilespmem:v22+s17+$0x0], $0xffff  }
0x130: {  	v30 =	vor.u32 v7, v18;
	[tilespmem:s11+$0x0] =	vst v27;
	v27 =	vld.idx.msk [tilespmem:v33+s17+$0x0], $0xffff  }
0x131: {  	v61 =	vor.u32 v7, v20;
	v31 =	vld.idx.msk [tilespmem:v31+s17+$0x0], $0xffff;
	[tilespmem:s7+$0x40] =	vst v25  }
0x132: {  	v25 =	vld.idx.msk [tilespmem:v28+s17+$0x0], $0xffff;
	v28 =	vor.u32 v6, v10;
	[tilespmem:s5+$0x30] =	vst v29  }
0x133: {  	s23 =	simm.s32 $0x400;
	v29 =	vor.u32 v3, v14;
	[tilespmem:s24+$0x60] =	vst v23;
	v26 =	vld.idx.msk [tilespmem:v26+s17+$0x0], $0xffff  }
0x134: {  	s8 =	sand.u32 $0xC00, s23;
	s12 =	simm.s32 $0x4240;
	s14 =	simm.s32 $0x480;
	v23 =	vor.u32 v4, v11;
	[tilespmem:s0+$0xFFFFFFF0] =	vst v21;
	v19 =	vld.idx.msk [tilespmem:v19+s17+$0x0], $0xffff  }
0x135: {  	s26 =	sadd.s32 $0x3E00, s8;
	s14 =	sand.u32 $0x280, s14;
	v21 =	vor.u32 v3, v15;
	[tilespmem:s12+$0xFFFFFFC0] =	vst v22;
	v22 =	vld.idx.msk [tilespmem:v30+s17+$0x0], $0xffff  }
0x136: {  	v17 =	vor.u32 v9, v17;
	s25 =	sadd.s32 s14, s26;
	[tilespmem:s3+$0x20] =	vst v24;
	v30 =	vld.idx.msk [tilespmem:v61+s17+$0x0], $0xffff  }
0x137: {  	[tilespmem:s25+$0x0] =	vst v27;
	v27 =	vor.u32 v4, v13;
	v28 =	vld.idx.msk [tilespmem:v28+s17+$0x0], $0xffff  }
0x138: {  	v24 =	vor.u32 v8, v18;
	[tilespmem:s11+$0x10] =	vst v31;
	v62 =	vld.idx.msk [tilespmem:v29+s17+$0x0], $0xffff  }
0x139: {  	v29 =	vor.u32 v7, v10;
	v23 =	vld.idx.msk [tilespmem:v23+s17+$0x0], $0xffff;
	[tilespmem:s5+$0x40] =	vst v26  }
0x13a: {  	v34 =	vor.u32 v7, v12;
	v31 =	vld.idx.msk [tilespmem:v21+s17+$0x0], $0xffff;
	[tilespmem:s24+$0x70] =	vst v19  }
0x13b: {  	v26 =	vor.u32 v3, v16;
	s24 =	simm.s32 $0x500;
	v21 =	vld.idx.msk [tilespmem:v17+s17+$0x0], $0xffff;
	[tilespmem:s9+$0x50] =	vst v22  }
0x13c: {  	v19 =	vor.u32 v5, v11;
	s8 =	sand.u32 $0x300, s24;
	v27 =	vld.idx.msk [tilespmem:v27+s17+$0x0], $0xffff;
	[tilespmem:s7+$0x50] =	vst v30  }
0x13d: {  	v22 =	vor.u32 v8, v20;
	s24 =	sadd.s32 s8, s26;
	v24 =	vld.idx.msk [tilespmem:v24+s17+$0x0], $0xffff;
	[tilespmem:s0+$0x0] =	vst v28  }
0x13e: {  	s28 =	simm.s32 $0xB;
	v28 =	vor.u32 v5, v13;
	[tilespmem:s24+$0x0] =	vst v25;
	v25 =	vld.idx.msk [tilespmem:v29+s17+$0x0], $0xffff  }
0x13f: {  	v17 =	vmov s28;
	v30 =	vor.u32 v9, v18;
	[tilespmem:s10+$0x20] =	vst v23;
	v23 =	vld.idx.msk [tilespmem:v34+s17+$0x0], $0xffff  }
0x140: {  	v35 =	vor.u32 v4, v15;
	v17 =	vand.u32 $0x1F, v17;
	[tilespmem:s12+$0xFFFFFFD0] =	vst v62;
	v63 =	vld.idx.msk [tilespmem:v26+s17+$0x0], $0xffff  }
0x141: {  	v17 =	vbroadcast v17, $0x0;
	[tilespmem:s25+$0x10] =	vst v31;
	v29 =	vld.idx.msk [tilespmem:v19+s17+$0x0], $0xffff  }
0x142: {  	v18 =	vor.u32 v6, v13;
	v31 =	vor.u32 v4, v14;
	[tilespmem:s11+$0x20] =	vst v27;
	v27 =	vld.idx.msk [tilespmem:v22+s17+$0x0], $0xffff  }
0x143: {  	v32 =	vor.u32 v0, v17;
	v22 =	vor.u32 v8, v10;
	v28 =	vld.idx.msk [tilespmem:v28+s17+$0x0], $0xffff;
	[tilespmem:s9+$0x60] =	vst v24  }
0x144: {  	v19 =	vor.u32 v4, v16;
	v24 =	vor.u32 v9, v20;
	v26 =	vld.idx.msk [tilespmem:v30+s17+$0x0], $0xffff;
	[tilespmem:s0+$0x10] =	vst v25  }
0x145: {  	s23 =	simm.s32 $0xC;
	s16 =	simm.s32 $0x580;
	v20 =	vor.u32 v6, v17;
	v25 =	vld.idx.msk [tilespmem:v35+s17+$0x0], $0xffff;
	v30 =	vor.u32 v6, v11;
	[tilespmem:s24+$0x10] =	vst v63  }
.LBB2_12:
0x146: {  	s8 =	sadd.s32 $0x1, s23  }
0x147: {  	v33 =	vmov s23;
	p0 =	slt.u32 s23, $0x1C;
	v31 =	vld.idx.msk [tilespmem:v31+s17+$0x0], $0xffff;
	v34 =	vor.u32 v8, v12;
	[tilespmem:s10+$0x30] =	vst v29;
	s14 =	smov.u32 s23;
	s23 =	sadd.s32 $0x4, s23  }
0x148: {  	v35 =	vor.u32 v5, v15;
	v29 =	vand.u32 $0x1C, v33;
	v33 =	vmov s8;
	s8 =	sadd.s32 $0x2, s14;
	v22 =	vld.idx.msk [tilespmem:v22+s17+$0x0], $0xffff;
	[tilespmem:s7+$0x60] =	vst v27  }
0x149: {  	v27 =	vbroadcast v29, $0x0;
	v29 =	vand.u32 $0x1D, v33;
	v33 =	vmov s8;
	[tilespmem:s11+$0x30] =	vst v28;
	v24 =	vld.idx.msk [tilespmem:v24+s17+$0x0], $0xffff  }
0x14a: {  	v28 =	vbroadcast v29, $0x0;
	v29 =	vand.u32 $0x1E, v33;
	v33 =	vor.u32 v5, v14;
	v32 =	vld.idx.msk [tilespmem:v32+s17+$0x0], $0xffff;
	[tilespmem:s9+$0x70] =	vst v26;
	s9 =	smov.u32 s10;
	s10 =	smov.u32 s24  }
0x14b: {  	v26 =	vor.u32 v0, v27;
	v29 =	vbroadcast v29, $0x0;
	v30 =	vld.idx.msk [tilespmem:v30+s17+$0x0], $0xffff;
	[tilespmem:s3+$0x30] =	vst v21;
	s3 =	smov.u32 s0;
	s0 =	smov.u32 s12  }
0x14c: {  	v21 =	vor.u32 v0, v28;
	[tilespmem:s25+$0x20] =	vst v25;
	v25 =	vld.idx.msk [tilespmem:v18+s17+$0x0], $0xffff;
	v18 =	vmov v20  }
0x14d: {  	v36 =	vor.u32 v3, v17;
	v20 =	vor.u32 v0, v29;
	v35 =	vld.idx.msk [tilespmem:v35+s17+$0x0], $0xffff;
	[tilespmem:s5+$0x50] =	vst v23  }
0x14e: {  	s8 =	sand.u32 $0x380, s16;
	[tilespmem:s12+$0xFFFFFFE0] =	vst v31;
	v23 =	vld.idx.msk [tilespmem:v34+s17+$0x0], $0xffff  }
0x14f: {  	v31 =	vld.idx.msk [tilespmem:v33+s17+$0x0], $0xffff;
	v33 =	vor.u32 v6, v15;
	[tilespmem:s7+$0x70] =	vst v24;
	s7 =	smov.u32 s11;
	s11 =	sadd.s32 s8, s26  }
0x150: {  	v24 =	vld.idx.msk [tilespmem:v26+s17+$0x0], $0xffff;
	[tilespmem:s11+$0x0] =	vst v32;
	v26 =	vor.u32 v9, v12;
	v12 =	vmov v15;
	v15 =	vmov v28  }
0x151: {  	v28 =	vor.u32 v7, v11;
	v21 =	vld.idx.msk [tilespmem:v21+s17+$0x0], $0xffff;
	[tilespmem:s9+$0x40] =	vst v30;
	v30 =	vor.u32 v7, v13  }
0x152: {  	s16 =	sadd.s32 $0x200, s16;
	v32 =	vor.u32 v3, v27;
	v34 =	vld.idx.msk [tilespmem:v36+s17+$0x0], $0xffff;
	[tilespmem:s7+$0x40] =	vst v25  }
0x153: {  	s8 =	sadd.s32 $0xFFFFFE80, s16;
	v25 =	vor.u32 v3, v15;
	v36 =	vor.u32 v6, v14;
	v20 =	vld.idx.msk [tilespmem:v20+s17+$0x0], $0xffff;
	[tilespmem:s25+$0x30] =	vst v35  }
0x154: {  	s21 =	sadd.s32 $0xFFFFFF00, s16;
	s12 =	sadd.s32 $0x200, s12;
	s8 =	sand.u32 $0xC00, s8;
	v35 =	vor.u32 v3, v29;
	v33 =	vld.idx.msk [tilespmem:v33+s17+$0x0], $0xffff;
	[tilespmem:s5+$0x60] =	vst v23  }
0x155: {  	s21 =	sand.u32 $0x280, s21;
	s26 =	sadd.s32 $0x3E00, s8;
	s8 =	sadd.s32 $0xFFFFFF80, s16;
	[tilespmem:s0+$0xFFFFFFF0] =	vst v31;
	v23 =	vld.idx.msk [tilespmem:v26+s17+$0x0], $0xffff  }
0x156: {  	s21 =	sadd.s32 s21, s26;
	s8 =	sand.u32 $0x300, s8;
	[tilespmem:s12+$0xFFFFFFC0] =	vst v24;
	v24 =	vld.idx.msk [tilespmem:v28+s17+$0x0], $0xffff  }
0x157: {  	s24 =	sadd.s32 s8, s26;
	[tilespmem:s21+$0x0] =	vst v21;
	v21 =	vor.u32 v4, v17;
	v26 =	vld.idx.msk [tilespmem:v30+s17+$0x0], $0xffff  }
0x158: {  	v28 =	vld.idx.msk [tilespmem:v36+s17+$0x0], $0xffff;
	[tilespmem:s3+$0x20] =	vst v22;
	v22 =	vor.u32 v8, v11  }
0x159: {  	v31 =	vor.u32 v9, v10;
	v10 =	vmov v14;
	v14 =	vmov v27;
	v30 =	vld.idx.msk [tilespmem:v32+s17+$0x0], $0xffff;
	[tilespmem:s11+$0x10] =	vst v34  }
0x15a: {  	v27 =	vor.u32 v7, v10;
	v34 =	vor.u32 v4, v15;
	[tilespmem:s25+$0x40] =	vst v33;
	v32 =	vld.idx.msk [tilespmem:v19+s17+$0x0], $0xffff  }
0x15b: {  	v19 =	vor.u32 v4, v29;
	v25 =	vld.idx.msk [tilespmem:v25+s17+$0x0], $0xffff;
	[tilespmem:s5+$0x70] =	vst v23;
	s5 =	smov.u32 s25;
	s25 =	smov.u32 s21  }
0x15c: {  	v36 =	vor.u32 v8, v13;
	v23 =	vor.u32 v5, v16;
	v33 =	vld.idx.msk [tilespmem:v21+s17+$0x0], $0xffff;
	[tilespmem:s9+$0x50] =	vst v24  }
0x15d: {  	v37 =	vld.idx.msk [tilespmem:v22+s17+$0x0], $0xffff;
	[tilespmem:s7+$0x50] =	vst v26  }
0x15e: {  	v26 =	vor.u32 v5, v17;
	[tilespmem:s0+$0x0] =	vst v28;
	v21 =	vld.idx.msk [tilespmem:v31+s17+$0x0], $0xffff  }
0x15f: {  	[tilespmem:s24+$0x0] =	vst v20;
	v38 =	vld.idx.msk [tilespmem:v27+s17+$0x0], $0xffff;
	v20 =	vor.u32 v9, v11;
	v11 =	vmov v16;
	v16 =	vmov v29  }
0x160: {  	v39 =	vor.u32 v7, v12;
	s8 =	sadd.s32 $0x3, s14;
	v35 =	vld.idx.msk [tilespmem:v35+s17+$0x0], $0xffff;
	[tilespmem:s10+$0x20] =	vst v32  }
0x161: {  	v24 =	vor.u32 v9, v13;
	v13 =	vmov v17;
	v22 =	vmov s8;
	[tilespmem:s25+$0x10] =	vst v25;
	v29 =	vld.idx.msk [tilespmem:v23+s17+$0x0], $0xffff  }
.Ltmp4:
0x162: {  	v31 =	vor.u32 v4, v14;
	v17 =	vand.u32 $0x1F, v22;
	[tilespmem:s11+$0x20] =	vst v33;
	v27 =	vld.idx.msk [tilespmem:v36+s17+$0x0], $0xffff;
	(pc) =	sbr.rel @p0 .LBB2_12-.Ltmp4, $4  }
0x163: {  	v22 =	vor.u32 v8, v10;
	v17 =	vbroadcast v17, $0x0;
	v28 =	vld.idx.msk [tilespmem:v26+s17+$0x0], $0xffff;
	[tilespmem:s9+$0x60] =	vst v37  }
0x164: {  	[tilespmem:s12+$0xFFFFFFD0] =	vst v30;
	v26 =	vld.idx.msk [tilespmem:v20+s17+$0x0], $0xffff  }
0x165: {  	v32 =	vor.u32 v0, v17;
	v20 =	vor.u32 v6, v17;
	[tilespmem:s0+$0x10] =	vst v38;
	v23 =	vld.idx.msk [tilespmem:v39+s17+$0x0], $0xffff  }
0x166: {  	v30 =	vor.u32 v6, v11;
	v25 =	vld.idx.msk [tilespmem:v34+s17+$0x0], $0xffff;
	[tilespmem:s24+$0x10] =	vst v35  }
0x167: {  	_ =	sdelay $0x3  }
0x168: {  	v32 =	vld.idx.msk [tilespmem:v32+s17+$0x0], $0xffff  }
0x169: {  	v33 =	vor.u32 v3, v17;
	_ =	sdelay $0x1  }
0x16a: {  	[tilespmem:s10+$0x30] =	vst v29;
	s8 =	sand.u32 $0x380, s16  }
0x16b: {  	[tilespmem:s7+$0x60] =	vst v27;
	s14 =	sadd.s32 s8, s26  }
0x16c: {  	[tilespmem:s14+$0x0] =	vst v32  }
0x16d: {  	[tilespmem:s3+$0x30] =	vst v21;
	v54 =	vld.idx.msk [tilespmem:v33+s17+$0x0], $0xffff  }
0x16e: {  	v55 =	vld.idx.msk [tilespmem:v31+s17+$0x0], $0xffff;
	v56 =	vor.u32 v4, v17;
	[tilespmem:s11+$0x30] =	vst v28  }
0x16f: {  	v19 =	vld.idx.msk [tilespmem:v19+s17+$0x0], $0xffff;
	[tilespmem:s9+$0x70] =	vst v26  }
0x170: {  	v57 =	vor.u32 v5, v15;
	v35 =	vld.idx.msk [tilespmem:v22+s17+$0x0], $0xffff;
	[tilespmem:s5+$0x50] =	vst v23  }
0x171: {  	v58 =	vor.u32 v8, v12;
	v24 =	vld.idx.msk [tilespmem:v24+s17+$0x0], $0xffff;
	[tilespmem:s25+$0x20] =	vst v25  }
0x172: {  	v60 =	vor.u32 v5, v16;
	v30 =	vld.idx.msk [tilespmem:v30+s17+$0x0], $0xffff;
	[tilespmem:s14+$0x10] =	vst v54  }
0x173: {  	v59 =	vor.u32 v5, v14;
	[tilespmem:s12+$0xFFFFFFE0] =	vst v55;
	v26 =	vld.idx.msk [tilespmem:v56+s17+$0x0], $0xffff  }
0x174: {  	v62 =	vor.u32 v5, v17;
	v18 =	vld.idx.msk [tilespmem:v18+s17+$0x0], $0xffff;
	[tilespmem:s24+$0x20] =	vst v19  }
0x175: {  	v61 =	vld.idx.msk [tilespmem:v57+s17+$0x0], $0xffff;
	v32 =	vor.u32 v7, v11;
	[tilespmem:s0+$0x20] =	vst v35  }
0x176: {  	v39 =	vor.u32 v7, v13;
	v21 =	vld.idx.msk [tilespmem:v58+s17+$0x0], $0xffff;
	[tilespmem:s7+$0x70] =	vst v24  }
0x177: {  	v63 =	vor.u32 v6, v15;
	[tilespmem:s10+$0x40] =	vst v30;
	v34 =	vld.idx.msk [tilespmem:v60+s17+$0x0], $0xffff  }
0x178: {  	v36 =	vor.u32 v6, v16;
	v25 =	vld.idx.msk [tilespmem:v59+s17+$0x0], $0xffff;
	[tilespmem:s14+$0x20] =	vst v26  }
0x179: {  	v37 =	vor.u32 v6, v14;
	[tilespmem:s11+$0x40] =	vst v18;
	v24 =	vld.idx.msk [tilespmem:v62+s17+$0x0], $0xffff  }
0x17a: {  	[tilespmem:s25+$0x30] =	vst v61;
	v40 =	vld.idx.msk [tilespmem:v32+s17+$0x0], $0xffff  }
0x17b: {  	v33 =	vor.u32 v9, v12;
	[tilespmem:s5+$0x60] =	vst v21;
	v21 =	vld.idx.msk [tilespmem:v39+s17+$0x0], $0xffff  }
0x17c: {  	v41 =	vor.u32 v8, v11;
	v38 =	vld.idx.msk [tilespmem:v63+s17+$0x0], $0xffff;
	[tilespmem:s24+$0x30] =	vst v34  }
0x17d: {  	v42 =	vor.u32 v7, v15;
	[tilespmem:s12+$0xFFFFFFF0] =	vst v25;
	v43 =	vld.idx.msk [tilespmem:v36+s17+$0x0], $0xffff  }
0x17e: {  	v45 =	vor.u32 v7, v16;
	v44 =	vld.idx.msk [tilespmem:v37+s17+$0x0], $0xffff;
	[tilespmem:s14+$0x30] =	vst v24  }
0x17f: {  	v46 =	vor.u32 v7, v14;
	[tilespmem:s10+$0x50] =	vst v40;
	v20 =	vld.idx.msk [tilespmem:v20+s17+$0x0], $0xffff  }
0x180: {  	v47 =	vor.u32 v7, v17;
	v12 =	vld.idx.msk [tilespmem:v33+s17+$0x0], $0xffff;
	[tilespmem:s11+$0x50] =	vst v21  }
0x181: {  	v48 =	vor.u32 v8, v13;
	[tilespmem:s25+$0x40] =	vst v38;
	v49 =	vld.idx.msk [tilespmem:v41+s17+$0x0], $0xffff  }
0x182: {  	v11 =	vor.u32 v9, v11;
	v18 =	vld.idx.msk [tilespmem:v42+s17+$0x0], $0xffff;
	[tilespmem:s24+$0x40] =	vst v43  }
0x183: {  	v50 =	vor.u32 v8, v15;
	[tilespmem:s12+$0x0] =	vst v44;
	v51 =	vld.idx.msk [tilespmem:v45+s17+$0x0], $0xffff  }
0x184: {  	v53 =	vor.u32 v8, v16;
	v52 =	vld.idx.msk [tilespmem:v46+s17+$0x0], $0xffff;
	[tilespmem:s14+$0x40] =	vst v20  }
0x185: {  	v54 =	vor.u32 v8, v14;
	[tilespmem:s5+$0x70] =	vst v12;
	v55 =	vld.idx.msk [tilespmem:v47+s17+$0x0], $0xffff  }
0x186: {  	v56 =	vor.u32 v8, v17;
	v12 =	vld.idx.msk [tilespmem:v48+s17+$0x0], $0xffff;
	[tilespmem:s10+$0x60] =	vst v49  }
0x187: {  	v10 =	vor.u32 v9, v10;
	v11 =	vld.idx.msk [tilespmem:v11+s17+$0x0], $0xffff;
	[tilespmem:s25+$0x50] =	vst v18  }
0x188: {  	v57 =	vor.u32 v9, v13;
	v18 =	vld.idx.msk [tilespmem:v50+s17+$0x0], $0xffff;
	[tilespmem:s24+$0x50] =	vst v51  }
0x189: {  	v58 =	vor.u32 v9, v15;
	[tilespmem:s12+$0x10] =	vst v52;
	v59 =	vld.idx.msk [tilespmem:v53+s17+$0x0], $0xffff  }
0x18a: {  	v61 =	vor.u32 v9, v16;
	v60 =	vld.idx.msk [tilespmem:v54+s17+$0x0], $0xffff;
	[tilespmem:s14+$0x50] =	vst v55  }
0x18b: {  	v62 =	vor.u32 v9, v14;
	[tilespmem:s11+$0x60] =	vst v12;
	v63 =	vld.idx.msk [tilespmem:v56+s17+$0x0], $0xffff  }
0x18c: {  	v10 =	vld.idx.msk [tilespmem:v10+s17+$0x0], $0xffff;
	[tilespmem:s10+$0x70] =	vst v11;
	v11 =	vor.u32 v9, v17  }
0x18d: {  	v13 =	vld.idx.msk [tilespmem:v57+s17+$0x0], $0xffff;
	[tilespmem:s25+$0x60] =	vst v18  }
0x18e: {  	v15 =	vld.idx.msk [tilespmem:v58+s17+$0x0], $0xffff;
	[tilespmem:s24+$0x60] =	vst v59  }
0x18f: {  	[tilespmem:s12+$0x20] =	vst v60;
	v16 =	vld.idx.msk [tilespmem:v61+s17+$0x0], $0xffff  }
0x190: {  	v12 =	vld.idx.msk [tilespmem:v62+s17+$0x0], $0xffff;
	[tilespmem:s14+$0x60] =	vst v63  }
0x191: {  	s30 =	sadd.s32 $0x1, s30;
	[tilespmem:s0+$0x30] =	vst v10;
	v10 =	vld.idx.msk [tilespmem:v11+s17+$0x0], $0xffff  }
0x192: {  	p0 =	sne.s32 s30, $0x6;
	[tilespmem:s11+$0x70] =	vst v13  }
.Ltmp5:
0x193: {  	s28 =	sshll.u32 s31, $0x13;
	[tilespmem:s25+$0x70] =	vst v15;
	(pc) =	sbr.rel @p0 .LBB2_5-.Ltmp5, $4  }
0x194: {  	s0 =	sadd.s32 s29, s28;
	[tilespmem:s24+$0x70] =	vst v16  }
0x195: {  	s0 =	sshrl.u32 s0, $0x3;
	[tilespmem:s12+$0x30] =	vst v12  }
0x196: {  	s31 =	simm.s32 $0x3E00;
	s0 =	sadd.s32 s1, s0;
	[tilespmem:s14+$0x70] =	vst v10  }
0x197: {  	[hbm4b:s0+s19] =	stream.strided.scatter [tilespmem:s31], [sflag:$0x4], $0x1000, s20, s19, $0x38;
	[tilespmem:$0x4E00] =	vst v63  }
0x198: {  	s0 =	simm.s32 $0x0  }
0x199: {  	s25 =	simm.s32 $0x1;
	v10 =	vmov s0  }
0x19a: {  	v11 =	vmov s25;
	v10 =	vand.u32 $0x1C, v10  }
0x19b: {  	v17 =	vbroadcast v10, $0x0;
	v10 =	vand.u32 $0x1D, v11  }
0x19c: {  	_ =	swait.ge [sflag:s18], $0x1000;
	v19 =	vbroadcast v10, $0x0  }
0x19d: {  	[sflag:s18] =	ssyncset.done $0x0;
	v10 =	vor.u32 v0, v17  }
0x19e: {  	s28 =	simm.s32 $0x3;
	[sflag:s18] =	ssyncadd.s32 $0xFFFFF000;
	v11 =	vor.u32 v0, v19  }
0x19f: {  	_ =	swait.ge [sflag:s28], $0x1000  }
0x1a0: {  	[sflag:s28] =	ssyncset.done $0x0  }
0x1a1: {  	[sflag:s28] =	ssyncadd.s32 $0xFFFFF000  }
0x1a2: {  	v10 =	vld.idx.msk [tilespmem:v10+s15+$0x0], $0xffff  }
0x1a3: {  	s26 =	simm.s32 $0x2;
	v12 =	vor.u32 v3, v17;
	v11 =	vld.idx.msk [tilespmem:v11+s15+$0x0], $0xffff  }
0x1a4: {  	s30 =	simm.s32 $0x0;
	v13 =	vmov s26;
	v14 =	vor.u32 v3, v19  }
0x1a5: {  	s5 =	simm.s32 $0x80;
	s0 =	sand.u32 $0xC00, s30;
	v13 =	vand.u32 $0x1E, v13  }
0x1a6: {  	s3 =	simm.s32 $0x2E40;
	s5 =	sand.u32 $0x280, s5;
	s0 =	sadd.s32 $0x2E00, s0;
	v18 =	vbroadcast v13, $0x0  }
0x1a7: {  	s31 =	simm.s32 $0x3;
	s24 =	sadd.s32 s5, s0;
	[tilespmem:s3+$0xFFFFFFC0] =	vst v10  }
0x1a8: {  	v10 =	vor.u32 v0, v18;
	[tilespmem:s24+$0x0] =	vst v11;
	v11 =	vld.idx.msk [tilespmem:v12+s15+$0x0], $0xffff;
	v12 =	vmov s31  }
0x1a9: {  	v13 =	vld.idx.msk [tilespmem:v14+s15+$0x0], $0xffff;
	v14 =	vor.u32 v4, v17;
	v12 =	vand.u32 $0x1F, v12  }
0x1aa: {  	v15 =	vor.u32 v4, v19;
	v20 =	vbroadcast v12, $0x0;
	_ =	sdelay $0x1  }
0x1ab: {  	s7 =	simm.s32 $0x4;
	v16 =	vor.u32 v0, v20  }
0x1ac: {  	v21 =	vld.idx.msk [tilespmem:v10+s15+$0x0], $0xffff;
	v10 =	vmov s7;
	[tilespmem:s3+$0xFFFFFFD0] =	vst v11  }
0x1ad: {  	s8 =	simm.s32 $0x5;
	v22 =	vor.u32 v3, v18;
	v10 =	vand.u32 $0x1C, v10;
	[tilespmem:s24+$0x10] =	vst v13;
	v13 =	vld.idx.msk [tilespmem:v14+s15+$0x0], $0xffff  }
0x1ae: {  	s9 =	simm.s32 $0x6;
	s7 =	simm.s32 $0x100;
	v11 =	vmov s8;
	v10 =	vbroadcast v10, $0x0;
	v14 =	vld.idx.msk [tilespmem:v15+s15+$0x0], $0xffff;
	v15 =	vor.u32 v5, v17  }
0x1af: {  	v24 =	vmov s9;
	v23 =	vor.u32 v5, v19;
	s7 =	sand.u32 $0x300, s7;
	v11 =	vand.u32 $0x1D, v11  }
0x1b0: {  	s9 =	sadd.s32 s7, s0;
	v12 =	vbroadcast v11, $0x0;
	v11 =	vand.u32 $0x1E, v24;
	v24 =	vor.u32 v0, v10;
	v16 =	vld.idx.msk [tilespmem:v16+s15+$0x0], $0xffff  }
0x1b1: {  	v11 =	vbroadcast v11, $0x0;
	[tilespmem:s9+$0x0] =	vst v21;
	v21 =	vor.u32 v3, v20  }
0x1b2: {  	s10 =	simm.s32 $0x180;
	v25 =	vor.u32 v0, v12;
	v22 =	vld.idx.msk [tilespmem:v22+s15+$0x0], $0xffff;
	[tilespmem:s3+$0xFFFFFFE0] =	vst v13  }
0x1b3: {  	s5 =	sand.u32 $0x380, s10;
	v13 =	vor.u32 v0, v11;
	[tilespmem:s24+$0x20] =	vst v14;
	v14 =	vld.idx.msk [tilespmem:v15+s15+$0x0], $0xffff  }
0x1b4: {  	s7 =	sadd.s32 s5, s0;
	v15 =	vld.idx.msk [tilespmem:v23+s15+$0x0], $0xffff;
	v23 =	vor.u32 v6, v17  }
0x1b5: {  	v26 =	vor.u32 v6, v19;
	v24 =	vld.idx.msk [tilespmem:v24+s15+$0x0], $0xffff;
	[tilespmem:s7+$0x0] =	vst v16  }
0x1b6: {  	v16 =	vor.u32 v4, v18;
	v21 =	vld.idx.msk [tilespmem:v21+s15+$0x0], $0xffff  }
0x1b7: {  	v27 =	vor.u32 v4, v20;
	v25 =	vld.idx.msk [tilespmem:v25+s15+$0x0], $0xffff  }
0x1b8: {  	v28 =	vor.u32 v3, v10;
	v13 =	vld.idx.msk [tilespmem:v13+s15+$0x0], $0xffff;
	[tilespmem:s3+$0xFFFFFFF0] =	vst v14  }
0x1b9: {  	s11 =	simm.s32 $0x200;
	v14 =	vor.u32 v3, v12;
	[tilespmem:s24+$0x30] =	vst v15;
	v15 =	vld.idx.msk [tilespmem:v23+s15+$0x0], $0xffff  }
0x1ba: {  	s12 =	sand.u32 $0xC00, s11;
	s8 =	simm.s32 $0x280;
	[tilespmem:s9+$0x10] =	vst v22;
	v23 =	vor.u32 v7, v17;
	v22 =	vld.idx.msk [tilespmem:v26+s15+$0x0], $0xffff  }
0x1bb: {  	s11 =	sadd.s32 $0x2E00, s12;
	s0 =	simm.s32 $0x3040;
	s8 =	sand.u32 $0x280, s8;
	v26 =	vor.u32 v3, v11;
	v16 =	vld.idx.msk [tilespmem:v16+s15+$0x0], $0xffff;
	[tilespmem:s7+$0x10] =	vst v21  }
0x1bc: {  	s10 =	simm.s32 $0x300;
	s5 =	sadd.s32 s8, s11;
	[tilespmem:s0+$0xFFFFFFC0] =	vst v24;
	v21 =	vor.u32 v5, v18;
	v24 =	vld.idx.msk [tilespmem:v27+s15+$0x0], $0xffff  }
0x1bd: {  	s14 =	sand.u32 $0x300, s10;
	[tilespmem:s5+$0x0] =	vst v25;
	v25 =	vld.idx.msk [tilespmem:v28+s15+$0x0], $0xffff;
	v27 =	vor.u32 v5, v20  }
0x1be: {  	s12 =	simm.s32 $0x7;
	s10 =	sadd.s32 s14, s11;
	v14 =	vld.idx.msk [tilespmem:v14+s15+$0x0], $0xffff;
	[tilespmem:s3+$0x0] =	vst v15;
	v15 =	vor.u32 v7, v19  }
0x1bf: {  	v29 =	vor.u32 v4, v12;
	v28 =	vmov s12;
	[tilespmem:s10+$0x0] =	vst v13;
	v23 =	vld.idx.msk [tilespmem:v23+s15+$0x0], $0xffff  }
0x1c0: {  	v13 =	vand.u32 $0x1F, v28;
	v26 =	vld.idx.msk [tilespmem:v26+s15+$0x0], $0xffff;
	[tilespmem:s9+$0x20] =	vst v16;
	v16 =	vor.u32 v4, v10  }
0x1c1: {  	v13 =	vbroadcast v13, $0x0;
	v21 =	vld.idx.msk [tilespmem:v21+s15+$0x0], $0xffff;
	[tilespmem:s7+$0x20] =	vst v24;
	v24 =	vor.u32 v8, v17  }
0x1c2: {  	v30 =	vor.u32 v6, v18;
	[tilespmem:s24+$0x40] =	vst v22;
	v22 =	vld.idx.msk [tilespmem:v27+s15+$0x0], $0xffff  }
0x1c3: {  	s16 =	simm.s32 $0x8;
	v27 =	vor.u32 v0, v13;
	[tilespmem:s5+$0x10] =	vst v14;
	v28 =	vld.idx.msk [tilespmem:v15+s15+$0x0], $0xffff  }
0x1c4: {  	s21 =	simm.s32 $0x9;
	v31 =	vor.u32 v6, v20;
	[tilespmem:s0+$0xFFFFFFD0] =	vst v25;
	v14 =	vmov s16;
	v25 =	vld.idx.msk [tilespmem:v29+s15+$0x0], $0xffff  }
0x1c5: {  	v14 =	vand.u32 $0x1C, v14;
	v15 =	vmov s21;
	v29 =	vor.u32 v5, v12;
	[tilespmem:s3+$0x10] =	vst v23;
	v23 =	vld.idx.msk [tilespmem:v16+s15+$0x0], $0xffff  }
0x1c6: {  	s23 =	simm.s32 $0xA;
	v32 =	vor.u32 v8, v19;
	v14 =	vbroadcast v14, $0x0;
	v15 =	vand.u32 $0x1D, v15;
	[tilespmem:s9+$0x30] =	vst v21;
	v24 =	vld.idx.msk [tilespmem:v24+s15+$0x0], $0xffff  }
0x1c7: {  	v16 =	vmov s23;
	v15 =	vbroadcast v15, $0x0;
	v21 =	vor.u32 v5, v10;
	v30 =	vld.idx.msk [tilespmem:v30+s15+$0x0], $0xffff  }
0x1c8: {  	v16 =	vand.u32 $0x1E, v16;
	v27 =	vld.idx.msk [tilespmem:v27+s15+$0x0], $0xffff;
	[tilespmem:s7+$0x30] =	vst v22;
	v22 =	vor.u32 v0, v14  }
0x1c9: {  	v16 =	vbroadcast v16, $0x0;
	v33 =	vor.u32 v0, v15;
	[tilespmem:s5+$0x20] =	vst v25;
	v25 =	vld.idx.msk [tilespmem:v31+s15+$0x0], $0xffff  }
0x1ca: {  	v31 =	vor.u32 v3, v13;
	[tilespmem:s24+$0x50] =	vst v28;
	v29 =	vld.idx.msk [tilespmem:v29+s15+$0x0], $0xffff  }
0x1cb: {  	s25 =	simm.s32 $0x380;
	v28 =	vor.u32 v0, v16;
	[tilespmem:s0+$0xFFFFFFE0] =	vst v23;
	v23 =	vld.idx.msk [tilespmem:v32+s15+$0x0], $0xffff  }
0x1cc: {  	s8 =	sand.u32 $0x380, s25;
	[tilespmem:s10+$0x10] =	vst v26;
	v26 =	vor.u32 v6, v12;
	v21 =	vld.idx.msk [tilespmem:v21+s15+$0x0], $0xffff  }
0x1cd: {  	s11 =	sadd.s32 s8, s11;
	v19 =	vor.u32 v9, v19;
	[tilespmem:s9+$0x40] =	vst v30;
	v22 =	vld.idx.msk [tilespmem:v22+s15+$0x0], $0xffff  }
0x1ce: {  	v30 =	vor.u32 v7, v18;
	[tilespmem:s11+$0x0] =	vst v27;
	v27 =	vld.idx.msk [tilespmem:v33+s15+$0x0], $0xffff  }
0x1cf: {  	v61 =	vor.u32 v7, v20;
	v31 =	vld.idx.msk [tilespmem:v31+s15+$0x0], $0xffff;
	[tilespmem:s7+$0x40] =	vst v25  }
0x1d0: {  	v25 =	vld.idx.msk [tilespmem:v28+s15+$0x0], $0xffff;
	v28 =	vor.u32 v6, v10;
	[tilespmem:s5+$0x30] =	vst v29  }
0x1d1: {  	s26 =	simm.s32 $0x400;
	v29 =	vor.u32 v3, v14;
	[tilespmem:s24+$0x60] =	vst v23;
	v26 =	vld.idx.msk [tilespmem:v26+s15+$0x0], $0xffff  }
0x1d2: {  	s14 =	simm.s32 $0x480;
	s8 =	sand.u32 $0xC00, s26;
	s12 =	simm.s32 $0x3240;
	v23 =	vor.u32 v4, v11;
	[tilespmem:s0+$0xFFFFFFF0] =	vst v21;
	v19 =	vld.idx.msk [tilespmem:v19+s15+$0x0], $0xffff  }
0x1d3: {  	s14 =	sand.u32 $0x280, s14;
	s26 =	sadd.s32 $0x2E00, s8;
	v21 =	vor.u32 v3, v15;
	[tilespmem:s12+$0xFFFFFFC0] =	vst v22;
	v22 =	vld.idx.msk [tilespmem:v30+s15+$0x0], $0xffff  }
0x1d4: {  	s25 =	sadd.s32 s14, s26;
	v17 =	vor.u32 v9, v17;
	[tilespmem:s3+$0x20] =	vst v24;
	v30 =	vld.idx.msk [tilespmem:v61+s15+$0x0], $0xffff  }
0x1d5: {  	[tilespmem:s25+$0x0] =	vst v27;
	v27 =	vor.u32 v4, v13;
	v28 =	vld.idx.msk [tilespmem:v28+s15+$0x0], $0xffff  }
0x1d6: {  	s30 =	simm.s32 $0x500;
	v24 =	vor.u32 v8, v18;
	[tilespmem:s11+$0x10] =	vst v31;
	v62 =	vld.idx.msk [tilespmem:v29+s15+$0x0], $0xffff  }
0x1d7: {  	s8 =	sand.u32 $0x300, s30;
	v29 =	vor.u32 v7, v10;
	v23 =	vld.idx.msk [tilespmem:v23+s15+$0x0], $0xffff;
	[tilespmem:s5+$0x40] =	vst v26  }
0x1d8: {  	v34 =	vor.u32 v7, v12;
	v31 =	vld.idx.msk [tilespmem:v21+s15+$0x0], $0xffff;
	[tilespmem:s24+$0x70] =	vst v19;
	s24 =	sadd.s32 s8, s26  }
0x1d9: {  	v26 =	vor.u32 v3, v16;
	v21 =	vld.idx.msk [tilespmem:v17+s15+$0x0], $0xffff;
	[tilespmem:s24+$0x0] =	vst v25  }
0x1da: {  	v19 =	vor.u32 v5, v11;
	v27 =	vld.idx.msk [tilespmem:v27+s15+$0x0], $0xffff;
	[tilespmem:s9+$0x50] =	vst v22  }
0x1db: {  	v22 =	vor.u32 v8, v20;
	v24 =	vld.idx.msk [tilespmem:v24+s15+$0x0], $0xffff;
	[tilespmem:s0+$0x0] =	vst v28  }
0x1dc: {  	s31 =	simm.s32 $0xB;
	[tilespmem:s7+$0x50] =	vst v30;
	v28 =	vor.u32 v5, v13;
	v25 =	vld.idx.msk [tilespmem:v29+s15+$0x0], $0xffff  }
0x1dd: {  	v17 =	vmov s31;
	v30 =	vor.u32 v9, v18;
	[tilespmem:s10+$0x20] =	vst v23;
	v23 =	vld.idx.msk [tilespmem:v34+s15+$0x0], $0xffff  }
0x1de: {  	v35 =	vor.u32 v4, v15;
	v17 =	vand.u32 $0x1F, v17;
	[tilespmem:s12+$0xFFFFFFD0] =	vst v62;
	v63 =	vld.idx.msk [tilespmem:v26+s15+$0x0], $0xffff  }
0x1df: {  	v17 =	vbroadcast v17, $0x0;
	[tilespmem:s25+$0x10] =	vst v31;
	v29 =	vld.idx.msk [tilespmem:v19+s15+$0x0], $0xffff  }
0x1e0: {  	v18 =	vor.u32 v6, v13;
	v31 =	vor.u32 v4, v14;
	[tilespmem:s11+$0x20] =	vst v27;
	v27 =	vld.idx.msk [tilespmem:v22+s15+$0x0], $0xffff  }
0x1e1: {  	v32 =	vor.u32 v0, v17;
	v22 =	vor.u32 v8, v10;
	v28 =	vld.idx.msk [tilespmem:v28+s15+$0x0], $0xffff;
	[tilespmem:s9+$0x60] =	vst v24  }
0x1e2: {  	v19 =	vor.u32 v4, v16;
	v24 =	vor.u32 v9, v20;
	v26 =	vld.idx.msk [tilespmem:v30+s15+$0x0], $0xffff;
	[tilespmem:s0+$0x10] =	vst v25  }
0x1e3: {  	s16 =	simm.s32 $0x580;
	s23 =	simm.s32 $0xC;
	v20 =	vor.u32 v6, v17;
	v25 =	vld.idx.msk [tilespmem:v35+s15+$0x0], $0xffff;
	v30 =	vor.u32 v6, v11;
	[tilespmem:s24+$0x10] =	vst v63  }
.LBB2_15:
0x1e4: {  	s8 =	sadd.s32 $0x1, s23  }
0x1e5: {  	v33 =	vmov s23;
	p0 =	slt.u32 s23, $0x1C;
	v31 =	vld.idx.msk [tilespmem:v31+s15+$0x0], $0xffff;
	v34 =	vor.u32 v8, v12;
	[tilespmem:s10+$0x30] =	vst v29;
	s14 =	smov.u32 s23;
	s23 =	sadd.s32 $0x4, s23  }
0x1e6: {  	v35 =	vor.u32 v5, v15;
	v29 =	vand.u32 $0x1C, v33;
	v33 =	vmov s8;
	s8 =	sadd.s32 $0x2, s14;
	v22 =	vld.idx.msk [tilespmem:v22+s15+$0x0], $0xffff;
	[tilespmem:s7+$0x60] =	vst v27  }
0x1e7: {  	v27 =	vbroadcast v29, $0x0;
	v29 =	vand.u32 $0x1D, v33;
	v33 =	vmov s8;
	[tilespmem:s11+$0x30] =	vst v28;
	v24 =	vld.idx.msk [tilespmem:v24+s15+$0x0], $0xffff  }
0x1e8: {  	v28 =	vbroadcast v29, $0x0;
	v29 =	vand.u32 $0x1E, v33;
	v33 =	vor.u32 v5, v14;
	v32 =	vld.idx.msk [tilespmem:v32+s15+$0x0], $0xffff;
	[tilespmem:s9+$0x70] =	vst v26;
	s9 =	smov.u32 s10;
	s10 =	smov.u32 s24  }
0x1e9: {  	v26 =	vor.u32 v0, v27;
	v29 =	vbroadcast v29, $0x0;
	v30 =	vld.idx.msk [tilespmem:v30+s15+$0x0], $0xffff;
	[tilespmem:s3+$0x30] =	vst v21;
	s3 =	smov.u32 s0;
	s0 =	smov.u32 s12  }
0x1ea: {  	v21 =	vor.u32 v0, v28;
	[tilespmem:s25+$0x20] =	vst v25;
	v25 =	vld.idx.msk [tilespmem:v18+s15+$0x0], $0xffff;
	v18 =	vmov v20  }
0x1eb: {  	v36 =	vor.u32 v3, v17;
	v20 =	vor.u32 v0, v29;
	v35 =	vld.idx.msk [tilespmem:v35+s15+$0x0], $0xffff;
	[tilespmem:s5+$0x50] =	vst v23  }
0x1ec: {  	s8 =	sand.u32 $0x380, s16;
	[tilespmem:s12+$0xFFFFFFE0] =	vst v31;
	v23 =	vld.idx.msk [tilespmem:v34+s15+$0x0], $0xffff  }
0x1ed: {  	v31 =	vld.idx.msk [tilespmem:v33+s15+$0x0], $0xffff;
	v33 =	vor.u32 v6, v15;
	[tilespmem:s7+$0x70] =	vst v24;
	s7 =	smov.u32 s11;
	s11 =	sadd.s32 s8, s26  }
0x1ee: {  	v24 =	vld.idx.msk [tilespmem:v26+s15+$0x0], $0xffff;
	[tilespmem:s11+$0x0] =	vst v32;
	v26 =	vor.u32 v9, v12;
	v12 =	vmov v15;
	v15 =	vmov v28  }
0x1ef: {  	v28 =	vor.u32 v7, v11;
	v21 =	vld.idx.msk [tilespmem:v21+s15+$0x0], $0xffff;
	[tilespmem:s9+$0x40] =	vst v30;
	v30 =	vor.u32 v7, v13  }
0x1f0: {  	s16 =	sadd.s32 $0x200, s16;
	v32 =	vor.u32 v3, v27;
	v34 =	vld.idx.msk [tilespmem:v36+s15+$0x0], $0xffff;
	[tilespmem:s7+$0x40] =	vst v25  }
0x1f1: {  	s8 =	sadd.s32 $0xFFFFFE80, s16;
	v25 =	vor.u32 v3, v15;
	v36 =	vor.u32 v6, v14;
	v20 =	vld.idx.msk [tilespmem:v20+s15+$0x0], $0xffff;
	[tilespmem:s25+$0x30] =	vst v35  }
0x1f2: {  	s21 =	sadd.s32 $0xFFFFFF00, s16;
	s12 =	sadd.s32 $0x200, s12;
	s8 =	sand.u32 $0xC00, s8;
	v35 =	vor.u32 v3, v29;
	v33 =	vld.idx.msk [tilespmem:v33+s15+$0x0], $0xffff;
	[tilespmem:s5+$0x60] =	vst v23  }
0x1f3: {  	s21 =	sand.u32 $0x280, s21;
	s26 =	sadd.s32 $0x2E00, s8;
	s8 =	sadd.s32 $0xFFFFFF80, s16;
	[tilespmem:s0+$0xFFFFFFF0] =	vst v31;
	v23 =	vld.idx.msk [tilespmem:v26+s15+$0x0], $0xffff  }
0x1f4: {  	s21 =	sadd.s32 s21, s26;
	s8 =	sand.u32 $0x300, s8;
	[tilespmem:s12+$0xFFFFFFC0] =	vst v24;
	v24 =	vld.idx.msk [tilespmem:v28+s15+$0x0], $0xffff  }
0x1f5: {  	s24 =	sadd.s32 s8, s26;
	[tilespmem:s21+$0x0] =	vst v21;
	v21 =	vor.u32 v4, v17;
	v26 =	vld.idx.msk [tilespmem:v30+s15+$0x0], $0xffff  }
0x1f6: {  	v28 =	vld.idx.msk [tilespmem:v36+s15+$0x0], $0xffff;
	[tilespmem:s3+$0x20] =	vst v22;
	v22 =	vor.u32 v8, v11  }
0x1f7: {  	v31 =	vor.u32 v9, v10;
	v10 =	vmov v14;
	v14 =	vmov v27;
	v30 =	vld.idx.msk [tilespmem:v32+s15+$0x0], $0xffff;
	[tilespmem:s11+$0x10] =	vst v34  }
0x1f8: {  	v27 =	vor.u32 v7, v10;
	v34 =	vor.u32 v4, v15;
	[tilespmem:s25+$0x40] =	vst v33;
	v32 =	vld.idx.msk [tilespmem:v19+s15+$0x0], $0xffff  }
0x1f9: {  	v19 =	vor.u32 v4, v29;
	v25 =	vld.idx.msk [tilespmem:v25+s15+$0x0], $0xffff;
	[tilespmem:s5+$0x70] =	vst v23;
	s5 =	smov.u32 s25;
	s25 =	smov.u32 s21  }
0x1fa: {  	v36 =	vor.u32 v8, v13;
	v23 =	vor.u32 v5, v16;
	v33 =	vld.idx.msk [tilespmem:v21+s15+$0x0], $0xffff;
	[tilespmem:s9+$0x50] =	vst v24  }
0x1fb: {  	v37 =	vld.idx.msk [tilespmem:v22+s15+$0x0], $0xffff;
	[tilespmem:s7+$0x50] =	vst v26  }
0x1fc: {  	v26 =	vor.u32 v5, v17;
	[tilespmem:s0+$0x0] =	vst v28;
	v21 =	vld.idx.msk [tilespmem:v31+s15+$0x0], $0xffff  }
0x1fd: {  	[tilespmem:s24+$0x0] =	vst v20;
	v38 =	vld.idx.msk [tilespmem:v27+s15+$0x0], $0xffff;
	v20 =	vor.u32 v9, v11;
	v11 =	vmov v16;
	v16 =	vmov v29  }
0x1fe: {  	v39 =	vor.u32 v7, v12;
	s8 =	sadd.s32 $0x3, s14;
	v35 =	vld.idx.msk [tilespmem:v35+s15+$0x0], $0xffff;
	[tilespmem:s10+$0x20] =	vst v32  }
0x1ff: {  	v24 =	vor.u32 v9, v13;
	v13 =	vmov v17;
	v22 =	vmov s8;
	[tilespmem:s25+$0x10] =	vst v25;
	v29 =	vld.idx.msk [tilespmem:v23+s15+$0x0], $0xffff  }
.Ltmp6:
0x200: {  	v31 =	vor.u32 v4, v14;
	v17 =	vand.u32 $0x1F, v22;
	[tilespmem:s11+$0x20] =	vst v33;
	v27 =	vld.idx.msk [tilespmem:v36+s15+$0x0], $0xffff;
	(pc) =	sbr.rel @p0 .LBB2_15-.Ltmp6, $4  }
0x201: {  	v22 =	vor.u32 v8, v10;
	v17 =	vbroadcast v17, $0x0;
	v28 =	vld.idx.msk [tilespmem:v26+s15+$0x0], $0xffff;
	[tilespmem:s9+$0x60] =	vst v37  }
0x202: {  	[tilespmem:s12+$0xFFFFFFD0] =	vst v30;
	v26 =	vld.idx.msk [tilespmem:v20+s15+$0x0], $0xffff  }
0x203: {  	v32 =	vor.u32 v0, v17;
	v20 =	vor.u32 v6, v17;
	[tilespmem:s0+$0x10] =	vst v38;
	v23 =	vld.idx.msk [tilespmem:v39+s15+$0x0], $0xffff  }
0x204: {  	v30 =	vor.u32 v6, v11;
	v25 =	vld.idx.msk [tilespmem:v34+s15+$0x0], $0xffff;
	[tilespmem:s24+$0x10] =	vst v35  }
0x205: {  	_ =	sdelay $0x3  }
0x206: {  	v32 =	vld.idx.msk [tilespmem:v32+s15+$0x0], $0xffff  }
0x207: {  	v33 =	vor.u32 v3, v17;
	[tilespmem:s10+$0x30] =	vst v29  }
0x208: {  	[tilespmem:s7+$0x60] =	vst v27  }
0x209: {  	s8 =	sand.u32 $0x380, s16;
	[tilespmem:s3+$0x30] =	vst v21  }
0x20a: {  	v55 =	vld.idx.msk [tilespmem:v31+s15+$0x0], $0xffff;
	s14 =	sadd.s32 s8, s26;
	[tilespmem:s11+$0x30] =	vst v28  }
0x20b: {  	v19 =	vld.idx.msk [tilespmem:v19+s15+$0x0], $0xffff;
	[tilespmem:s14+$0x0] =	vst v32  }
0x20c: {  	v58 =	vor.u32 v8, v12;
	[tilespmem:s9+$0x70] =	vst v26;
	v54 =	vld.idx.msk [tilespmem:v33+s15+$0x0], $0xffff  }
0x20d: {  	v56 =	vor.u32 v4, v17;
	v35 =	vld.idx.msk [tilespmem:v22+s15+$0x0], $0xffff;
	[tilespmem:s5+$0x50] =	vst v23  }
0x20e: {  	v57 =	vor.u32 v5, v15;
	v24 =	vld.idx.msk [tilespmem:v24+s15+$0x0], $0xffff;
	[tilespmem:s25+$0x20] =	vst v25  }
0x20f: {  	v60 =	vor.u32 v5, v16;
	v30 =	vld.idx.msk [tilespmem:v30+s15+$0x0], $0xffff;
	[tilespmem:s12+$0xFFFFFFE0] =	vst v55  }
0x210: {  	v59 =	vor.u32 v5, v14;
	v18 =	vld.idx.msk [tilespmem:v18+s15+$0x0], $0xffff;
	[tilespmem:s24+$0x20] =	vst v19  }
0x211: {  	v21 =	vld.idx.msk [tilespmem:v58+s15+$0x0], $0xffff;
	v32 =	vor.u32 v7, v11;
	[tilespmem:s14+$0x10] =	vst v54  }
0x212: {  	v39 =	vor.u32 v7, v13;
	[tilespmem:s0+$0x20] =	vst v35;
	v26 =	vld.idx.msk [tilespmem:v56+s15+$0x0], $0xffff  }
0x213: {  	v62 =	vor.u32 v5, v17;
	v61 =	vld.idx.msk [tilespmem:v57+s15+$0x0], $0xffff;
	[tilespmem:s7+$0x70] =	vst v24  }
0x214: {  	v63 =	vor.u32 v6, v15;
	[tilespmem:s10+$0x40] =	vst v30;
	v34 =	vld.idx.msk [tilespmem:v60+s15+$0x0], $0xffff  }
0x215: {  	v36 =	vor.u32 v6, v16;
	v25 =	vld.idx.msk [tilespmem:v59+s15+$0x0], $0xffff;
	[tilespmem:s11+$0x40] =	vst v18  }
0x216: {  	v33 =	vor.u32 v9, v12;
	[tilespmem:s5+$0x60] =	vst v21;
	v40 =	vld.idx.msk [tilespmem:v32+s15+$0x0], $0xffff  }
0x217: {  	v37 =	vor.u32 v6, v14;
	v21 =	vld.idx.msk [tilespmem:v39+s15+$0x0], $0xffff;
	[tilespmem:s14+$0x20] =	vst v26  }
0x218: {  	v41 =	vor.u32 v8, v11;
	[tilespmem:s25+$0x30] =	vst v61;
	v24 =	vld.idx.msk [tilespmem:v62+s15+$0x0], $0xffff  }
0x219: {  	v38 =	vld.idx.msk [tilespmem:v63+s15+$0x0], $0xffff;
	[tilespmem:s24+$0x30] =	vst v34  }
0x21a: {  	v42 =	vor.u32 v7, v15;
	[tilespmem:s12+$0xFFFFFFF0] =	vst v25;
	v43 =	vld.idx.msk [tilespmem:v36+s15+$0x0], $0xffff  }
0x21b: {  	v45 =	vor.u32 v7, v16;
	v12 =	vld.idx.msk [tilespmem:v33+s15+$0x0], $0xffff;
	[tilespmem:s10+$0x50] =	vst v40  }
0x21c: {  	v48 =	vor.u32 v8, v13;
	v44 =	vld.idx.msk [tilespmem:v37+s15+$0x0], $0xffff;
	[tilespmem:s11+$0x50] =	vst v21  }
0x21d: {  	v46 =	vor.u32 v7, v14;
	v49 =	vld.idx.msk [tilespmem:v41+s15+$0x0], $0xffff;
	[tilespmem:s14+$0x30] =	vst v24  }
0x21e: {  	v11 =	vor.u32 v9, v11;
	[tilespmem:s25+$0x40] =	vst v38;
	v20 =	vld.idx.msk [tilespmem:v20+s15+$0x0], $0xffff  }
0x21f: {  	v47 =	vor.u32 v7, v17;
	v18 =	vld.idx.msk [tilespmem:v42+s15+$0x0], $0xffff;
	[tilespmem:s24+$0x40] =	vst v43  }
0x220: {  	v50 =	vor.u32 v8, v15;
	[tilespmem:s5+$0x70] =	vst v12;
	v51 =	vld.idx.msk [tilespmem:v45+s15+$0x0], $0xffff  }
0x221: {  	v53 =	vor.u32 v8, v16;
	v12 =	vld.idx.msk [tilespmem:v48+s15+$0x0], $0xffff;
	[tilespmem:s12+$0x0] =	vst v44  }
0x222: {  	v10 =	vor.u32 v9, v10;
	v52 =	vld.idx.msk [tilespmem:v46+s15+$0x0], $0xffff;
	[tilespmem:s10+$0x60] =	vst v49  }
0x223: {  	v57 =	vor.u32 v9, v13;
	v11 =	vld.idx.msk [tilespmem:v11+s15+$0x0], $0xffff;
	[tilespmem:s14+$0x40] =	vst v20  }
0x224: {  	v54 =	vor.u32 v8, v14;
	[tilespmem:s25+$0x50] =	vst v18;
	v55 =	vld.idx.msk [tilespmem:v47+s15+$0x0], $0xffff  }
0x225: {  	v56 =	vor.u32 v8, v17;
	v18 =	vld.idx.msk [tilespmem:v50+s15+$0x0], $0xffff;
	[tilespmem:s24+$0x50] =	vst v51  }
0x226: {  	v58 =	vor.u32 v9, v15;
	[tilespmem:s11+$0x60] =	vst v12;
	v59 =	vld.idx.msk [tilespmem:v53+s15+$0x0], $0xffff  }
0x227: {  	v10 =	vld.idx.msk [tilespmem:v10+s15+$0x0], $0xffff;
	v61 =	vor.u32 v9, v16;
	[tilespmem:s12+$0x10] =	vst v52  }
0x228: {  	v13 =	vld.idx.msk [tilespmem:v57+s15+$0x0], $0xffff;
	[tilespmem:s10+$0x70] =	vst v11  }
0x229: {  	v60 =	vld.idx.msk [tilespmem:v54+s15+$0x0], $0xffff;
	[tilespmem:s14+$0x50] =	vst v55  }
0x22a: {  	v62 =	vor.u32 v9, v14;
	[tilespmem:s25+$0x60] =	vst v18;
	v63 =	vld.idx.msk [tilespmem:v56+s15+$0x0], $0xffff  }
0x22b: {  	v11 =	vor.u32 v9, v17;
	v15 =	vld.idx.msk [tilespmem:v58+s15+$0x0], $0xffff;
	[tilespmem:s24+$0x60] =	vst v59  }
0x22c: {  	[tilespmem:s0+$0x30] =	vst v10;
	v16 =	vld.idx.msk [tilespmem:v61+s15+$0x0], $0xffff  }
0x22d: {  	[tilespmem:s11+$0x70] =	vst v13  }
0x22e: {  	[tilespmem:s12+$0x20] =	vst v60  }
0x22f: {  	v12 =	vld.idx.msk [tilespmem:v62+s15+$0x0], $0xffff;
	[tilespmem:s14+$0x60] =	vst v63  }
0x230: {  	[tilespmem:s25+$0x70] =	vst v15;
	v10 =	vld.idx.msk [tilespmem:v11+s15+$0x0], $0xffff  }
0x231: {  	[tilespmem:s24+$0x70] =	vst v16  }
0x232: {  	s0 =	rddreg [dreg:$0x6]  }
0x233: {  	s0 =	sadd.s32 s0, s29  }
0x234: {  	[tilespmem:s12+$0x30] =	vst v12;
	s0 =	sshrl.u32 s0, $0x3  }
0x235: {  	s29 =	simm.s32 $0x2E00;
	s0 =	sadd.s32 s1, s0;
	[tilespmem:s14+$0x70] =	vst v10  }
0x236: {  	[hbm4b:s0+s19] =	stream.strided.scatter [tilespmem:s29], [sflag:$0x3], $0x1000, s20, s19, $0x38;
	[tilespmem:$0x4E00] =	vst v63  }
0x237: {  	_ =	swait.ge [sflag:s28], $0x1000  }
0x238: {  	[sflag:s28] =	ssyncset.done $0x0  }
0x239: {  	s30 =	simm.s32 $0x4;
	[sflag:s28] =	ssyncadd.s32 $0xFFFFF000  }
0x23a: {  	_ =	swait.ge [sflag:s30], $0x1000  }
0x23b: {  	s31 =	rddreg [dreg:$0xa]  }
0x23c: {  	s5 =	sadd.s32 $0x1, s31  }
0x23d: {  	p0 =	sne.s32 s5, $0x8  }
.Ltmp7:
0x23e: {  	_ = 	snop;
	(pc) =	sbr.rel @p0 .LBB2_2-.Ltmp7, $3  }
0x23f: {  	_ =	sdelay $0x1  }
0x240: {  	[sflag:s30] =	ssyncset.done $0x0  }
0x241: {  	[sflag:s30] =	ssyncadd.s32 $0xFFFFF000  }
0x242: {  	s3 =	rddreg [dreg:$0x9]  }
0x243: {  	s0 =	rddreg [dreg:$0x7];
	s3 =	sadd.s32 $0x1, s3  }
0x244: {  	p0 =	sne.s32 s3, s0  }
.Ltmp8:
0x245: {  	_ = 	snop;
	(pc) =	sbr.rel @p0 .LBB2_1-.Ltmp8, $1  }
0x246: {  	_ =	sdelay $0x3  }
0x247: {  	_ =	sfence.sel $0x180000  }
0x248: {  	[bflag:$0x0] =	sbarrier.arrive $0xFFFF  }
0x249: {  	_ =	strace $0x9000004A  }
0x24a: {  	s0 =	stileid.u32;
	[bflag:$0x2] =	sbarrier.arrive $0xFFFF  }
0x24b: {  	p0 =	sne.s32 s0, $0x0;
	s0 =	rddreg [dreg:$0x2]  }
0x24c: {  	s0 =	sadd.s32 @!p0 $0x100000, s0  }
0x24d: {  	[sflag:s0] =	ssyncadd.tile.s32 @!p0 $0x1;
	_ =	shalt  }
.Lfunc_end2:
_tile_overlayer_lowered:
.L_overlay_start_2:
0x24e: {  	(tag) =	ssettag $0x2  }
0x24f: {  	s0 =	rddreg [dreg:$0x0];
	s2 =	stileid.u32  }
0x250: {  	s1 =	rddreg [dreg:$0x1];
	p0 =	sne.s32 s2, $0x0  }
0x251: {  	s3 =	rddreg [dreg:$0x2];
	[bflag:$0x3] =	sbarrier.arrive $0xFFFF;
	s2 =	simm.s32 @!p0 $0x1C05  }
0x252: {  	[timem:s3], [sflag:s2] =	dma.local @!p0 [hbm:s0], s1  }
0x253: {  	s0 =	simm.s32 @!p0 $0x5  }
0x254: {  	_ =	swait.ge @!p0 [sflag:s0], s1  }
0x255: {  	s1 =	ssub.s32 @!p0 $0x0, s1;
	[sflag:s0] =	ssyncset.done @!p0 $0x0  }
0x256: {  	[sflag:s0] =	ssyncadd.s32 @!p0 s1  }
0x257: {  	[bflag:$0x3] =	sbarrier.arrive $0xFFFF  }
0x258: {  	_ =	shalt  }

</sc_bundles>
